<compile_context>
chip_gen: v7x
topology: tpu7x:2x2x1
jax: 0.10.2.dev20260603
libtpu: 0.0.44.dev20260713+nightly
codegen_flags: <defaults>
</compile_context>

<pallas_src>
import functools

import jax
import jax.numpy as jnp
from jax import lax
from jax.experimental import pallas as pl
from jax.experimental.pallas import tpu as pltpu
from jax.experimental.pallas import tpu_sc as plsc

ROWS = 100001
DESC_DIM = 128
TSE_DIM = 64
BATCH = 4096
HIST = 50
TOTAL = BATCH * HIST

ROW_BLOCK = 2048

NUM_CORES = 2
NUM_SUBCORES = 16
NW = NUM_CORES * NUM_SUBCORES
CHUNK = BATCH // NW

L_STRIDE = TSE_DIM * BATCH
I_STRIDE = 8 * BATCH
TILE_W = 8 * CHUNK
Y_STRIDE = CHUNK + 7


def _fuse_body(sem_ref, wt_ref, b_ref, idt_ref, out_ref):
    out_ref[:, pl.ds(0, TSE_DIM)] = (
        jnp.dot(sem_ref[...], wt_ref[...], preferred_element_type=jnp.float32)
        + b_ref[...]
        + idt_ref[...].T
    )


def _fused_table(sem, wt, b2, idt):
    grid = (pl.cdiv(ROWS, ROW_BLOCK),)
    return pl.pallas_call(
        _fuse_body,
        grid=grid,
        in_specs=[
            pl.BlockSpec((ROW_BLOCK, DESC_DIM), lambda i: (i, 0)),
            pl.BlockSpec((DESC_DIM, TSE_DIM), lambda i: (0, 0)),
            pl.BlockSpec((1, TSE_DIM), lambda i: (0, 0)),
            pl.BlockSpec((TSE_DIM, ROW_BLOCK), lambda i: (0, i)),
        ],
        out_specs=pl.BlockSpec((ROW_BLOCK, 2 * TSE_DIM), lambda i: (i, 0)),
        out_shape=jax.ShapeDtypeStruct((ROWS, 2 * TSE_DIM), jnp.float32),
    )(sem, wt, b2, idt)


def _gather(idx3, table):
    mesh = plsc.VectorSubcoreMesh(core_axis_name="c", subcore_axis_name="s")

    @functools.partial(
        pl.kernel,
        mesh=mesh,
        compiler_params=pltpu.CompilerParams(
            use_tc_tiling_on_sc=False,
            needs_layout_passes=False,
            disable_bounds_checks=True,
        ),
        out_type=jax.ShapeDtypeStruct((TOTAL * TSE_DIM // CHUNK, CHUNK), jnp.float32),
        scratch_types=[
            pltpu.VMEM((HIST, CHUNK), jnp.int32),
            pltpu.VMEM((CHUNK, TSE_DIM), jnp.float32),
            pltpu.VMEM((CHUNK, TSE_DIM), jnp.float32),
            pltpu.VMEM((TSE_DIM, Y_STRIDE), jnp.float32),
            pltpu.VMEM((TSE_DIM, Y_STRIDE), jnp.float32),
            pltpu.SemaphoreType.DMA,
            pltpu.SemaphoreType.DMA,
            pltpu.SemaphoreType.DMA,
            pltpu.SemaphoreType.DMA,
        ],
    )
    def k(idx_hbm, table_hbm, out_hbm, idx_v, g0, g1, y0, y1,
          gsem0, gsem1, wsem0, wsem1):
        wid = lax.axis_index("s") * NUM_CORES + lax.axis_index("c")
        pltpu.sync_copy(idx_hbm.at[wid], idx_v)

        iota = lax.iota(jnp.int32, 16)
        rowidx = [iota + seg * 16 for seg in range(4)]
        zeros16 = jnp.zeros((16,), jnp.int32)

        def transpose(g, y):
            def cbody(p, _):
                c0 = p * 8
                for dc in range(8):
                    c = c0 + dc
                    cvec = zeros16 + c
                    for seg in range(4):
                        v = g[c, pl.ds(seg * 16, 16)]
                        plsc.store_scatter(y, [rowidx[seg], cvec], v)
                return 0

            lax.fori_loop(0, CHUNK // 8, cbody, 0)

        def issue_writes(y, l, wsem):
            base = l * (L_STRIDE // CHUNK) + wid * (TILE_W // CHUNK)
            for i in range(8):
                pltpu.async_copy(
                    y.at[pl.ds(i * 8, 8), pl.ds(0, CHUNK)],
                    out_hbm.at[pl.ds(base + i * (I_STRIDE // CHUNK), 8)],
                    wsem,
                )

        def drain_writes(y, wsem):
            for _ in range(8):
                pltpu.make_async_copy(
                    y.at[pl.ds(0, 8), pl.ds(0, CHUNK)],
                    out_hbm.at[pl.ds(0, 8)],
                    wsem,
                ).wait()

        pltpu.async_copy(table_hbm.at[idx_v.at[0]], g0, gsem0)

        def pair_body(p, _):
            l0 = p * 2
            pltpu.make_async_copy(table_hbm.at[idx_v.at[l0]], g0, gsem0).wait()
            pltpu.async_copy(table_hbm.at[idx_v.at[l0 + 1]], g1, gsem1)

            @pl.when(p >= 1)
            def _():
                drain_writes(y0, wsem0)

            transpose(g0, y0)
            issue_writes(y0, l0, wsem0)

            pltpu.make_async_copy(
                table_hbm.at[idx_v.at[l0 + 1]], g1, gsem1
            ).wait()

            @pl.when(l0 + 2 < HIST)
            def _():
                pltpu.async_copy(table_hbm.at[idx_v.at[l0 + 2]], g0, gsem0)

            @pl.when(p >= 1)
            def _():
                drain_writes(y1, wsem1)

            transpose(g1, y1)
            issue_writes(y1, l0 + 1, wsem1)

            return 0

        lax.fori_loop(0, HIST // 2, pair_body, 0)
        drain_writes(y0, wsem0)
        drain_writes(y1, wsem1)

    return k(idx3, table)


def kernel(product_ids, semantic_table, fcn_W, fcn_b, id_table):
    wt = fcn_W.T
    b2 = fcn_b.reshape(1, TSE_DIM)
    idt = id_table.T
    table = _fused_table(semantic_table, wt, b2, idt)
    table2 = table.reshape(2 * ROWS, TSE_DIM)
    idx3 = (
        (product_ids.astype(jnp.int32) * 2).T.reshape(HIST, NW, CHUNK)
        .transpose(1, 0, 2)
    )
    out = _gather(idx3, table2)
    return (
        out.reshape(HIST, 8, NW, 8, CHUNK)
        .transpose(2, 4, 0, 1, 3)
        .reshape(BATCH, HIST, TSE_DIM)
    )

# --- scband reference (transcript-rebuilt; emitter-appended) ---
"""Pipeline reference for scband-desc-embedding-26474178412864 (READ-ONLY COPY).

The authoritative reference and input builder live on the scoring server;
editing this copy changes nothing except your own understanding.
"""

import jax, jax.numpy as jnp
import numpy as np

PRODUCT_NUM = 100000
DESC_DIM = 128
TSE_DIM = 64
BATCH = 4096
HIST = 50

def setup_inputs(seed: int = 0) -> dict:
    key = jax.random.key(seed)
    k1, k2, k3, k4, k5 = jax.random.split(key, 5)
    product_ids = jax.random.randint(k1, (BATCH, HIST), 0, PRODUCT_NUM)
    # semantic embedding table (product_num + 1 rows, padding_idx=0 -> row 0 is zeros)
    semantic_table = jax.random.normal(k2, (PRODUCT_NUM + 1, DESC_DIM), dtype=jnp.float32) * 0.02
    semantic_table = semantic_table.at[0].set(0.0)
    # id embedding table (product_num + 1 rows)
    id_table = jax.random.normal(k3, (PRODUCT_NUM + 1, TSE_DIM), dtype=jnp.float32) * 0.02
    # fcn: Linear(desc_tensor_dim_2 -> tse_embedding_dim)
    fcn_W = jax.random.normal(k4, (TSE_DIM, DESC_DIM), dtype=jnp.float32) * 0.05
    fcn_b = jax.random.normal(k5, (TSE_DIM,), dtype=jnp.float32) * 0.01
    return {"product_ids": product_ids, "semantic_table": semantic_table,
            "fcn_W": fcn_W, "fcn_b": fcn_b, "id_table": id_table}

def reference(product_ids, semantic_table, fcn_W, fcn_b, id_table):
    # embedding_flag == 3: semantic branch (fcn(semantic_emb)) + id branch (id_emb)
    # aggregation method != 'attention', so semantic lookup goes straight to fcn.
    sem = jnp.take(semantic_table, product_ids, axis=0)          # [B, L, DESC_DIM]
    sem_out = jnp.einsum('blf,of->blo', sem, fcn_W) + fcn_b       # [B, L, TSE_DIM]
    id_out = jnp.take(id_table, product_ids, axis=0)              # [B, L, TSE_DIM]
    return sem_out + id_out

if __name__ == "__main__":
    import jax
    _d = setup_inputs()
    print(jax.jit(kernel)(*tuple(_d.values())))

</pallas_src>

<mosaic_0001>
#map = affine_map<(d0, d1) -> (0, 0, 0)>
#map1 = affine_map<(d0, d1) -> (0, 0)>
module attributes {stable_mosaic.version = 14 : i64} {
  func.func @k(%arg0: i32, %arg1: i32, %arg2: memref<32x50x128xi32, #tpu.memory_space<hbm>>, %arg3: memref<200002x64xf32, #tpu.memory_space<hbm>>, %arg4: memref<102400x128xf32, #tpu.memory_space<hbm>>, %arg5: memref<50x128xi32, #tpu.memory_space<vmem>>, %arg6: memref<128x64xf32, #tpu.memory_space<vmem>>, %arg7: memref<128x64xf32, #tpu.memory_space<vmem>>, %arg8: memref<64x135xf32, #tpu.memory_space<vmem>>, %arg9: memref<64x135xf32, #tpu.memory_space<vmem>>, %arg10: memref<!tpu.dma_semaphore, #tpu.memory_space<semaphore_mem>>, %arg11: memref<!tpu.dma_semaphore, #tpu.memory_space<semaphore_mem>>, %arg12: memref<!tpu.dma_semaphore, #tpu.memory_space<semaphore_mem>>, %arg13: memref<!tpu.dma_semaphore, #tpu.memory_space<semaphore_mem>>) attributes {dimension_semantics = [#tpu.dimension_semantics<core_parallel>, #tpu.dimension_semantics<subcore_parallel>], iteration_bounds = array<i64: 2, 16>, scalar_prefetch = 0 : i64, scratch_operands = 9 : i64, tpu.core_type = #tpu.core_type<sc_vector_subcore>, window_params = [{transform_indices = #map}, {transform_indices = #map1}, {transform_indices = #map1}]} {
    %mul3A = arith.constant 2 : i32
    %mul3A_0 = arith.muli %arg1, %mul3A : i32
    %add3A = arith.addi %mul3A_0, %arg0 : i32
    "tpu.region"() ({
      %run_scoped3A = tpu.sem_alloc : memref<!tpu.dma_semaphore, #tpu.memory_space<semaphore_mem>>
      %dma_start3A_217 = arith.constant 0 : i32
      %dma_start3A_218 = arith.constant 0 : i32
      %dma_start3A_219 = tpu.memref_slice %arg2[%add3A, %dma_start3A_217, %dma_start3A_218] : memref<32x50x128xi32, #tpu.memory_space<hbm>> -> memref<1x50x128xi32, #tpu.memory_space<hbm>>
      %dma_start3A_220 = tpu.memref_squeeze %dma_start3A_219 : memref<1x50x128xi32, #tpu.memory_space<hbm>> -> memref<50x128xi32, #tpu.memory_space<hbm>>
      %dma_start3A_221 = arith.constant 0 : i32
      %dma_start3A_222 = arith.constant 0 : i32
      %dma_start3A_223 = tpu.memref_slice %arg2[%add3A, %dma_start3A_221, %dma_start3A_222] : memref<32x50x128xi32, #tpu.memory_space<hbm>> -> memref<1x50x128xi32, #tpu.memory_space<hbm>>
      %dma_start3A_224 = tpu.memref_squeeze %dma_start3A_223 : memref<1x50x128xi32, #tpu.memory_space<hbm>> -> memref<50x128xi32, #tpu.memory_space<hbm>>
      tpu.enqueue_dma source(%dma_start3A_224 : memref<50x128xi32, #tpu.memory_space<hbm>>) target(%arg5 : memref<50x128xi32, #tpu.memory_space<vmem>>) target_semaphore(%run_scoped3A : memref<!tpu.dma_semaphore, #tpu.memory_space<semaphore_mem>>)
      %dma_wait3A_225 = arith.constant 0 : i32
      %dma_wait3A_226 = arith.constant 0 : i32
      %dma_wait3A_227 = tpu.memref_slice %arg2[%add3A, %dma_wait3A_225, %dma_wait3A_226] : memref<32x50x128xi32, #tpu.memory_space<hbm>> -> memref<1x50x128xi32, #tpu.memory_space<hbm>>
      %dma_wait3A_228 = tpu.memref_squeeze %dma_wait3A_227 : memref<1x50x128xi32, #tpu.memory_space<hbm>> -> memref<50x128xi32, #tpu.memory_space<hbm>>
      %dma_wait3A_229 = arith.constant 0 : i32
      %dma_wait3A_230 = arith.constant 0 : i32
      %dma_wait3A_231 = tpu.memref_slice %arg2[%add3A, %dma_wait3A_229, %dma_wait3A_230] : memref<32x50x128xi32, #tpu.memory_space<hbm>> -> memref<1x50x128xi32, #tpu.memory_space<hbm>>
      %dma_wait3A_232 = tpu.memref_squeeze %dma_wait3A_231 : memref<1x50x128xi32, #tpu.memory_space<hbm>> -> memref<50x128xi32, #tpu.memory_space<hbm>>
      tpu.wait_dma2 semaphore(%run_scoped3A : memref<!tpu.dma_semaphore, #tpu.memory_space<semaphore_mem>>) src(%dma_wait3A_232 : memref<50x128xi32, #tpu.memory_space<hbm>>) dst(%arg5 : memref<50x128xi32, #tpu.memory_space<vmem>>)
      tpu.yield
    }) : () -> ()
    %iota3A = tpu.iota {dimensions = array<i32: 0>} : vector<16xi32>
    %add3A_1 = arith.constant 0 : i32
    %add3A_2 = vector.broadcast %add3A_1 : i32 to vector<16xi32>
    %add3A_3 = arith.addi %iota3A, %add3A_2 : vector<16xi32>
    %add3A_4 = arith.constant 16 : i32
    %add3A_5 = vector.broadcast %add3A_4 : i32 to vector<16xi32>
    %add3A_6 = arith.addi %iota3A, %add3A_5 : vector<16xi32>
    %add3A_7 = arith.constant 32 : i32
    %add3A_8 = vector.broadcast %add3A_7 : i32 to vector<16xi32>
    %add3A_9 = arith.addi %iota3A, %add3A_8 : vector<16xi32>
    %add3A_10 = arith.constant 48 : i32
    %add3A_11 = vector.broadcast %add3A_10 : i32 to vector<16xi32>
    %add3A_12 = arith.addi %iota3A, %add3A_11 : vector<16xi32>
    %broadcast_in_dim3A = arith.constant 0 : i32
    %broadcast_in_dim3A_13 = vector.broadcast %broadcast_in_dim3A : i32 to vector<16xi32>
    %dma_start3A = arith.constant 0 : i32
    %dma_start3A_14 = arith.constant 0 : i32
    %dma_start3A_15 = tpu.memref_slice %arg5[%dma_start3A, %dma_start3A_14] : memref<50x128xi32, #tpu.memory_space<vmem>> -> memref<1x128xi32, #tpu.memory_space<vmem>>
    %dma_start3A_16 = tpu.memref_squeeze %dma_start3A_15 : memref<1x128xi32, #tpu.memory_space<vmem>> -> memref<128xi32, #tpu.memory_space<vmem>>
    %dma_start3A_17 = arith.constant 0 : i32
    %dma_start3A_18 = arith.constant 0 : i32
    %dma_start3A_19 = tpu.memref_slice %arg3[%dma_start3A_17, %dma_start3A_18] : memref<200002x64xf32, #tpu.memory_space<hbm>> -> memref<200002x64xf32, #tpu.memory_space<hbm>>
    tpu.enqueue_indirect_dma source(%dma_start3A_19 : memref<200002x64xf32, #tpu.memory_space<hbm>>) target(%arg6 : memref<128x64xf32, #tpu.memory_space<vmem>>) offsets(%dma_start3A_16 : memref<128xi32, #tpu.memory_space<vmem>>) semaphore(%arg10 : memref<!tpu.dma_semaphore, #tpu.memory_space<semaphore_mem>>)
    %scan3A = arith.constant 0 : i32
    %scan3A_20 = arith.constant 0 : i32
    %scan3A_21 = arith.constant 25 : i32
    %scan3A_22 = arith.addi %scan3A_20, %scan3A_21 : i32
    %scan3A_23 = arith.constant 1 : i32
    %scan3A_24 = scf.for %scan3A_217 = %scan3A_20 to %scan3A_22 step %scan3A_23 iter_args(%scan3A_218 = %scan3A) -> (i32)  : i32 {
      %mul3A_219 = arith.constant 2 : i32
      %mul3A_220 = arith.muli %scan3A_217, %mul3A_219 : i32
      %dma_wait3A_221 = arith.constant 0 : i32
      %dma_wait3A_222 = tpu.memref_slice %arg5[%mul3A_220, %dma_wait3A_221] : memref<50x128xi32, #tpu.memory_space<vmem>> -> memref<1x128xi32, #tpu.memory_space<vmem>>
      %dma_wait3A_223 = tpu.memref_squeeze %dma_wait3A_222 : memref<1x128xi32, #tpu.memory_space<vmem>> -> memref<128xi32, #tpu.memory_space<vmem>>
      %dma_wait3A_224 = arith.constant 0 : i32
      %dma_wait3A_225 = arith.constant 0 : i32
      %dma_wait3A_226 = tpu.memref_slice %arg3[%dma_wait3A_224, %dma_wait3A_225] : memref<200002x64xf32, #tpu.memory_space<hbm>> -> memref<200002x64xf32, #tpu.memory_space<hbm>>
      tpu.wait_indirect_dma semaphore(%arg10 : memref<!tpu.dma_semaphore, #tpu.memory_space<semaphore_mem>>) src(%dma_wait3A_226 : memref<200002x64xf32, #tpu.memory_space<hbm>>) dst(%arg6 : memref<128x64xf32, #tpu.memory_space<vmem>>)
      %add3A_227 = arith.constant 1 : i32
      %add3A_228 = arith.addi %mul3A_220, %add3A_227 : i32
      %dma_start3A_229 = arith.constant 0 : i32
      %dma_start3A_230 = tpu.memref_slice %arg5[%add3A_228, %dma_start3A_229] : memref<50x128xi32, #tpu.memory_space<vmem>> -> memref<1x128xi32, #tpu.memory_space<vmem>>
      %dma_start3A_231 = tpu.memref_squeeze %dma_start3A_230 : memref<1x128xi32, #tpu.memory_space<vmem>> -> memref<128xi32, #tpu.memory_space<vmem>>
      %dma_start3A_232 = arith.constant 0 : i32
      %dma_start3A_233 = arith.constant 0 : i32
      %dma_start3A_234 = tpu.memref_slice %arg3[%dma_start3A_232, %dma_start3A_233] : memref<200002x64xf32, #tpu.memory_space<hbm>> -> memref<200002x64xf32, #tpu.memory_space<hbm>>
      tpu.enqueue_indirect_dma source(%dma_start3A_234 : memref<200002x64xf32, #tpu.memory_space<hbm>>) target(%arg7 : memref<128x64xf32, #tpu.memory_space<vmem>>) offsets(%dma_start3A_231 : memref<128xi32, #tpu.memory_space<vmem>>) semaphore(%arg11 : memref<!tpu.dma_semaphore, #tpu.memory_space<semaphore_mem>>)
      %ge3A = arith.constant 1 : i32
      %ge3A_235 = arith.cmpi sge, %scan3A_217, %ge3A : i32
      %convert_element_type3A = arith.extui %ge3A_235 : i1 to i32
      %cond3A = arith.constant 0 : i32
      %cond3A_236 = arith.cmpi ne, %convert_element_type3A, %cond3A : i32
      scf.if %cond3A_236 {
        %dma_wait3A_475 = arith.constant 0 : i32
        %dma_wait3A_476 = arith.constant 0 : i32
        %dma_wait3A_477 = tpu.memref_slice %arg8[%dma_wait3A_475, %dma_wait3A_476] : memref<64x135xf32, #tpu.memory_space<vmem>> -> memref<8x128xf32, #tpu.memory_space<vmem>>
        %dma_wait3A_478 = arith.constant 0 : i32
        %dma_wait3A_479 = arith.constant 0 : i32
        %dma_wait3A_480 = tpu.memref_slice %arg4[%dma_wait3A_478, %dma_wait3A_479] : memref<102400x128xf32, #tpu.memory_space<hbm>> -> memref<8x128xf32, #tpu.memory_space<hbm>>
        %dma_wait3A_481 = arith.constant 0 : i32
        %dma_wait3A_482 = arith.constant 0 : i32
        %dma_wait3A_483 = tpu.memref_slice %arg4[%dma_wait3A_481, %dma_wait3A_482] : memref<102400x128xf32, #tpu.memory_space<hbm>> -> memref<8x128xf32, #tpu.memory_space<hbm>>
        %dma_wait3A_484 = arith.constant 0 : i32
        %dma_wait3A_485 = arith.constant 0 : i32
        %dma_wait3A_486 = tpu.memref_slice %arg8[%dma_wait3A_484, %dma_wait3A_485] : memref<64x135xf32, #tpu.memory_space<vmem>> -> memref<8x128xf32, #tpu.memory_space<vmem>>
        tpu.wait_dma2 semaphore(%arg12 : memref<!tpu.dma_semaphore, #tpu.memory_space<semaphore_mem>>) src(%dma_wait3A_486 : memref<8x128xf32, #tpu.memory_space<vmem>>) dst(%dma_wait3A_483 : memref<8x128xf32, #tpu.memory_space<hbm>>)
        %dma_wait3A_487 = arith.constant 0 : i32
        %dma_wait3A_488 = arith.constant 0 : i32
        %dma_wait3A_489 = tpu.memref_slice %arg8[%dma_wait3A_487, %dma_wait3A_488] : memref<64x135xf32, #tpu.memory_space<vmem>> -> memref<8x128xf32, #tpu.memory_space<vmem>>
        %dma_wait3A_490 = arith.constant 0 : i32
        %dma_wait3A_491 = arith.constant 0 : i32
        %dma_wait3A_492 = tpu.memref_slice %arg4[%dma_wait3A_490, %dma_wait3A_491] : memref<102400x128xf32, #tpu.memory_space<hbm>> -> memref<8x128xf32, #tpu.memory_space<hbm>>
        %dma_wait3A_493 = arith.constant 0 : i32
        %dma_wait3A_494 = arith.constant 0 : i32
        %dma_wait3A_495 = tpu.memref_slice %arg4[%dma_wait3A_493, %dma_wait3A_494] : memref<102400x128xf32, #tpu.memory_space<hbm>> -> memref<8x128xf32, #tpu.memory_space<hbm>>
        %dma_wait3A_496 = arith.constant 0 : i32
        %dma_wait3A_497 = arith.constant 0 : i32
        %dma_wait3A_498 = tpu.memref_slice %arg8[%dma_wait3A_496, %dma_wait3A_497] : memref<64x135xf32, #tpu.memory_space<vmem>> -> memref<8x128xf32, #tpu.memory_space<vmem>>
        tpu.wait_dma2 semaphore(%arg12 : memref<!tpu.dma_semaphore, #tpu.memory_space<semaphore_mem>>) src(%dma_wait3A_498 : memref<8x128xf32, #tpu.memory_space<vmem>>) dst(%dma_wait3A_495 : memref<8x128xf32, #tpu.memory_space<hbm>>)
        %dma_wait3A_499 = arith.constant 0 : i32
        %dma_wait3A_500 = arith.constant 0 : i32
        %dma_wait3A_501 = tpu.memref_slice %arg8[%dma_wait3A_499, %dma_wait3A_500] : memref<64x135xf32, #tpu.memory_space<vmem>> -> memref<8x128xf32, #tpu.memory_space<vmem>>
        %dma_wait3A_502 = arith.constant 0 : i32
        %dma_wait3A_503 = arith.constant 0 : i32
        %dma_wait3A_504 = tpu.memref_slice %arg4[%dma_wait3A_502, %dma_wait3A_503] : memref<102400x128xf32, #tpu.memory_space<hbm>> -> memref<8x128xf32, #tpu.memory_space<hbm>>
        %dma_wait3A_505 = arith.constant 0 : i32
        %dma_wait3A_506 = arith.constant 0 : i32
        %dma_wait3A_507 = tpu.memref_slice %arg4[%dma_wait3A_505, %dma_wait3A_506] : memref<102400x128xf32, #tpu.memory_space<hbm>> -> memref<8x128xf32, #tpu.memory_space<hbm>>
        %dma_wait3A_508 = arith.constant 0 : i32
        %dma_wait3A_509 = arith.constant 0 : i32
        %dma_wait3A_510 = tpu.memref_slice %arg8[%dma_wait3A_508, %dma_wait3A_509] : memref<64x135xf32, #tpu.memory_space<vmem>> -> memref<8x128xf32, #tpu.memory_space<vmem>>
        tpu.wait_dma2 semaphore(%arg12 : memref<!tpu.dma_semaphore, #tpu.memory_space<semaphore_mem>>) src(%dma_wait3A_510 : memref<8x128xf32, #tpu.memory_space<vmem>>) dst(%dma_wait3A_507 : memref<8x128xf32, #tpu.memory_space<hbm>>)
        %dma_wait3A_511 = arith.constant 0 : i32
        %dma_wait3A_512 = arith.constant 0 : i32
        %dma_wait3A_513 = tpu.memref_slice %arg8[%dma_wait3A_511, %dma_wait3A_512] : memref<64x135xf32, #tpu.memory_space<vmem>> -> memref<8x128xf32, #tpu.memory_space<vmem>>
        %dma_wait3A_514 = arith.constant 0 : i32
        %dma_wait3A_515 = arith.constant 0 : i32
        %dma_wait3A_516 = tpu.memref_slice %arg4[%dma_wait3A_514, %dma_wait3A_515] : memref<102400x128xf32, #tpu.memory_space<hbm>> -> memref<8x128xf32, #tpu.memory_space<hbm>>
        %dma_wait3A_517 = arith.constant 0 : i32
        %dma_wait3A_518 = arith.constant 0 : i32
        %dma_wait3A_519 = tpu.memref_slice %arg4[%dma_wait3A_517, %dma_wait3A_518] : memref<102400x128xf32, #tpu.memory_space<hbm>> -> memref<8x128xf32, #tpu.memory_space<hbm>>
        %dma_wait3A_520 = arith.constant 0 : i32
        %dma_wait3A_521 = arith.constant 0 : i32
        %dma_wait3A_522 = tpu.memref_slice %arg8[%dma_wait3A_520, %dma_wait3A_521] : memref<64x135xf32, #tpu.memory_space<vmem>> -> memref<8x128xf32, #tpu.memory_space<vmem>>
        tpu.wait_dma2 semaphore(%arg12 : memref<!tpu.dma_semaphore, #tpu.memory_space<semaphore_mem>>) src(%dma_wait3A_522 : memref<8x128xf32, #tpu.memory_space<vmem>>) dst(%dma_wait3A_519 : memref<8x128xf32, #tpu.memory_space<hbm>>)
        %dma_wait3A_523 = arith.constant 0 : i32
        %dma_wait3A_524 = arith.constant 0 : i32
        %dma_wait3A_525 = tpu.memref_slice %arg8[%dma_wait3A_523, %dma_wait3A_524] : memref<64x135xf32, #tpu.memory_space<vmem>> -> memref<8x128xf32, #tpu.memory_space<vmem>>
        %dma_wait3A_526 = arith.constant 0 : i32
        %dma_wait3A_527 = arith.constant 0 : i32
        %dma_wait3A_528 = tpu.memref_slice %arg4[%dma_wait3A_526, %dma_wait3A_527] : memref<102400x128xf32, #tpu.memory_space<hbm>> -> memref<8x128xf32, #tpu.memory_space<hbm>>
        %dma_wait3A_529 = arith.constant 0 : i32
        %dma_wait3A_530 = arith.constant 0 : i32
        %dma_wait3A_531 = tpu.memref_slice %arg4[%dma_wait3A_529, %dma_wait3A_530] : memref<102400x128xf32, #tpu.memory_space<hbm>> -> memref<8x128xf32, #tpu.memory_space<hbm>>
        %dma_wait3A_532 = arith.constant 0 : i32
        %dma_wait3A_533 = arith.constant 0 : i32
        %dma_wait3A_534 = tpu.memref_slice %arg8[%dma_wait3A_532, %dma_wait3A_533] : memref<64x135xf32, #tpu.memory_space<vmem>> -> memref<8x128xf32, #tpu.memory_space<vmem>>
        tpu.wait_dma2 semaphore(%arg12 : memref<!tpu.dma_semaphore, #tpu.memory_space<semaphore_mem>>) src(%dma_wait3A_534 : memref<8x128xf32, #tpu.memory_space<vmem>>) dst(%dma_wait3A_531 : memref<8x128xf32, #tpu.memory_space<hbm>>)
        %dma_wait3A_535 = arith.constant 0 : i32
        %dma_wait3A_536 = arith.constant 0 : i32
        %dma_wait3A_537 = tpu.memref_slice %arg8[%dma_wait3A_535, %dma_wait3A_536] : memref<64x135xf32, #tpu.memory_space<vmem>> -> memref<8x128xf32, #tpu.memory_space<vmem>>
        %dma_wait3A_538 = arith.constant 0 : i32
        %dma_wait3A_539 = arith.constant 0 : i32
        %dma_wait3A_540 = tpu.memref_slice %arg4[%dma_wait3A_538, %dma_wait3A_539] : memref<102400x128xf32, #tpu.memory_space<hbm>> -> memref<8x128xf32, #tpu.memory_space<hbm>>
        %dma_wait3A_541 = arith.constant 0 : i32
        %dma_wait3A_542 = arith.constant 0 : i32
        %dma_wait3A_543 = tpu.memref_slice %arg4[%dma_wait3A_541, %dma_wait3A_542] : memref<102400x128xf32, #tpu.memory_space<hbm>> -> memref<8x128xf32, #tpu.memory_space<hbm>>
        %dma_wait3A_544 = arith.constant 0 : i32
        %dma_wait3A_545 = arith.constant 0 : i32
        %dma_wait3A_546 = tpu.memref_slice %arg8[%dma_wait3A_544, %dma_wait3A_545] : memref<64x135xf32, #tpu.memory_space<vmem>> -> memref<8x128xf32, #tpu.memory_space<vmem>>
        tpu.wait_dma2 semaphore(%arg12 : memref<!tpu.dma_semaphore, #tpu.memory_space<semaphore_mem>>) src(%dma_wait3A_546 : memref<8x128xf32, #tpu.memory_space<vmem>>) dst(%dma_wait3A_543 : memref<8x128xf32, #tpu.memory_space<hbm>>)
        %dma_wait3A_547 = arith.constant 0 : i32
        %dma_wait3A_548 = arith.constant 0 : i32
        %dma_wait3A_549 = tpu.memref_slice %arg8[%dma_wait3A_547, %dma_wait3A_548] : memref<64x135xf32, #tpu.memory_space<vmem>> -> memref<8x128xf32, #tpu.memory_space<vmem>>
        %dma_wait3A_550 = arith.constant 0 : i32
        %dma_wait3A_551 = arith.constant 0 : i32
        %dma_wait3A_552 = tpu.memref_slice %arg4[%dma_wait3A_550, %dma_wait3A_551] : memref<102400x128xf32, #tpu.memory_space<hbm>> -> memref<8x128xf32, #tpu.memory_space<hbm>>
        %dma_wait3A_553 = arith.constant 0 : i32
        %dma_wait3A_554 = arith.constant 0 : i32
        %dma_wait3A_555 = tpu.memref_slice %arg4[%dma_wait3A_553, %dma_wait3A_554] : memref<102400x128xf32, #tpu.memory_space<hbm>> -> memref<8x128xf32, #tpu.memory_space<hbm>>
        %dma_wait3A_556 = arith.constant 0 : i32
        %dma_wait3A_557 = arith.constant 0 : i32
        %dma_wait3A_558 = tpu.memref_slice %arg8[%dma_wait3A_556, %dma_wait3A_557] : memref<64x135xf32, #tpu.memory_space<vmem>> -> memref<8x128xf32, #tpu.memory_space<vmem>>
        tpu.wait_dma2 semaphore(%arg12 : memref<!tpu.dma_semaphore, #tpu.memory_space<semaphore_mem>>) src(%dma_wait3A_558 : memref<8x128xf32, #tpu.memory_space<vmem>>) dst(%dma_wait3A_555 : memref<8x128xf32, #tpu.memory_space<hbm>>)
        %dma_wait3A_559 = arith.constant 0 : i32
        %dma_wait3A_560 = arith.constant 0 : i32
        %dma_wait3A_561 = tpu.memref_slice %arg8[%dma_wait3A_559, %dma_wait3A_560] : memref<64x135xf32, #tpu.memory_space<vmem>> -> memref<8x128xf32, #tpu.memory_space<vmem>>
        %dma_wait3A_562 = arith.constant 0 : i32
        %dma_wait3A_563 = arith.constant 0 : i32
        %dma_wait3A_564 = tpu.memref_slice %arg4[%dma_wait3A_562, %dma_wait3A_563] : memref<102400x128xf32, #tpu.memory_space<hbm>> -> memref<8x128xf32, #tpu.memory_space<hbm>>
        %dma_wait3A_565 = arith.constant 0 : i32
        %dma_wait3A_566 = arith.constant 0 : i32
        %dma_wait3A_567 = tpu.memref_slice %arg4[%dma_wait3A_565, %dma_wait3A_566] : memref<102400x128xf32, #tpu.memory_space<hbm>> -> memref<8x128xf32, #tpu.memory_space<hbm>>
        %dma_wait3A_568 = arith.constant 0 : i32
        %dma_wait3A_569 = arith.constant 0 : i32
        %dma_wait3A_570 = tpu.memref_slice %arg8[%dma_wait3A_568, %dma_wait3A_569] : memref<64x135xf32, #tpu.memory_space<vmem>> -> memref<8x128xf32, #tpu.memory_space<vmem>>
        tpu.wait_dma2 semaphore(%arg12 : memref<!tpu.dma_semaphore, #tpu.memory_space<semaphore_mem>>) src(%dma_wait3A_570 : memref<8x128xf32, #tpu.memory_space<vmem>>) dst(%dma_wait3A_567 : memref<8x128xf32, #tpu.memory_space<hbm>>)
      } else {
      }
      %scan3A_237 = arith.constant 0 : i32
      %scan3A_238 = arith.constant 0 : i32
      %scan3A_239 = arith.constant 16 : i32
      %scan3A_240 = arith.addi %scan3A_238, %scan3A_239 : i32
      %scan3A_241 = arith.constant 1 : i32
      %scan3A_242 = scf.for %scan3A_475 = %scan3A_238 to %scan3A_240 step %scan3A_241 iter_args(%scan3A_476 = %scan3A_237) -> (i32)  : i32 {
        %mul3A_477 = arith.constant 8 : i32
        %mul3A_478 = arith.muli %scan3A_475, %mul3A_477 : i32
        %add3A_479 = arith.constant 0 : i32
        %add3A_480 = arith.addi %mul3A_478, %add3A_479 : i32
        %add3A_481 = vector.broadcast %add3A_480 : i32 to vector<16xi32>
        %add3A_482 = arith.addi %broadcast_in_dim3A_13, %add3A_481 : vector<16xi32>
        %get3A = arith.index_cast %add3A_480 : i32 to index
        %get3A_483 = arith.constant 0 : index
        %get3A_484 = tpu.vector_load %arg6[%get3A, %get3A_483] {strides = array<i32>} : memref<128x64xf32, #tpu.memory_space<vmem>>, vector<16xf32>,
        tpu.vector_store_idx %arg8[%add3A_3, %add3A_482], %get3A_484 : memref<64x135xf32, #tpu.memory_space<vmem>>[vector<16xi32>, vector<16xi32>], vector<16xf32>,
        %get3A_485 = arith.index_cast %add3A_480 : i32 to index
        %get3A_486 = arith.constant 16 : index
        %get3A_487 = tpu.vector_load %arg6[%get3A_485, %get3A_486] {strides = array<i32>} : memref<128x64xf32, #tpu.memory_space<vmem>>, vector<16xf32>,
        tpu.vector_store_idx %arg8[%add3A_6, %add3A_482], %get3A_487 : memref<64x135xf32, #tpu.memory_space<vmem>>[vector<16xi32>, vector<16xi32>], vector<16xf32>,
        %get3A_488 = arith.index_cast %add3A_480 : i32 to index
        %get3A_489 = arith.constant 32 : index
        %get3A_490 = tpu.vector_load %arg6[%get3A_488, %get3A_489] {strides = array<i32>} : memref<128x64xf32, #tpu.memory_space<vmem>>, vector<16xf32>,
        tpu.vector_store_idx %arg8[%add3A_9, %add3A_482], %get3A_490 : memref<64x135xf32, #tpu.memory_space<vmem>>[vector<16xi32>, vector<16xi32>], vector<16xf32>,
        %get3A_491 = arith.index_cast %add3A_480 : i32 to index
        %get3A_492 = arith.constant 48 : index
        %get3A_493 = tpu.vector_load %arg6[%get3A_491, %get3A_492] {strides = array<i32>} : memref<128x64xf32, #tpu.memory_space<vmem>>, vector<16xf32>,
        tpu.vector_store_idx %arg8[%add3A_12, %add3A_482], %get3A_493 : memref<64x135xf32, #tpu.memory_space<vmem>>[vector<16xi32>, vector<16xi32>], vector<16xf32>,
        %add3A_494 = arith.constant 1 : i32
        %add3A_495 = arith.addi %mul3A_478, %add3A_494 : i32
        %add3A_496 = vector.broadcast %add3A_495 : i32 to vector<16xi32>
        %add3A_497 = arith.addi %broadcast_in_dim3A_13, %add3A_496 : vector<16xi32>
        %get3A_498 = arith.index_cast %add3A_495 : i32 to index
        %get3A_499 = arith.constant 0 : index
        %get3A_500 = tpu.vector_load %arg6[%get3A_498, %get3A_499] {strides = array<i32>} : memref<128x64xf32, #tpu.memory_space<vmem>>, vector<16xf32>,
        tpu.vector_store_idx %arg8[%add3A_3, %add3A_497], %get3A_500 : memref<64x135xf32, #tpu.memory_space<vmem>>[vector<16xi32>, vector<16xi32>], vector<16xf32>,
        %get3A_501 = arith.index_cast %add3A_495 : i32 to index
        %get3A_502 = arith.constant 16 : index
        %get3A_503 = tpu.vector_load %arg6[%get3A_501, %get3A_502] {strides = array<i32>} : memref<128x64xf32, #tpu.memory_space<vmem>>, vector<16xf32>,
        tpu.vector_store_idx %arg8[%add3A_6, %add3A_497], %get3A_503 : memref<64x135xf32, #tpu.memory_space<vmem>>[vector<16xi32>, vector<16xi32>], vector<16xf32>,
        %get3A_504 = arith.index_cast %add3A_495 : i32 to index
        %get3A_505 = arith.constant 32 : index
        %get3A_506 = tpu.vector_load %arg6[%get3A_504, %get3A_505] {strides = array<i32>} : memref<128x64xf32, #tpu.memory_space<vmem>>, vector<16xf32>,
        tpu.vector_store_idx %arg8[%add3A_9, %add3A_497], %get3A_506 : memref<64x135xf32, #tpu.memory_space<vmem>>[vector<16xi32>, vector<16xi32>], vector<16xf32>,
        %get3A_507 = arith.index_cast %add3A_495 : i32 to index
        %get3A_508 = arith.constant 48 : index
        %get3A_509 = tpu.vector_load %arg6[%get3A_507, %get3A_508] {strides = array<i32>} : memref<128x64xf32, #tpu.memory_space<vmem>>, vector<16xf32>,
        tpu.vector_store_idx %arg8[%add3A_12, %add3A_497], %get3A_509 : memref<64x135xf32, #tpu.memory_space<vmem>>[vector<16xi32>, vector<16xi32>], vector<16xf32>,
        %add3A_510 = arith.constant 2 : i32
        %add3A_511 = arith.addi %mul3A_478, %add3A_510 : i32
        %add3A_512 = vector.broadcast %add3A_511 : i32 to vector<16xi32>
        %add3A_513 = arith.addi %broadcast_in_dim3A_13, %add3A_512 : vector<16xi32>
        %get3A_514 = arith.index_cast %add3A_511 : i32 to index
        %get3A_515 = arith.constant 0 : index
        %get3A_516 = tpu.vector_load %arg6[%get3A_514, %get3A_515] {strides = array<i32>} : memref<128x64xf32, #tpu.memory_space<vmem>>, vector<16xf32>,
        tpu.vector_store_idx %arg8[%add3A_3, %add3A_513], %get3A_516 : memref<64x135xf32, #tpu.memory_space<vmem>>[vector<16xi32>, vector<16xi32>], vector<16xf32>,
        %get3A_517 = arith.index_cast %add3A_511 : i32 to index
        %get3A_518 = arith.constant 16 : index
        %get3A_519 = tpu.vector_load %arg6[%get3A_517, %get3A_518] {strides = array<i32>} : memref<128x64xf32, #tpu.memory_space<vmem>>, vector<16xf32>,
        tpu.vector_store_idx %arg8[%add3A_6, %add3A_513], %get3A_519 : memref<64x135xf32, #tpu.memory_space<vmem>>[vector<16xi32>, vector<16xi32>], vector<16xf32>,
        %get3A_520 = arith.index_cast %add3A_511 : i32 to index
        %get3A_521 = arith.constant 32 : index
        %get3A_522 = tpu.vector_load %arg6[%get3A_520, %get3A_521] {strides = array<i32>} : memref<128x64xf32, #tpu.memory_space<vmem>>, vector<16xf32>,
        tpu.vector_store_idx %arg8[%add3A_9, %add3A_513], %get3A_522 : memref<64x135xf32, #tpu.memory_space<vmem>>[vector<16xi32>, vector<16xi32>], vector<16xf32>,
        %get3A_523 = arith.index_cast %add3A_511 : i32 to index
        %get3A_524 = arith.constant 48 : index
        %get3A_525 = tpu.vector_load %arg6[%get3A_523, %get3A_524] {strides = array<i32>} : memref<128x64xf32, #tpu.memory_space<vmem>>, vector<16xf32>,
        tpu.vector_store_idx %arg8[%add3A_12, %add3A_513], %get3A_525 : memref<64x135xf32, #tpu.memory_space<vmem>>[vector<16xi32>, vector<16xi32>], vector<16xf32>,
        %add3A_526 = arith.constant 3 : i32
        %add3A_527 = arith.addi %mul3A_478, %add3A_526 : i32
        %add3A_528 = vector.broadcast %add3A_527 : i32 to vector<16xi32>
        %add3A_529 = arith.addi %broadcast_in_dim3A_13, %add3A_528 : vector<16xi32>
        %get3A_530 = arith.index_cast %add3A_527 : i32 to index
        %get3A_531 = arith.constant 0 : index
        %get3A_532 = tpu.vector_load %arg6[%get3A_530, %get3A_531] {strides = array<i32>} : memref<128x64xf32, #tpu.memory_space<vmem>>, vector<16xf32>,
        tpu.vector_store_idx %arg8[%add3A_3, %add3A_529], %get3A_532 : memref<64x135xf32, #tpu.memory_space<vmem>>[vector<16xi32>, vector<16xi32>], vector<16xf32>,
        %get3A_533 = arith.index_cast %add3A_527 : i32 to index
        %get3A_534 = arith.constant 16 : index
        %get3A_535 = tpu.vector_load %arg6[%get3A_533, %get3A_534] {strides = array<i32>} : memref<128x64xf32, #tpu.memory_space<vmem>>, vector<16xf32>,
        tpu.vector_store_idx %arg8[%add3A_6, %add3A_529], %get3A_535 : memref<64x135xf32, #tpu.memory_space<vmem>>[vector<16xi32>, vector<16xi32>], vector<16xf32>,
        %get3A_536 = arith.index_cast %add3A_527 : i32 to index
        %get3A_537 = arith.constant 32 : index
        %get3A_538 = tpu.vector_load %arg6[%get3A_536, %get3A_537] {strides = array<i32>} : memref<128x64xf32, #tpu.memory_space<vmem>>, vector<16xf32>,
        tpu.vector_store_idx %arg8[%add3A_9, %add3A_529], %get3A_538 : memref<64x135xf32, #tpu.memory_space<vmem>>[vector<16xi32>, vector<16xi32>], vector<16xf32>,
        %get3A_539 = arith.index_cast %add3A_527 : i32 to index
        %get3A_540 = arith.constant 48 : index
        %get3A_541 = tpu.vector_load %arg6[%get3A_539, %get3A_540] {strides = array<i32>} : memref<128x64xf32, #tpu.memory_space<vmem>>, vector<16xf32>,
        tpu.vector_store_idx %arg8[%add3A_12, %add3A_529], %get3A_541 : memref<64x135xf32, #tpu.memory_space<vmem>>[vector<16xi32>, vector<16xi32>], vector<16xf32>,
        %add3A_542 = arith.constant 4 : i32
        %add3A_543 = arith.addi %mul3A_478, %add3A_542 : i32
        %add3A_544 = vector.broadcast %add3A_543 : i32 to vector<16xi32>
        %add3A_545 = arith.addi %broadcast_in_dim3A_13, %add3A_544 : vector<16xi32>
        %get3A_546 = arith.index_cast %add3A_543 : i32 to index
        %get3A_547 = arith.constant 0 : index
        %get3A_548 = tpu.vector_load %arg6[%get3A_546, %get3A_547] {strides = array<i32>} : memref<128x64xf32, #tpu.memory_space<vmem>>, vector<16xf32>,
        tpu.vector_store_idx %arg8[%add3A_3, %add3A_545], %get3A_548 : memref<64x135xf32, #tpu.memory_space<vmem>>[vector<16xi32>, vector<16xi32>], vector<16xf32>,
        %get3A_549 = arith.index_cast %add3A_543 : i32 to index
        %get3A_550 = arith.constant 16 : index
        %get3A_551 = tpu.vector_load %arg6[%get3A_549, %get3A_550] {strides = array<i32>} : memref<128x64xf32, #tpu.memory_space<vmem>>, vector<16xf32>,
        tpu.vector_store_idx %arg8[%add3A_6, %add3A_545], %get3A_551 : memref<64x135xf32, #tpu.memory_space<vmem>>[vector<16xi32>, vector<16xi32>], vector<16xf32>,
        %get3A_552 = arith.index_cast %add3A_543 : i32 to index
        %get3A_553 = arith.constant 32 : index
        %get3A_554 = tpu.vector_load %arg6[%get3A_552, %get3A_553] {strides = array<i32>} : memref<128x64xf32, #tpu.memory_space<vmem>>, vector<16xf32>,
        tpu.vector_store_idx %arg8[%add3A_9, %add3A_545], %get3A_554 : memref<64x135xf32, #tpu.memory_space<vmem>>[vector<16xi32>, vector<16xi32>], vector<16xf32>,
        %get3A_555 = arith.index_cast %add3A_543 : i32 to index
        %get3A_556 = arith.constant 48 : index
        %get3A_557 = tpu.vector_load %arg6[%get3A_555, %get3A_556] {strides = array<i32>} : memref<128x64xf32, #tpu.memory_space<vmem>>, vector<16xf32>,
        tpu.vector_store_idx %arg8[%add3A_12, %add3A_545], %get3A_557 : memref<64x135xf32, #tpu.memory_space<vmem>>[vector<16xi32>, vector<16xi32>], vector<16xf32>,
        %add3A_558 = arith.constant 5 : i32
        %add3A_559 = arith.addi %mul3A_478, %add3A_558 : i32
        %add3A_560 = vector.broadcast %add3A_559 : i32 to vector<16xi32>
        %add3A_561 = arith.addi %broadcast_in_dim3A_13, %add3A_560 : vector<16xi32>
        %get3A_562 = arith.index_cast %add3A_559 : i32 to index
        %get3A_563 = arith.constant 0 : index
        %get3A_564 = tpu.vector_load %arg6[%get3A_562, %get3A_563] {strides = array<i32>} : memref<128x64xf32, #tpu.memory_space<vmem>>, vector<16xf32>,
        tpu.vector_store_idx %arg8[%add3A_3, %add3A_561], %get3A_564 : memref<64x135xf32, #tpu.memory_space<vmem>>[vector<16xi32>, vector<16xi32>], vector<16xf32>,
        %get3A_565 = arith.index_cast %add3A_559 : i32 to index
        %get3A_566 = arith.constant 16 : index
        %get3A_567 = tpu.vector_load %arg6[%get3A_565, %get3A_566] {strides = array<i32>} : memref<128x64xf32, #tpu.memory_space<vmem>>, vector<16xf32>,
        tpu.vector_store_idx %arg8[%add3A_6, %add3A_561], %get3A_567 : memref<64x135xf32, #tpu.memory_space<vmem>>[vector<16xi32>, vector<16xi32>], vector<16xf32>,
        %get3A_568 = arith.index_cast %add3A_559 : i32 to index
        %get3A_569 = arith.constant 32 : index
        %get3A_570 = tpu.vector_load %arg6[%get3A_568, %get3A_569] {strides = array<i32>} : memref<128x64xf32, #tpu.memory_space<vmem>>, vector<16xf32>,
        tpu.vector_store_idx %arg8[%add3A_9, %add3A_561], %get3A_570 : memref<64x135xf32, #tpu.memory_space<vmem>>[vector<16xi32>, vector<16xi32>], vector<16xf32>,
        %get3A_571 = arith.index_cast %add3A_559 : i32 to index
        %get3A_572 = arith.constant 48 : index
        %get3A_573 = tpu.vector_load %arg6[%get3A_571, %get3A_572] {strides = array<i32>} : memref<128x64xf32, #tpu.memory_space<vmem>>, vector<16xf32>,
        tpu.vector_store_idx %arg8[%add3A_12, %add3A_561], %get3A_573 : memref<64x135xf32, #tpu.memory_space<vmem>>[vector<16xi32>, vector<16xi32>], vector<16xf32>,
        %add3A_574 = arith.constant 6 : i32
        %add3A_575 = arith.addi %mul3A_478, %add3A_574 : i32
        %add3A_576 = vector.broadcast %add3A_575 : i32 to vector<16xi32>
        %add3A_577 = arith.addi %broadcast_in_dim3A_13, %add3A_576 : vector<16xi32>
        %get3A_578 = arith.index_cast %add3A_575 : i32 to index
        %get3A_579 = arith.constant 0 : index
        %get3A_580 = tpu.vector_load %arg6[%get3A_578, %get3A_579] {strides = array<i32>} : memref<128x64xf32, #tpu.memory_space<vmem>>, vector<16xf32>,
        tpu.vector_store_idx %arg8[%add3A_3, %add3A_577], %get3A_580 : memref<64x135xf32, #tpu.memory_space<vmem>>[vector<16xi32>, vector<16xi32>], vector<16xf32>,
        %get3A_581 = arith.index_cast %add3A_575 : i32 to index
        %get3A_582 = arith.constant 16 : index
        %get3A_583 = tpu.vector_load %arg6[%get3A_581, %get3A_582] {strides = array<i32>} : memref<128x64xf32, #tpu.memory_space<vmem>>, vector<16xf32>,
        tpu.vector_store_idx %arg8[%add3A_6, %add3A_577], %get3A_583 : memref<64x135xf32, #tpu.memory_space<vmem>>[vector<16xi32>, vector<16xi32>], vector<16xf32>,
        %get3A_584 = arith.index_cast %add3A_575 : i32 to index
        %get3A_585 = arith.constant 32 : index
        %get3A_586 = tpu.vector_load %arg6[%get3A_584, %get3A_585] {strides = array<i32>} : memref<128x64xf32, #tpu.memory_space<vmem>>, vector<16xf32>,
        tpu.vector_store_idx %arg8[%add3A_9, %add3A_577], %get3A_586 : memref<64x135xf32, #tpu.memory_space<vmem>>[vector<16xi32>, vector<16xi32>], vector<16xf32>,
        %get3A_587 = arith.index_cast %add3A_575 : i32 to index
        %get3A_588 = arith.constant 48 : index
        %get3A_589 = tpu.vector_load %arg6[%get3A_587, %get3A_588] {strides = array<i32>} : memref<128x64xf32, #tpu.memory_space<vmem>>, vector<16xf32>,
        tpu.vector_store_idx %arg8[%add3A_12, %add3A_577], %get3A_589 : memref<64x135xf32, #tpu.memory_space<vmem>>[vector<16xi32>, vector<16xi32>], vector<16xf32>,
        %add3A_590 = arith.constant 7 : i32
        %add3A_591 = arith.addi %mul3A_478, %add3A_590 : i32
        %add3A_592 = vector.broadcast %add3A_591 : i32 to vector<16xi32>
        %add3A_593 = arith.addi %broadcast_in_dim3A_13, %add3A_592 : vector<16xi32>
        %get3A_594 = arith.index_cast %add3A_591 : i32 to index
        %get3A_595 = arith.constant 0 : index
        %get3A_596 = tpu.vector_load %arg6[%get3A_594, %get3A_595] {strides = array<i32>} : memref<128x64xf32, #tpu.memory_space<vmem>>, vector<16xf32>,
        tpu.vector_store_idx %arg8[%add3A_3, %add3A_593], %get3A_596 : memref<64x135xf32, #tpu.memory_space<vmem>>[vector<16xi32>, vector<16xi32>], vector<16xf32>,
        %get3A_597 = arith.index_cast %add3A_591 : i32 to index
        %get3A_598 = arith.constant 16 : index
        %get3A_599 = tpu.vector_load %arg6[%get3A_597, %get3A_598] {strides = array<i32>} : memref<128x64xf32, #tpu.memory_space<vmem>>, vector<16xf32>,
        tpu.vector_store_idx %arg8[%add3A_6, %add3A_593], %get3A_599 : memref<64x135xf32, #tpu.memory_space<vmem>>[vector<16xi32>, vector<16xi32>], vector<16xf32>,
        %get3A_600 = arith.index_cast %add3A_591 : i32 to index
        %get3A_601 = arith.constant 32 : index
        %get3A_602 = tpu.vector_load %arg6[%get3A_600, %get3A_601] {strides = array<i32>} : memref<128x64xf32, #tpu.memory_space<vmem>>, vector<16xf32>,
        tpu.vector_store_idx %arg8[%add3A_9, %add3A_593], %get3A_602 : memref<64x135xf32, #tpu.memory_space<vmem>>[vector<16xi32>, vector<16xi32>], vector<16xf32>,
        %get3A_603 = arith.index_cast %add3A_591 : i32 to index
        %get3A_604 = arith.constant 48 : index
        %get3A_605 = tpu.vector_load %arg6[%get3A_603, %get3A_604] {strides = array<i32>} : memref<128x64xf32, #tpu.memory_space<vmem>>, vector<16xf32>,
        tpu.vector_store_idx %arg8[%add3A_12, %add3A_593], %get3A_605 : memref<64x135xf32, #tpu.memory_space<vmem>>[vector<16xi32>, vector<16xi32>], vector<16xf32>,
        %scan3A_606 = arith.constant 0 : i32
        scf.yield %scan3A_606 : i32
      }
      %scan3A_243 = arith.constant 16 : i32
      %mul3A_244 = arith.constant 2048 : i32
      %mul3A_245 = arith.muli %mul3A_220, %mul3A_244 : i32
      %mul3A_246 = arith.constant 8 : i32
      %mul3A_247 = arith.muli %add3A, %mul3A_246 : i32
      %add3A_248 = arith.addi %mul3A_245, %mul3A_247 : i32
      %add3A_249 = arith.constant 0 : i32
      %add3A_250 = arith.addi %add3A_248, %add3A_249 : i32
      %dma_start3A_251 = arith.constant 0 : i32
      %dma_start3A_252 = arith.constant 0 : i32
      %dma_start3A_253 = tpu.memref_slice %arg8[%dma_start3A_251, %dma_start3A_252] : memref<64x135xf32, #tpu.memory_space<vmem>> -> memref<8x128xf32, #tpu.memory_space<vmem>>
      %dma_start3A_254 = arith.constant 0 : i32
      %dma_start3A_255 = tpu.memref_slice %arg4[%add3A_250, %dma_start3A_254] : memref<102400x128xf32, #tpu.memory_space<hbm>> -> memref<8x128xf32, #tpu.memory_space<hbm>>
      %dma_start3A_256 = arith.constant 0 : i32
      %dma_start3A_257 = tpu.memref_slice %arg4[%add3A_250, %dma_start3A_256] : memref<102400x128xf32, #tpu.memory_space<hbm>> -> memref<8x128xf32, #tpu.memory_space<hbm>>
      %dma_start3A_258 = arith.constant 0 : i32
      %dma_start3A_259 = arith.constant 0 : i32
      %dma_start3A_260 = tpu.memref_slice %arg8[%dma_start3A_258, %dma_start3A_259] : memref<64x135xf32, #tpu.memory_space<vmem>> -> memref<8x128xf32, #tpu.memory_space<vmem>>
      tpu.enqueue_dma source(%dma_start3A_260 : memref<8x128xf32, #tpu.memory_space<vmem>>) target(%dma_start3A_257 : memref<8x128xf32, #tpu.memory_space<hbm>>) target_semaphore(%arg12 : memref<!tpu.dma_semaphore, #tpu.memory_space<semaphore_mem>>)
      %add3A_261 = arith.constant 256 : i32
      %add3A_262 = arith.addi %add3A_248, %add3A_261 : i32
      %dma_start3A_263 = arith.constant 8 : i32
      %dma_start3A_264 = arith.constant 0 : i32
      %dma_start3A_265 = tpu.memref_slice %arg8[%dma_start3A_263, %dma_start3A_264] : memref<64x135xf32, #tpu.memory_space<vmem>> -> memref<8x128xf32, #tpu.memory_space<vmem>>
      %dma_start3A_266 = arith.constant 0 : i32
      %dma_start3A_267 = tpu.memref_slice %arg4[%add3A_262, %dma_start3A_266] : memref<102400x128xf32, #tpu.memory_space<hbm>> -> memref<8x128xf32, #tpu.memory_space<hbm>>
      %dma_start3A_268 = arith.constant 0 : i32
      %dma_start3A_269 = tpu.memref_slice %arg4[%add3A_262, %dma_start3A_268] : memref<102400x128xf32, #tpu.memory_space<hbm>> -> memref<8x128xf32, #tpu.memory_space<hbm>>
      %dma_start3A_270 = arith.constant 8 : i32
      %dma_start3A_271 = arith.constant 0 : i32
      %dma_start3A_272 = tpu.memref_slice %arg8[%dma_start3A_270, %dma_start3A_271] : memref<64x135xf32, #tpu.memory_space<vmem>> -> memref<8x128xf32, #tpu.memory_space<vmem>>
      tpu.enqueue_dma source(%dma_start3A_272 : memref<8x128xf32, #tpu.memory_space<vmem>>) target(%dma_start3A_269 : memref<8x128xf32, #tpu.memory_space<hbm>>) target_semaphore(%arg12 : memref<!tpu.dma_semaphore, #tpu.memory_space<semaphore_mem>>)
      %add3A_273 = arith.constant 512 : i32
      %add3A_274 = arith.addi %add3A_248, %add3A_273 : i32
      %dma_start3A_275 = arith.constant 16 : i32
      %dma_start3A_276 = arith.constant 0 : i32
      %dma_start3A_277 = tpu.memref_slice %arg8[%dma_start3A_275, %dma_start3A_276] : memref<64x135xf32, #tpu.memory_space<vmem>> -> memref<8x128xf32, #tpu.memory_space<vmem>>
      %dma_start3A_278 = arith.constant 0 : i32
      %dma_start3A_279 = tpu.memref_slice %arg4[%add3A_274, %dma_start3A_278] : memref<102400x128xf32, #tpu.memory_space<hbm>> -> memref<8x128xf32, #tpu.memory_space<hbm>>
      %dma_start3A_280 = arith.constant 0 : i32
      %dma_start3A_281 = tpu.memref_slice %arg4[%add3A_274, %dma_start3A_280] : memref<102400x128xf32, #tpu.memory_space<hbm>> -> memref<8x128xf32, #tpu.memory_space<hbm>>
      %dma_start3A_282 = arith.constant 16 : i32
      %dma_start3A_283 = arith.constant 0 : i32
      %dma_start3A_284 = tpu.memref_slice %arg8[%dma_start3A_282, %dma_start3A_283] : memref<64x135xf32, #tpu.memory_space<vmem>> -> memref<8x128xf32, #tpu.memory_space<vmem>>
      tpu.enqueue_dma source(%dma_start3A_284 : memref<8x128xf32, #tpu.memory_space<vmem>>) target(%dma_start3A_281 : memref<8x128xf32, #tpu.memory_space<hbm>>) target_semaphore(%arg12 : memref<!tpu.dma_semaphore, #tpu.memory_space<semaphore_mem>>)
      %add3A_285 = arith.constant 768 : i32
      %add3A_286 = arith.addi %add3A_248, %add3A_285 : i32
      %dma_start3A_287 = arith.constant 24 : i32
      %dma_start3A_288 = arith.constant 0 : i32
      %dma_start3A_289 = tpu.memref_slice %arg8[%dma_start3A_287, %dma_start3A_288] : memref<64x135xf32, #tpu.memory_space<vmem>> -> memref<8x128xf32, #tpu.memory_space<vmem>>
      %dma_start3A_290 = arith.constant 0 : i32
      %dma_start3A_291 = tpu.memref_slice %arg4[%add3A_286, %dma_start3A_290] : memref<102400x128xf32, #tpu.memory_space<hbm>> -> memref<8x128xf32, #tpu.memory_space<hbm>>
      %dma_start3A_292 = arith.constant 0 : i32
      %dma_start3A_293 = tpu.memref_slice %arg4[%add3A_286, %dma_start3A_292] : memref<102400x128xf32, #tpu.memory_space<hbm>> -> memref<8x128xf32, #tpu.memory_space<hbm>>
      %dma_start3A_294 = arith.constant 24 : i32
      %dma_start3A_295 = arith.constant 0 : i32
      %dma_start3A_296 = tpu.memref_slice %arg8[%dma_start3A_294, %dma_start3A_295] : memref<64x135xf32, #tpu.memory_space<vmem>> -> memref<8x128xf32, #tpu.memory_space<vmem>>
      tpu.enqueue_dma source(%dma_start3A_296 : memref<8x128xf32, #tpu.memory_space<vmem>>) target(%dma_start3A_293 : memref<8x128xf32, #tpu.memory_space<hbm>>) target_semaphore(%arg12 : memref<!tpu.dma_semaphore, #tpu.memory_space<semaphore_mem>>)
      %add3A_297 = arith.constant 1024 : i32
      %add3A_298 = arith.addi %add3A_248, %add3A_297 : i32
      %dma_start3A_299 = arith.constant 32 : i32
      %dma_start3A_300 = arith.constant 0 : i32
      %dma_start3A_301 = tpu.memref_slice %arg8[%dma_start3A_299, %dma_start3A_300] : memref<64x135xf32, #tpu.memory_space<vmem>> -> memref<8x128xf32, #tpu.memory_space<vmem>>
      %dma_start3A_302 = arith.constant 0 : i32
      %dma_start3A_303 = tpu.memref_slice %arg4[%add3A_298, %dma_start3A_302] : memref<102400x128xf32, #tpu.memory_space<hbm>> -> memref<8x128xf32, #tpu.memory_space<hbm>>
      %dma_start3A_304 = arith.constant 0 : i32
      %dma_start3A_305 = tpu.memref_slice %arg4[%add3A_298, %dma_start3A_304] : memref<102400x128xf32, #tpu.memory_space<hbm>> -> memref<8x128xf32, #tpu.memory_space<hbm>>
      %dma_start3A_306 = arith.constant 32 : i32
      %dma_start3A_307 = arith.constant 0 : i32
      %dma_start3A_308 = tpu.memref_slice %arg8[%dma_start3A_306, %dma_start3A_307] : memref<64x135xf32, #tpu.memory_space<vmem>> -> memref<8x128xf32, #tpu.memory_space<vmem>>
      tpu.enqueue_dma source(%dma_start3A_308 : memref<8x128xf32, #tpu.memory_space<vmem>>) target(%dma_start3A_305 : memref<8x128xf32, #tpu.memory_space<hbm>>) target_semaphore(%arg12 : memref<!tpu.dma_semaphore, #tpu.memory_space<semaphore_mem>>)
      %add3A_309 = arith.constant 1280 : i32
      %add3A_310 = arith.addi %add3A_248, %add3A_309 : i32
      %dma_start3A_311 = arith.constant 40 : i32
      %dma_start3A_312 = arith.constant 0 : i32
      %dma_start3A_313 = tpu.memref_slice %arg8[%dma_start3A_311, %dma_start3A_312] : memref<64x135xf32, #tpu.memory_space<vmem>> -> memref<8x128xf32, #tpu.memory_space<vmem>>
      %dma_start3A_314 = arith.constant 0 : i32
      %dma_start3A_315 = tpu.memref_slice %arg4[%add3A_310, %dma_start3A_314] : memref<102400x128xf32, #tpu.memory_space<hbm>> -> memref<8x128xf32, #tpu.memory_space<hbm>>
      %dma_start3A_316 = arith.constant 0 : i32
      %dma_start3A_317 = tpu.memref_slice %arg4[%add3A_310, %dma_start3A_316] : memref<102400x128xf32, #tpu.memory_space<hbm>> -> memref<8x128xf32, #tpu.memory_space<hbm>>
      %dma_start3A_318 = arith.constant 40 : i32
      %dma_start3A_319 = arith.constant 0 : i32
      %dma_start3A_320 = tpu.memref_slice %arg8[%dma_start3A_318, %dma_start3A_319] : memref<64x135xf32, #tpu.memory_space<vmem>> -> memref<8x128xf32, #tpu.memory_space<vmem>>
      tpu.enqueue_dma source(%dma_start3A_320 : memref<8x128xf32, #tpu.memory_space<vmem>>) target(%dma_start3A_317 : memref<8x128xf32, #tpu.memory_space<hbm>>) target_semaphore(%arg12 : memref<!tpu.dma_semaphore, #tpu.memory_space<semaphore_mem>>)
      %add3A_321 = arith.constant 1536 : i32
      %add3A_322 = arith.addi %add3A_248, %add3A_321 : i32
      %dma_start3A_323 = arith.constant 48 : i32
      %dma_start3A_324 = arith.constant 0 : i32
      %dma_start3A_325 = tpu.memref_slice %arg8[%dma_start3A_323, %dma_start3A_324] : memref<64x135xf32, #tpu.memory_space<vmem>> -> memref<8x128xf32, #tpu.memory_space<vmem>>
      %dma_start3A_326 = arith.constant 0 : i32
      %dma_start3A_327 = tpu.memref_slice %arg4[%add3A_322, %dma_start3A_326] : memref<102400x128xf32, #tpu.memory_space<hbm>> -> memref<8x128xf32, #tpu.memory_space<hbm>>
      %dma_start3A_328 = arith.constant 0 : i32
      %dma_start3A_329 = tpu.memref_slice %arg4[%add3A_322, %dma_start3A_328] : memref<102400x128xf32, #tpu.memory_space<hbm>> -> memref<8x128xf32, #tpu.memory_space<hbm>>
      %dma_start3A_330 = arith.constant 48 : i32
      %dma_start3A_331 = arith.constant 0 : i32
      %dma_start3A_332 = tpu.memref_slice %arg8[%dma_start3A_330, %dma_start3A_331] : memref<64x135xf32, #tpu.memory_space<vmem>> -> memref<8x128xf32, #tpu.memory_space<vmem>>
      tpu.enqueue_dma source(%dma_start3A_332 : memref<8x128xf32, #tpu.memory_space<vmem>>) target(%dma_start3A_329 : memref<8x128xf32, #tpu.memory_space<hbm>>) target_semaphore(%arg12 : memref<!tpu.dma_semaphore, #tpu.memory_space<semaphore_mem>>)
      %add3A_333 = arith.constant 1792 : i32
      %add3A_334 = arith.addi %add3A_248, %add3A_333 : i32
      %dma_start3A_335 = arith.constant 56 : i32
      %dma_start3A_336 = arith.constant 0 : i32
      %dma_start3A_337 = tpu.memref_slice %arg8[%dma_start3A_335, %dma_start3A_336] : memref<64x135xf32, #tpu.memory_space<vmem>> -> memref<8x128xf32, #tpu.memory_space<vmem>>
      %dma_start3A_338 = arith.constant 0 : i32
      %dma_start3A_339 = tpu.memref_slice %arg4[%add3A_334, %dma_start3A_338] : memref<102400x128xf32, #tpu.memory_space<hbm>> -> memref<8x128xf32, #tpu.memory_space<hbm>>
      %dma_start3A_340 = arith.constant 0 : i32
      %dma_start3A_341 = tpu.memref_slice %arg4[%add3A_334, %dma_start3A_340] : memref<102400x128xf32, #tpu.memory_space<hbm>> -> memref<8x128xf32, #tpu.memory_space<hbm>>
      %dma_start3A_342 = arith.constant 56 : i32
      %dma_start3A_343 = arith.constant 0 : i32
      %dma_start3A_344 = tpu.memref_slice %arg8[%dma_start3A_342, %dma_start3A_343] : memref<64x135xf32, #tpu.memory_space<vmem>> -> memref<8x128xf32, #tpu.memory_space<vmem>>
      tpu.enqueue_dma source(%dma_start3A_344 : memref<8x128xf32, #tpu.memory_space<vmem>>) target(%dma_start3A_341 : memref<8x128xf32, #tpu.memory_space<hbm>>) target_semaphore(%arg12 : memref<!tpu.dma_semaphore, #tpu.memory_space<semaphore_mem>>)
      %add3A_345 = arith.constant 1 : i32
      %add3A_346 = arith.addi %mul3A_220, %add3A_345 : i32
      %dma_wait3A_347 = arith.constant 0 : i32
      %dma_wait3A_348 = tpu.memref_slice %arg5[%add3A_346, %dma_wait3A_347] : memref<50x128xi32, #tpu.memory_space<vmem>> -> memref<1x128xi32, #tpu.memory_space<vmem>>
      %dma_wait3A_349 = tpu.memref_squeeze %dma_wait3A_348 : memref<1x128xi32, #tpu.memory_space<vmem>> -> memref<128xi32, #tpu.memory_space<vmem>>
      %dma_wait3A_350 = arith.constant 0 : i32
      %dma_wait3A_351 = arith.constant 0 : i32
      %dma_wait3A_352 = tpu.memref_slice %arg3[%dma_wait3A_350, %dma_wait3A_351] : memref<200002x64xf32, #tpu.memory_space<hbm>> -> memref<200002x64xf32, #tpu.memory_space<hbm>>
      tpu.wait_indirect_dma semaphore(%arg11 : memref<!tpu.dma_semaphore, #tpu.memory_space<semaphore_mem>>) src(%dma_wait3A_352 : memref<200002x64xf32, #tpu.memory_space<hbm>>) dst(%arg7 : memref<128x64xf32, #tpu.memory_space<vmem>>)
      %add3A_353 = arith.constant 2 : i32
      %add3A_354 = arith.addi %mul3A_220, %add3A_353 : i32
      %lt3A = arith.constant 50 : i32
      %lt3A_355 = arith.cmpi slt, %add3A_354, %lt3A : i32
      %convert_element_type3A_356 = arith.extui %lt3A_355 : i1 to i32
      %cond3A_357 = arith.constant 0 : i32
      %cond3A_358 = arith.cmpi ne, %convert_element_type3A_356, %cond3A_357 : i32
      scf.if %cond3A_358 {
        %add3A_475 = arith.constant 2 : i32
        %add3A_476 = arith.addi %mul3A_220, %add3A_475 : i32
        %dma_start3A_477 = arith.constant 0 : i32
        %dma_start3A_478 = tpu.memref_slice %arg5[%add3A_476, %dma_start3A_477] : memref<50x128xi32, #tpu.memory_space<vmem>> -> memref<1x128xi32, #tpu.memory_space<vmem>>
        %dma_start3A_479 = tpu.memref_squeeze %dma_start3A_478 : memref<1x128xi32, #tpu.memory_space<vmem>> -> memref<128xi32, #tpu.memory_space<vmem>>
        %dma_start3A_480 = arith.constant 0 : i32
        %dma_start3A_481 = arith.constant 0 : i32
        %dma_start3A_482 = tpu.memref_slice %arg3[%dma_start3A_480, %dma_start3A_481] : memref<200002x64xf32, #tpu.memory_space<hbm>> -> memref<200002x64xf32, #tpu.memory_space<hbm>>
        tpu.enqueue_indirect_dma source(%dma_start3A_482 : memref<200002x64xf32, #tpu.memory_space<hbm>>) target(%arg6 : memref<128x64xf32, #tpu.memory_space<vmem>>) offsets(%dma_start3A_479 : memref<128xi32, #tpu.memory_space<vmem>>) semaphore(%arg10 : memref<!tpu.dma_semaphore, #tpu.memory_space<semaphore_mem>>)
      } else {
      }
      %ge3A_359 = arith.constant 1 : i32
      %ge3A_360 = arith.cmpi sge, %scan3A_217, %ge3A_359 : i32
      %convert_element_type3A_361 = arith.extui %ge3A_360 : i1 to i32
      %cond3A_362 = arith.constant 0 : i32
      %cond3A_363 = arith.cmpi ne, %convert_element_type3A_361, %cond3A_362 : i32
      scf.if %cond3A_363 {
        %dma_wait3A_475 = arith.constant 0 : i32
        %dma_wait3A_476 = arith.constant 0 : i32
        %dma_wait3A_477 = tpu.memref_slice %arg9[%dma_wait3A_475, %dma_wait3A_476] : memref<64x135xf32, #tpu.memory_space<vmem>> -> memref<8x128xf32, #tpu.memory_space<vmem>>
        %dma_wait3A_478 = arith.constant 0 : i32
        %dma_wait3A_479 = arith.constant 0 : i32
        %dma_wait3A_480 = tpu.memref_slice %arg4[%dma_wait3A_478, %dma_wait3A_479] : memref<102400x128xf32, #tpu.memory_space<hbm>> -> memref<8x128xf32, #tpu.memory_space<hbm>>
        %dma_wait3A_481 = arith.constant 0 : i32
        %dma_wait3A_482 = arith.constant 0 : i32
        %dma_wait3A_483 = tpu.memref_slice %arg4[%dma_wait3A_481, %dma_wait3A_482] : memref<102400x128xf32, #tpu.memory_space<hbm>> -> memref<8x128xf32, #tpu.memory_space<hbm>>
        %dma_wait3A_484 = arith.constant 0 : i32
        %dma_wait3A_485 = arith.constant 0 : i32
        %dma_wait3A_486 = tpu.memref_slice %arg9[%dma_wait3A_484, %dma_wait3A_485] : memref<64x135xf32, #tpu.memory_space<vmem>> -> memref<8x128xf32, #tpu.memory_space<vmem>>
        tpu.wait_dma2 semaphore(%arg13 : memref<!tpu.dma_semaphore, #tpu.memory_space<semaphore_mem>>) src(%dma_wait3A_486 : memref<8x128xf32, #tpu.memory_space<vmem>>) dst(%dma_wait3A_483 : memref<8x128xf32, #tpu.memory_space<hbm>>)
        %dma_wait3A_487 = arith.constant 0 : i32
        %dma_wait3A_488 = arith.constant 0 : i32
        %dma_wait3A_489 = tpu.memref_slice %arg9[%dma_wait3A_487, %dma_wait3A_488] : memref<64x135xf32, #tpu.memory_space<vmem>> -> memref<8x128xf32, #tpu.memory_space<vmem>>
        %dma_wait3A_490 = arith.constant 0 : i32
        %dma_wait3A_491 = arith.constant 0 : i32
        %dma_wait3A_492 = tpu.memref_slice %arg4[%dma_wait3A_490, %dma_wait3A_491] : memref<102400x128xf32, #tpu.memory_space<hbm>> -> memref<8x128xf32, #tpu.memory_space<hbm>>
        %dma_wait3A_493 = arith.constant 0 : i32
        %dma_wait3A_494 = arith.constant 0 : i32
        %dma_wait3A_495 = tpu.memref_slice %arg4[%dma_wait3A_493, %dma_wait3A_494] : memref<102400x128xf32, #tpu.memory_space<hbm>> -> memref<8x128xf32, #tpu.memory_space<hbm>>
        %dma_wait3A_496 = arith.constant 0 : i32
        %dma_wait3A_497 = arith.constant 0 : i32
        %dma_wait3A_498 = tpu.memref_slice %arg9[%dma_wait3A_496, %dma_wait3A_497] : memref<64x135xf32, #tpu.memory_space<vmem>> -> memref<8x128xf32, #tpu.memory_space<vmem>>
        tpu.wait_dma2 semaphore(%arg13 : memref<!tpu.dma_semaphore, #tpu.memory_space<semaphore_mem>>) src(%dma_wait3A_498 : memref<8x128xf32, #tpu.memory_space<vmem>>) dst(%dma_wait3A_495 : memref<8x128xf32, #tpu.memory_space<hbm>>)
        %dma_wait3A_499 = arith.constant 0 : i32
        %dma_wait3A_500 = arith.constant 0 : i32
        %dma_wait3A_501 = tpu.memref_slice %arg9[%dma_wait3A_499, %dma_wait3A_500] : memref<64x135xf32, #tpu.memory_space<vmem>> -> memref<8x128xf32, #tpu.memory_space<vmem>>
        %dma_wait3A_502 = arith.constant 0 : i32
        %dma_wait3A_503 = arith.constant 0 : i32
        %dma_wait3A_504 = tpu.memref_slice %arg4[%dma_wait3A_502, %dma_wait3A_503] : memref<102400x128xf32, #tpu.memory_space<hbm>> -> memref<8x128xf32, #tpu.memory_space<hbm>>
        %dma_wait3A_505 = arith.constant 0 : i32
        %dma_wait3A_506 = arith.constant 0 : i32
        %dma_wait3A_507 = tpu.memref_slice %arg4[%dma_wait3A_505, %dma_wait3A_506] : memref<102400x128xf32, #tpu.memory_space<hbm>> -> memref<8x128xf32, #tpu.memory_space<hbm>>
        %dma_wait3A_508 = arith.constant 0 : i32
        %dma_wait3A_509 = arith.constant 0 : i32
        %dma_wait3A_510 = tpu.memref_slice %arg9[%dma_wait3A_508, %dma_wait3A_509] : memref<64x135xf32, #tpu.memory_space<vmem>> -> memref<8x128xf32, #tpu.memory_space<vmem>>
        tpu.wait_dma2 semaphore(%arg13 : memref<!tpu.dma_semaphore, #tpu.memory_space<semaphore_mem>>) src(%dma_wait3A_510 : memref<8x128xf32, #tpu.memory_space<vmem>>) dst(%dma_wait3A_507 : memref<8x128xf32, #tpu.memory_space<hbm>>)
        %dma_wait3A_511 = arith.constant 0 : i32
        %dma_wait3A_512 = arith.constant 0 : i32
        %dma_wait3A_513 = tpu.memref_slice %arg9[%dma_wait3A_511, %dma_wait3A_512] : memref<64x135xf32, #tpu.memory_space<vmem>> -> memref<8x128xf32, #tpu.memory_space<vmem>>
        %dma_wait3A_514 = arith.constant 0 : i32
        %dma_wait3A_515 = arith.constant 0 : i32
        %dma_wait3A_516 = tpu.memref_slice %arg4[%dma_wait3A_514, %dma_wait3A_515] : memref<102400x128xf32, #tpu.memory_space<hbm>> -> memref<8x128xf32, #tpu.memory_space<hbm>>
        %dma_wait3A_517 = arith.constant 0 : i32
        %dma_wait3A_518 = arith.constant 0 : i32
        %dma_wait3A_519 = tpu.memref_slice %arg4[%dma_wait3A_517, %dma_wait3A_518] : memref<102400x128xf32, #tpu.memory_space<hbm>> -> memref<8x128xf32, #tpu.memory_space<hbm>>
        %dma_wait3A_520 = arith.constant 0 : i32
        %dma_wait3A_521 = arith.constant 0 : i32
        %dma_wait3A_522 = tpu.memref_slice %arg9[%dma_wait3A_520, %dma_wait3A_521] : memref<64x135xf32, #tpu.memory_space<vmem>> -> memref<8x128xf32, #tpu.memory_space<vmem>>
        tpu.wait_dma2 semaphore(%arg13 : memref<!tpu.dma_semaphore, #tpu.memory_space<semaphore_mem>>) src(%dma_wait3A_522 : memref<8x128xf32, #tpu.memory_space<vmem>>) dst(%dma_wait3A_519 : memref<8x128xf32, #tpu.memory_space<hbm>>)
        %dma_wait3A_523 = arith.constant 0 : i32
        %dma_wait3A_524 = arith.constant 0 : i32
        %dma_wait3A_525 = tpu.memref_slice %arg9[%dma_wait3A_523, %dma_wait3A_524] : memref<64x135xf32, #tpu.memory_space<vmem>> -> memref<8x128xf32, #tpu.memory_space<vmem>>
        %dma_wait3A_526 = arith.constant 0 : i32
        %dma_wait3A_527 = arith.constant 0 : i32
        %dma_wait3A_528 = tpu.memref_slice %arg4[%dma_wait3A_526, %dma_wait3A_527] : memref<102400x128xf32, #tpu.memory_space<hbm>> -> memref<8x128xf32, #tpu.memory_space<hbm>>
        %dma_wait3A_529 = arith.constant 0 : i32
        %dma_wait3A_530 = arith.constant 0 : i32
        %dma_wait3A_531 = tpu.memref_slice %arg4[%dma_wait3A_529, %dma_wait3A_530] : memref<102400x128xf32, #tpu.memory_space<hbm>> -> memref<8x128xf32, #tpu.memory_space<hbm>>
        %dma_wait3A_532 = arith.constant 0 : i32
        %dma_wait3A_533 = arith.constant 0 : i32
        %dma_wait3A_534 = tpu.memref_slice %arg9[%dma_wait3A_532, %dma_wait3A_533] : memref<64x135xf32, #tpu.memory_space<vmem>> -> memref<8x128xf32, #tpu.memory_space<vmem>>
        tpu.wait_dma2 semaphore(%arg13 : memref<!tpu.dma_semaphore, #tpu.memory_space<semaphore_mem>>) src(%dma_wait3A_534 : memref<8x128xf32, #tpu.memory_space<vmem>>) dst(%dma_wait3A_531 : memref<8x128xf32, #tpu.memory_space<hbm>>)
        %dma_wait3A_535 = arith.constant 0 : i32
        %dma_wait3A_536 = arith.constant 0 : i32
        %dma_wait3A_537 = tpu.memref_slice %arg9[%dma_wait3A_535, %dma_wait3A_536] : memref<64x135xf32, #tpu.memory_space<vmem>> -> memref<8x128xf32, #tpu.memory_space<vmem>>
        %dma_wait3A_538 = arith.constant 0 : i32
        %dma_wait3A_539 = arith.constant 0 : i32
        %dma_wait3A_540 = tpu.memref_slice %arg4[%dma_wait3A_538, %dma_wait3A_539] : memref<102400x128xf32, #tpu.memory_space<hbm>> -> memref<8x128xf32, #tpu.memory_space<hbm>>
        %dma_wait3A_541 = arith.constant 0 : i32
        %dma_wait3A_542 = arith.constant 0 : i32
        %dma_wait3A_543 = tpu.memref_slice %arg4[%dma_wait3A_541, %dma_wait3A_542] : memref<102400x128xf32, #tpu.memory_space<hbm>> -> memref<8x128xf32, #tpu.memory_space<hbm>>
        %dma_wait3A_544 = arith.constant 0 : i32
        %dma_wait3A_545 = arith.constant 0 : i32
        %dma_wait3A_546 = tpu.memref_slice %arg9[%dma_wait3A_544, %dma_wait3A_545] : memref<64x135xf32, #tpu.memory_space<vmem>> -> memref<8x128xf32, #tpu.memory_space<vmem>>
        tpu.wait_dma2 semaphore(%arg13 : memref<!tpu.dma_semaphore, #tpu.memory_space<semaphore_mem>>) src(%dma_wait3A_546 : memref<8x128xf32, #tpu.memory_space<vmem>>) dst(%dma_wait3A_543 : memref<8x128xf32, #tpu.memory_space<hbm>>)
        %dma_wait3A_547 = arith.constant 0 : i32
        %dma_wait3A_548 = arith.constant 0 : i32
        %dma_wait3A_549 = tpu.memref_slice %arg9[%dma_wait3A_547, %dma_wait3A_548] : memref<64x135xf32, #tpu.memory_space<vmem>> -> memref<8x128xf32, #tpu.memory_space<vmem>>
        %dma_wait3A_550 = arith.constant 0 : i32
        %dma_wait3A_551 = arith.constant 0 : i32
        %dma_wait3A_552 = tpu.memref_slice %arg4[%dma_wait3A_550, %dma_wait3A_551] : memref<102400x128xf32, #tpu.memory_space<hbm>> -> memref<8x128xf32, #tpu.memory_space<hbm>>
        %dma_wait3A_553 = arith.constant 0 : i32
        %dma_wait3A_554 = arith.constant 0 : i32
        %dma_wait3A_555 = tpu.memref_slice %arg4[%dma_wait3A_553, %dma_wait3A_554] : memref<102400x128xf32, #tpu.memory_space<hbm>> -> memref<8x128xf32, #tpu.memory_space<hbm>>
        %dma_wait3A_556 = arith.constant 0 : i32
        %dma_wait3A_557 = arith.constant 0 : i32
        %dma_wait3A_558 = tpu.memref_slice %arg9[%dma_wait3A_556, %dma_wait3A_557] : memref<64x135xf32, #tpu.memory_space<vmem>> -> memref<8x128xf32, #tpu.memory_space<vmem>>
        tpu.wait_dma2 semaphore(%arg13 : memref<!tpu.dma_semaphore, #tpu.memory_space<semaphore_mem>>) src(%dma_wait3A_558 : memref<8x128xf32, #tpu.memory_space<vmem>>) dst(%dma_wait3A_555 : memref<8x128xf32, #tpu.memory_space<hbm>>)
        %dma_wait3A_559 = arith.constant 0 : i32
        %dma_wait3A_560 = arith.constant 0 : i32
        %dma_wait3A_561 = tpu.memref_slice %arg9[%dma_wait3A_559, %dma_wait3A_560] : memref<64x135xf32, #tpu.memory_space<vmem>> -> memref<8x128xf32, #tpu.memory_space<vmem>>
        %dma_wait3A_562 = arith.constant 0 : i32
        %dma_wait3A_563 = arith.constant 0 : i32
        %dma_wait3A_564 = tpu.memref_slice %arg4[%dma_wait3A_562, %dma_wait3A_563] : memref<102400x128xf32, #tpu.memory_space<hbm>> -> memref<8x128xf32, #tpu.memory_space<hbm>>
        %dma_wait3A_565 = arith.constant 0 : i32
        %dma_wait3A_566 = arith.constant 0 : i32
        %dma_wait3A_567 = tpu.memref_slice %arg4[%dma_wait3A_565, %dma_wait3A_566] : memref<102400x128xf32, #tpu.memory_space<hbm>> -> memref<8x128xf32, #tpu.memory_space<hbm>>
        %dma_wait3A_568 = arith.constant 0 : i32
        %dma_wait3A_569 = arith.constant 0 : i32
        %dma_wait3A_570 = tpu.memref_slice %arg9[%dma_wait3A_568, %dma_wait3A_569] : memref<64x135xf32, #tpu.memory_space<vmem>> -> memref<8x128xf32, #tpu.memory_space<vmem>>
        tpu.wait_dma2 semaphore(%arg13 : memref<!tpu.dma_semaphore, #tpu.memory_space<semaphore_mem>>) src(%dma_wait3A_570 : memref<8x128xf32, #tpu.memory_space<vmem>>) dst(%dma_wait3A_567 : memref<8x128xf32, #tpu.memory_space<hbm>>)
      } else {
      }
      %scan3A_364 = arith.constant 0 : i32
      %scan3A_365 = arith.constant 0 : i32
      %scan3A_366 = arith.constant 16 : i32
      %scan3A_367 = arith.addi %scan3A_365, %scan3A_366 : i32
      %scan3A_368 = arith.constant 1 : i32
      %scan3A_369 = scf.for %scan3A_475 = %scan3A_365 to %scan3A_367 step %scan3A_368 iter_args(%scan3A_476 = %scan3A_364) -> (i32)  : i32 {
        %mul3A_477 = arith.constant 8 : i32
        %mul3A_478 = arith.muli %scan3A_475, %mul3A_477 : i32
        %add3A_479 = arith.constant 0 : i32
        %add3A_480 = arith.addi %mul3A_478, %add3A_479 : i32
        %add3A_481 = vector.broadcast %add3A_480 : i32 to vector<16xi32>
        %add3A_482 = arith.addi %broadcast_in_dim3A_13, %add3A_481 : vector<16xi32>
        %get3A = arith.index_cast %add3A_480 : i32 to index
        %get3A_483 = arith.constant 0 : index
        %get3A_484 = tpu.vector_load %arg7[%get3A, %get3A_483] {strides = array<i32>} : memref<128x64xf32, #tpu.memory_space<vmem>>, vector<16xf32>,
        tpu.vector_store_idx %arg9[%add3A_3, %add3A_482], %get3A_484 : memref<64x135xf32, #tpu.memory_space<vmem>>[vector<16xi32>, vector<16xi32>], vector<16xf32>,
        %get3A_485 = arith.index_cast %add3A_480 : i32 to index
        %get3A_486 = arith.constant 16 : index
        %get3A_487 = tpu.vector_load %arg7[%get3A_485, %get3A_486] {strides = array<i32>} : memref<128x64xf32, #tpu.memory_space<vmem>>, vector<16xf32>,
        tpu.vector_store_idx %arg9[%add3A_6, %add3A_482], %get3A_487 : memref<64x135xf32, #tpu.memory_space<vmem>>[vector<16xi32>, vector<16xi32>], vector<16xf32>,
        %get3A_488 = arith.index_cast %add3A_480 : i32 to index
        %get3A_489 = arith.constant 32 : index
        %get3A_490 = tpu.vector_load %arg7[%get3A_488, %get3A_489] {strides = array<i32>} : memref<128x64xf32, #tpu.memory_space<vmem>>, vector<16xf32>,
        tpu.vector_store_idx %arg9[%add3A_9, %add3A_482], %get3A_490 : memref<64x135xf32, #tpu.memory_space<vmem>>[vector<16xi32>, vector<16xi32>], vector<16xf32>,
        %get3A_491 = arith.index_cast %add3A_480 : i32 to index
        %get3A_492 = arith.constant 48 : index
        %get3A_493 = tpu.vector_load %arg7[%get3A_491, %get3A_492] {strides = array<i32>} : memref<128x64xf32, #tpu.memory_space<vmem>>, vector<16xf32>,
        tpu.vector_store_idx %arg9[%add3A_12, %add3A_482], %get3A_493 : memref<64x135xf32, #tpu.memory_space<vmem>>[vector<16xi32>, vector<16xi32>], vector<16xf32>,
        %add3A_494 = arith.constant 1 : i32
        %add3A_495 = arith.addi %mul3A_478, %add3A_494 : i32
        %add3A_496 = vector.broadcast %add3A_495 : i32 to vector<16xi32>
        %add3A_497 = arith.addi %broadcast_in_dim3A_13, %add3A_496 : vector<16xi32>
        %get3A_498 = arith.index_cast %add3A_495 : i32 to index
        %get3A_499 = arith.constant 0 : index
        %get3A_500 = tpu.vector_load %arg7[%get3A_498, %get3A_499] {strides = array<i32>} : memref<128x64xf32, #tpu.memory_space<vmem>>, vector<16xf32>,
        tpu.vector_store_idx %arg9[%add3A_3, %add3A_497], %get3A_500 : memref<64x135xf32, #tpu.memory_space<vmem>>[vector<16xi32>, vector<16xi32>], vector<16xf32>,
        %get3A_501 = arith.index_cast %add3A_495 : i32 to index
        %get3A_502 = arith.constant 16 : index
        %get3A_503 = tpu.vector_load %arg7[%get3A_501, %get3A_502] {strides = array<i32>} : memref<128x64xf32, #tpu.memory_space<vmem>>, vector<16xf32>,
        tpu.vector_store_idx %arg9[%add3A_6, %add3A_497], %get3A_503 : memref<64x135xf32, #tpu.memory_space<vmem>>[vector<16xi32>, vector<16xi32>], vector<16xf32>,
        %get3A_504 = arith.index_cast %add3A_495 : i32 to index
        %get3A_505 = arith.constant 32 : index
        %get3A_506 = tpu.vector_load %arg7[%get3A_504, %get3A_505] {strides = array<i32>} : memref<128x64xf32, #tpu.memory_space<vmem>>, vector<16xf32>,
        tpu.vector_store_idx %arg9[%add3A_9, %add3A_497], %get3A_506 : memref<64x135xf32, #tpu.memory_space<vmem>>[vector<16xi32>, vector<16xi32>], vector<16xf32>,
        %get3A_507 = arith.index_cast %add3A_495 : i32 to index
        %get3A_508 = arith.constant 48 : index
        %get3A_509 = tpu.vector_load %arg7[%get3A_507, %get3A_508] {strides = array<i32>} : memref<128x64xf32, #tpu.memory_space<vmem>>, vector<16xf32>,
        tpu.vector_store_idx %arg9[%add3A_12, %add3A_497], %get3A_509 : memref<64x135xf32, #tpu.memory_space<vmem>>[vector<16xi32>, vector<16xi32>], vector<16xf32>,
        %add3A_510 = arith.constant 2 : i32
        %add3A_511 = arith.addi %mul3A_478, %add3A_510 : i32
        %add3A_512 = vector.broadcast %add3A_511 : i32 to vector<16xi32>
        %add3A_513 = arith.addi %broadcast_in_dim3A_13, %add3A_512 : vector<16xi32>
        %get3A_514 = arith.index_cast %add3A_511 : i32 to index
        %get3A_515 = arith.constant 0 : index
        %get3A_516 = tpu.vector_load %arg7[%get3A_514, %get3A_515] {strides = array<i32>} : memref<128x64xf32, #tpu.memory_space<vmem>>, vector<16xf32>,
        tpu.vector_store_idx %arg9[%add3A_3, %add3A_513], %get3A_516 : memref<64x135xf32, #tpu.memory_space<vmem>>[vector<16xi32>, vector<16xi32>], vector<16xf32>,
        %get3A_517 = arith.index_cast %add3A_511 : i32 to index
        %get3A_518 = arith.constant 16 : index
        %get3A_519 = tpu.vector_load %arg7[%get3A_517, %get3A_518] {strides = array<i32>} : memref<128x64xf32, #tpu.memory_space<vmem>>, vector<16xf32>,
        tpu.vector_store_idx %arg9[%add3A_6, %add3A_513], %get3A_519 : memref<64x135xf32, #tpu.memory_space<vmem>>[vector<16xi32>, vector<16xi32>], vector<16xf32>,
        %get3A_520 = arith.index_cast %add3A_511 : i32 to index
        %get3A_521 = arith.constant 32 : index
        %get3A_522 = tpu.vector_load %arg7[%get3A_520, %get3A_521] {strides = array<i32>} : memref<128x64xf32, #tpu.memory_space<vmem>>, vector<16xf32>,
        tpu.vector_store_idx %arg9[%add3A_9, %add3A_513], %get3A_522 : memref<64x135xf32, #tpu.memory_space<vmem>>[vector<16xi32>, vector<16xi32>], vector<16xf32>,
        %get3A_523 = arith.index_cast %add3A_511 : i32 to index
        %get3A_524 = arith.constant 48 : index
        %get3A_525 = tpu.vector_load %arg7[%get3A_523, %get3A_524] {strides = array<i32>} : memref<128x64xf32, #tpu.memory_space<vmem>>, vector<16xf32>,
        tpu.vector_store_idx %arg9[%add3A_12, %add3A_513], %get3A_525 : memref<64x135xf32, #tpu.memory_space<vmem>>[vector<16xi32>, vector<16xi32>], vector<16xf32>,
        %add3A_526 = arith.constant 3 : i32
        %add3A_527 = arith.addi %mul3A_478, %add3A_526 : i32
        %add3A_528 = vector.broadcast %add3A_527 : i32 to vector<16xi32>
        %add3A_529 = arith.addi %broadcast_in_dim3A_13, %add3A_528 : vector<16xi32>
        %get3A_530 = arith.index_cast %add3A_527 : i32 to index
        %get3A_531 = arith.constant 0 : index
        %get3A_532 = tpu.vector_load %arg7[%get3A_530, %get3A_531] {strides = array<i32>} : memref<128x64xf32, #tpu.memory_space<vmem>>, vector<16xf32>,
        tpu.vector_store_idx %arg9[%add3A_3, %add3A_529], %get3A_532 : memref<64x135xf32, #tpu.memory_space<vmem>>[vector<16xi32>, vector<16xi32>], vector<16xf32>,
        %get3A_533 = arith.index_cast %add3A_527 : i32 to index
        %get3A_534 = arith.constant 16 : index
        %get3A_535 = tpu.vector_load %arg7[%get3A_533, %get3A_534] {strides = array<i32>} : memref<128x64xf32, #tpu.memory_space<vmem>>, vector<16xf32>,
        tpu.vector_store_idx %arg9[%add3A_6, %add3A_529], %get3A_535 : memref<64x135xf32, #tpu.memory_space<vmem>>[vector<16xi32>, vector<16xi32>], vector<16xf32>,
        %get3A_536 = arith.index_cast %add3A_527 : i32 to index
        %get3A_537 = arith.constant 32 : index
        %get3A_538 = tpu.vector_load %arg7[%get3A_536, %get3A_537] {strides = array<i32>} : memref<128x64xf32, #tpu.memory_space<vmem>>, vector<16xf32>,
        tpu.vector_store_idx %arg9[%add3A_9, %add3A_529], %get3A_538 : memref<64x135xf32, #tpu.memory_space<vmem>>[vector<16xi32>, vector<16xi32>], vector<16xf32>,
        %get3A_539 = arith.index_cast %add3A_527 : i32 to index
        %get3A_540 = arith.constant 48 : index
        %get3A_541 = tpu.vector_load %arg7[%get3A_539, %get3A_540] {strides = array<i32>} : memref<128x64xf32, #tpu.memory_space<vmem>>, vector<16xf32>,
        tpu.vector_store_idx %arg9[%add3A_12, %add3A_529], %get3A_541 : memref<64x135xf32, #tpu.memory_space<vmem>>[vector<16xi32>, vector<16xi32>], vector<16xf32>,
        %add3A_542 = arith.constant 4 : i32
        %add3A_543 = arith.addi %mul3A_478, %add3A_542 : i32
        %add3A_544 = vector.broadcast %add3A_543 : i32 to vector<16xi32>
        %add3A_545 = arith.addi %broadcast_in_dim3A_13, %add3A_544 : vector<16xi32>
        %get3A_546 = arith.index_cast %add3A_543 : i32 to index
        %get3A_547 = arith.constant 0 : index
        %get3A_548 = tpu.vector_load %arg7[%get3A_546, %get3A_547] {strides = array<i32>} : memref<128x64xf32, #tpu.memory_space<vmem>>, vector<16xf32>,
        tpu.vector_store_idx %arg9[%add3A_3, %add3A_545], %get3A_548 : memref<64x135xf32, #tpu.memory_space<vmem>>[vector<16xi32>, vector<16xi32>], vector<16xf32>,
        %get3A_549 = arith.index_cast %add3A_543 : i32 to index
        %get3A_550 = arith.constant 16 : index
        %get3A_551 = tpu.vector_load %arg7[%get3A_549, %get3A_550] {strides = array<i32>} : memref<128x64xf32, #tpu.memory_space<vmem>>, vector<16xf32>,
        tpu.vector_store_idx %arg9[%add3A_6, %add3A_545], %get3A_551 : memref<64x135xf32, #tpu.memory_space<vmem>>[vector<16xi32>, vector<16xi32>], vector<16xf32>,
        %get3A_552 = arith.index_cast %add3A_543 : i32 to index
        %get3A_553 = arith.constant 32 : index
        %get3A_554 = tpu.vector_load %arg7[%get3A_552, %get3A_553] {strides = array<i32>} : memref<128x64xf32, #tpu.memory_space<vmem>>, vector<16xf32>,
        tpu.vector_store_idx %arg9[%add3A_9, %add3A_545], %get3A_554 : memref<64x135xf32, #tpu.memory_space<vmem>>[vector<16xi32>, vector<16xi32>], vector<16xf32>,
        %get3A_555 = arith.index_cast %add3A_543 : i32 to index
        %get3A_556 = arith.constant 48 : index
        %get3A_557 = tpu.vector_load %arg7[%get3A_555, %get3A_556] {strides = array<i32>} : memref<128x64xf32, #tpu.memory_space<vmem>>, vector<16xf32>,
        tpu.vector_store_idx %arg9[%add3A_12, %add3A_545], %get3A_557 : memref<64x135xf32, #tpu.memory_space<vmem>>[vector<16xi32>, vector<16xi32>], vector<16xf32>,
        %add3A_558 = arith.constant 5 : i32
        %add3A_559 = arith.addi %mul3A_478, %add3A_558 : i32
        %add3A_560 = vector.broadcast %add3A_559 : i32 to vector<16xi32>
        %add3A_561 = arith.addi %broadcast_in_dim3A_13, %add3A_560 : vector<16xi32>
        %get3A_562 = arith.index_cast %add3A_559 : i32 to index
        %get3A_563 = arith.constant 0 : index
        %get3A_564 = tpu.vector_load %arg7[%get3A_562, %get3A_563] {strides = array<i32>} : memref<128x64xf32, #tpu.memory_space<vmem>>, vector<16xf32>,
        tpu.vector_store_idx %arg9[%add3A_3, %add3A_561], %get3A_564 : memref<64x135xf32, #tpu.memory_space<vmem>>[vector<16xi32>, vector<16xi32>], vector<16xf32>,
        %get3A_565 = arith.index_cast %add3A_559 : i32 to index
        %get3A_566 = arith.constant 16 : index
        %get3A_567 = tpu.vector_load %arg7[%get3A_565, %get3A_566] {strides = array<i32>} : memref<128x64xf32, #tpu.memory_space<vmem>>, vector<16xf32>,
        tpu.vector_store_idx %arg9[%add3A_6, %add3A_561], %get3A_567 : memref<64x135xf32, #tpu.memory_space<vmem>>[vector<16xi32>, vector<16xi32>], vector<16xf32>,
        %get3A_568 = arith.index_cast %add3A_559 : i32 to index
        %get3A_569 = arith.constant 32 : index
        %get3A_570 = tpu.vector_load %arg7[%get3A_568, %get3A_569] {strides = array<i32>} : memref<128x64xf32, #tpu.memory_space<vmem>>, vector<16xf32>,
        tpu.vector_store_idx %arg9[%add3A_9, %add3A_561], %get3A_570 : memref<64x135xf32, #tpu.memory_space<vmem>>[vector<16xi32>, vector<16xi32>], vector<16xf32>,
        %get3A_571 = arith.index_cast %add3A_559 : i32 to index
        %get3A_572 = arith.constant 48 : index
        %get3A_573 = tpu.vector_load %arg7[%get3A_571, %get3A_572] {strides = array<i32>} : memref<128x64xf32, #tpu.memory_space<vmem>>, vector<16xf32>,
        tpu.vector_store_idx %arg9[%add3A_12, %add3A_561], %get3A_573 : memref<64x135xf32, #tpu.memory_space<vmem>>[vector<16xi32>, vector<16xi32>], vector<16xf32>,
        %add3A_574 = arith.constant 6 : i32
        %add3A_575 = arith.addi %mul3A_478, %add3A_574 : i32
        %add3A_576 = vector.broadcast %add3A_575 : i32 to vector<16xi32>
        %add3A_577 = arith.addi %broadcast_in_dim3A_13, %add3A_576 : vector<16xi32>
        %get3A_578 = arith.index_cast %add3A_575 : i32 to index
        %get3A_579 = arith.constant 0 : index
        %get3A_580 = tpu.vector_load %arg7[%get3A_578, %get3A_579] {strides = array<i32>} : memref<128x64xf32, #tpu.memory_space<vmem>>, vector<16xf32>,
        tpu.vector_store_idx %arg9[%add3A_3, %add3A_577], %get3A_580 : memref<64x135xf32, #tpu.memory_space<vmem>>[vector<16xi32>, vector<16xi32>], vector<16xf32>,
        %get3A_581 = arith.index_cast %add3A_575 : i32 to index
        %get3A_582 = arith.constant 16 : index
        %get3A_583 = tpu.vector_load %arg7[%get3A_581, %get3A_582] {strides = array<i32>} : memref<128x64xf32, #tpu.memory_space<vmem>>, vector<16xf32>,
        tpu.vector_store_idx %arg9[%add3A_6, %add3A_577], %get3A_583 : memref<64x135xf32, #tpu.memory_space<vmem>>[vector<16xi32>, vector<16xi32>], vector<16xf32>,
        %get3A_584 = arith.index_cast %add3A_575 : i32 to index
        %get3A_585 = arith.constant 32 : index
        %get3A_586 = tpu.vector_load %arg7[%get3A_584, %get3A_585] {strides = array<i32>} : memref<128x64xf32, #tpu.memory_space<vmem>>, vector<16xf32>,
        tpu.vector_store_idx %arg9[%add3A_9, %add3A_577], %get3A_586 : memref<64x135xf32, #tpu.memory_space<vmem>>[vector<16xi32>, vector<16xi32>], vector<16xf32>,
        %get3A_587 = arith.index_cast %add3A_575 : i32 to index
        %get3A_588 = arith.constant 48 : index
        %get3A_589 = tpu.vector_load %arg7[%get3A_587, %get3A_588] {strides = array<i32>} : memref<128x64xf32, #tpu.memory_space<vmem>>, vector<16xf32>,
        tpu.vector_store_idx %arg9[%add3A_12, %add3A_577], %get3A_589 : memref<64x135xf32, #tpu.memory_space<vmem>>[vector<16xi32>, vector<16xi32>], vector<16xf32>,
        %add3A_590 = arith.constant 7 : i32
        %add3A_591 = arith.addi %mul3A_478, %add3A_590 : i32
        %add3A_592 = vector.broadcast %add3A_591 : i32 to vector<16xi32>
        %add3A_593 = arith.addi %broadcast_in_dim3A_13, %add3A_592 : vector<16xi32>
        %get3A_594 = arith.index_cast %add3A_591 : i32 to index
        %get3A_595 = arith.constant 0 : index
        %get3A_596 = tpu.vector_load %arg7[%get3A_594, %get3A_595] {strides = array<i32>} : memref<128x64xf32, #tpu.memory_space<vmem>>, vector<16xf32>,
        tpu.vector_store_idx %arg9[%add3A_3, %add3A_593], %get3A_596 : memref<64x135xf32, #tpu.memory_space<vmem>>[vector<16xi32>, vector<16xi32>], vector<16xf32>,
        %get3A_597 = arith.index_cast %add3A_591 : i32 to index
        %get3A_598 = arith.constant 16 : index
        %get3A_599 = tpu.vector_load %arg7[%get3A_597, %get3A_598] {strides = array<i32>} : memref<128x64xf32, #tpu.memory_space<vmem>>, vector<16xf32>,
        tpu.vector_store_idx %arg9[%add3A_6, %add3A_593], %get3A_599 : memref<64x135xf32, #tpu.memory_space<vmem>>[vector<16xi32>, vector<16xi32>], vector<16xf32>,
        %get3A_600 = arith.index_cast %add3A_591 : i32 to index
        %get3A_601 = arith.constant 32 : index
        %get3A_602 = tpu.vector_load %arg7[%get3A_600, %get3A_601] {strides = array<i32>} : memref<128x64xf32, #tpu.memory_space<vmem>>, vector<16xf32>,
        tpu.vector_store_idx %arg9[%add3A_9, %add3A_593], %get3A_602 : memref<64x135xf32, #tpu.memory_space<vmem>>[vector<16xi32>, vector<16xi32>], vector<16xf32>,
        %get3A_603 = arith.index_cast %add3A_591 : i32 to index
        %get3A_604 = arith.constant 48 : index
        %get3A_605 = tpu.vector_load %arg7[%get3A_603, %get3A_604] {strides = array<i32>} : memref<128x64xf32, #tpu.memory_space<vmem>>, vector<16xf32>,
        tpu.vector_store_idx %arg9[%add3A_12, %add3A_593], %get3A_605 : memref<64x135xf32, #tpu.memory_space<vmem>>[vector<16xi32>, vector<16xi32>], vector<16xf32>,
        %scan3A_606 = arith.constant 0 : i32
        scf.yield %scan3A_606 : i32
      }
      %scan3A_370 = arith.constant 16 : i32
      %add3A_371 = arith.constant 1 : i32
      %add3A_372 = arith.addi %mul3A_220, %add3A_371 : i32
      %mul3A_373 = arith.constant 2048 : i32
      %mul3A_374 = arith.muli %add3A_372, %mul3A_373 : i32
      %mul3A_375 = arith.constant 8 : i32
      %mul3A_376 = arith.muli %add3A, %mul3A_375 : i32
      %add3A_377 = arith.addi %mul3A_374, %mul3A_376 : i32
      %add3A_378 = arith.constant 0 : i32
      %add3A_379 = arith.addi %add3A_377, %add3A_378 : i32
      %dma_start3A_380 = arith.constant 0 : i32
      %dma_start3A_381 = arith.constant 0 : i32
      %dma_start3A_382 = tpu.memref_slice %arg9[%dma_start3A_380, %dma_start3A_381] : memref<64x135xf32, #tpu.memory_space<vmem>> -> memref<8x128xf32, #tpu.memory_space<vmem>>
      %dma_start3A_383 = arith.constant 0 : i32
      %dma_start3A_384 = tpu.memref_slice %arg4[%add3A_379, %dma_start3A_383] : memref<102400x128xf32, #tpu.memory_space<hbm>> -> memref<8x128xf32, #tpu.memory_space<hbm>>
      %dma_start3A_385 = arith.constant 0 : i32
      %dma_start3A_386 = tpu.memref_slice %arg4[%add3A_379, %dma_start3A_385] : memref<102400x128xf32, #tpu.memory_space<hbm>> -> memref<8x128xf32, #tpu.memory_space<hbm>>
      %dma_start3A_387 = arith.constant 0 : i32
      %dma_start3A_388 = arith.constant 0 : i32
      %dma_start3A_389 = tpu.memref_slice %arg9[%dma_start3A_387, %dma_start3A_388] : memref<64x135xf32, #tpu.memory_space<vmem>> -> memref<8x128xf32, #tpu.memory_space<vmem>>
      tpu.enqueue_dma source(%dma_start3A_389 : memref<8x128xf32, #tpu.memory_space<vmem>>) target(%dma_start3A_386 : memref<8x128xf32, #tpu.memory_space<hbm>>) target_semaphore(%arg13 : memref<!tpu.dma_semaphore, #tpu.memory_space<semaphore_mem>>)
      %add3A_390 = arith.constant 256 : i32
      %add3A_391 = arith.addi %add3A_377, %add3A_390 : i32
      %dma_start3A_392 = arith.constant 8 : i32
      %dma_start3A_393 = arith.constant 0 : i32
      %dma_start3A_394 = tpu.memref_slice %arg9[%dma_start3A_392, %dma_start3A_393] : memref<64x135xf32, #tpu.memory_space<vmem>> -> memref<8x128xf32, #tpu.memory_space<vmem>>
      %dma_start3A_395 = arith.constant 0 : i32
      %dma_start3A_396 = tpu.memref_slice %arg4[%add3A_391, %dma_start3A_395] : memref<102400x128xf32, #tpu.memory_space<hbm>> -> memref<8x128xf32, #tpu.memory_space<hbm>>
      %dma_start3A_397 = arith.constant 0 : i32
      %dma_start3A_398 = tpu.memref_slice %arg4[%add3A_391, %dma_start3A_397] : memref<102400x128xf32, #tpu.memory_space<hbm>> -> memref<8x128xf32, #tpu.memory_space<hbm>>
      %dma_start3A_399 = arith.constant 8 : i32
      %dma_start3A_400 = arith.constant 0 : i32
      %dma_start3A_401 = tpu.memref_slice %arg9[%dma_start3A_399, %dma_start3A_400] : memref<64x135xf32, #tpu.memory_space<vmem>> -> memref<8x128xf32, #tpu.memory_space<vmem>>
      tpu.enqueue_dma source(%dma_start3A_401 : memref<8x128xf32, #tpu.memory_space<vmem>>) target(%dma_start3A_398 : memref<8x128xf32, #tpu.memory_space<hbm>>) target_semaphore(%arg13 : memref<!tpu.dma_semaphore, #tpu.memory_space<semaphore_mem>>)
      %add3A_402 = arith.constant 512 : i32
      %add3A_403 = arith.addi %add3A_377, %add3A_402 : i32
      %dma_start3A_404 = arith.constant 16 : i32
      %dma_start3A_405 = arith.constant 0 : i32
      %dma_start3A_406 = tpu.memref_slice %arg9[%dma_start3A_404, %dma_start3A_405] : memref<64x135xf32, #tpu.memory_space<vmem>> -> memref<8x128xf32, #tpu.memory_space<vmem>>
      %dma_start3A_407 = arith.constant 0 : i32
      %dma_start3A_408 = tpu.memref_slice %arg4[%add3A_403, %dma_start3A_407] : memref<102400x128xf32, #tpu.memory_space<hbm>> -> memref<8x128xf32, #tpu.memory_space<hbm>>
      %dma_start3A_409 = arith.constant 0 : i32
      %dma_start3A_410 = tpu.memref_slice %arg4[%add3A_403, %dma_start3A_409] : memref<102400x128xf32, #tpu.memory_space<hbm>> -> memref<8x128xf32, #tpu.memory_space<hbm>>
      %dma_start3A_411 = arith.constant 16 : i32
      %dma_start3A_412 = arith.constant 0 : i32
      %dma_start3A_413 = tpu.memref_slice %arg9[%dma_start3A_411, %dma_start3A_412] : memref<64x135xf32, #tpu.memory_space<vmem>> -> memref<8x128xf32, #tpu.memory_space<vmem>>
      tpu.enqueue_dma source(%dma_start3A_413 : memref<8x128xf32, #tpu.memory_space<vmem>>) target(%dma_start3A_410 : memref<8x128xf32, #tpu.memory_space<hbm>>) target_semaphore(%arg13 : memref<!tpu.dma_semaphore, #tpu.memory_space<semaphore_mem>>)
      %add3A_414 = arith.constant 768 : i32
      %add3A_415 = arith.addi %add3A_377, %add3A_414 : i32
      %dma_start3A_416 = arith.constant 24 : i32
      %dma_start3A_417 = arith.constant 0 : i32
      %dma_start3A_418 = tpu.memref_slice %arg9[%dma_start3A_416, %dma_start3A_417] : memref<64x135xf32, #tpu.memory_space<vmem>> -> memref<8x128xf32, #tpu.memory_space<vmem>>
      %dma_start3A_419 = arith.constant 0 : i32
      %dma_start3A_420 = tpu.memref_slice %arg4[%add3A_415, %dma_start3A_419] : memref<102400x128xf32, #tpu.memory_space<hbm>> -> memref<8x128xf32, #tpu.memory_space<hbm>>
      %dma_start3A_421 = arith.constant 0 : i32
      %dma_start3A_422 = tpu.memref_slice %arg4[%add3A_415, %dma_start3A_421] : memref<102400x128xf32, #tpu.memory_space<hbm>> -> memref<8x128xf32, #tpu.memory_space<hbm>>
      %dma_start3A_423 = arith.constant 24 : i32
      %dma_start3A_424 = arith.constant 0 : i32
      %dma_start3A_425 = tpu.memref_slice %arg9[%dma_start3A_423, %dma_start3A_424] : memref<64x135xf32, #tpu.memory_space<vmem>> -> memref<8x128xf32, #tpu.memory_space<vmem>>
      tpu.enqueue_dma source(%dma_start3A_425 : memref<8x128xf32, #tpu.memory_space<vmem>>) target(%dma_start3A_422 : memref<8x128xf32, #tpu.memory_space<hbm>>) target_semaphore(%arg13 : memref<!tpu.dma_semaphore, #tpu.memory_space<semaphore_mem>>)
      %add3A_426 = arith.constant 1024 : i32
      %add3A_427 = arith.addi %add3A_377, %add3A_426 : i32
      %dma_start3A_428 = arith.constant 32 : i32
      %dma_start3A_429 = arith.constant 0 : i32
      %dma_start3A_430 = tpu.memref_slice %arg9[%dma_start3A_428, %dma_start3A_429] : memref<64x135xf32, #tpu.memory_space<vmem>> -> memref<8x128xf32, #tpu.memory_space<vmem>>
      %dma_start3A_431 = arith.constant 0 : i32
      %dma_start3A_432 = tpu.memref_slice %arg4[%add3A_427, %dma_start3A_431] : memref<102400x128xf32, #tpu.memory_space<hbm>> -> memref<8x128xf32, #tpu.memory_space<hbm>>
      %dma_start3A_433 = arith.constant 0 : i32
      %dma_start3A_434 = tpu.memref_slice %arg4[%add3A_427, %dma_start3A_433] : memref<102400x128xf32, #tpu.memory_space<hbm>> -> memref<8x128xf32, #tpu.memory_space<hbm>>
      %dma_start3A_435 = arith.constant 32 : i32
      %dma_start3A_436 = arith.constant 0 : i32
      %dma_start3A_437 = tpu.memref_slice %arg9[%dma_start3A_435, %dma_start3A_436] : memref<64x135xf32, #tpu.memory_space<vmem>> -> memref<8x128xf32, #tpu.memory_space<vmem>>
      tpu.enqueue_dma source(%dma_start3A_437 : memref<8x128xf32, #tpu.memory_space<vmem>>) target(%dma_start3A_434 : memref<8x128xf32, #tpu.memory_space<hbm>>) target_semaphore(%arg13 : memref<!tpu.dma_semaphore, #tpu.memory_space<semaphore_mem>>)
      %add3A_438 = arith.constant 1280 : i32
      %add3A_439 = arith.addi %add3A_377, %add3A_438 : i32
      %dma_start3A_440 = arith.constant 40 : i32
      %dma_start3A_441 = arith.constant 0 : i32
      %dma_start3A_442 = tpu.memref_slice %arg9[%dma_start3A_440, %dma_start3A_441] : memref<64x135xf32, #tpu.memory_space<vmem>> -> memref<8x128xf32, #tpu.memory_space<vmem>>
      %dma_start3A_443 = arith.constant 0 : i32
      %dma_start3A_444 = tpu.memref_slice %arg4[%add3A_439, %dma_start3A_443] : memref<102400x128xf32, #tpu.memory_space<hbm>> -> memref<8x128xf32, #tpu.memory_space<hbm>>
      %dma_start3A_445 = arith.constant 0 : i32
      %dma_start3A_446 = tpu.memref_slice %arg4[%add3A_439, %dma_start3A_445] : memref<102400x128xf32, #tpu.memory_space<hbm>> -> memref<8x128xf32, #tpu.memory_space<hbm>>
      %dma_start3A_447 = arith.constant 40 : i32
      %dma_start3A_448 = arith.constant 0 : i32
      %dma_start3A_449 = tpu.memref_slice %arg9[%dma_start3A_447, %dma_start3A_448] : memref<64x135xf32, #tpu.memory_space<vmem>> -> memref<8x128xf32, #tpu.memory_space<vmem>>
      tpu.enqueue_dma source(%dma_start3A_449 : memref<8x128xf32, #tpu.memory_space<vmem>>) target(%dma_start3A_446 : memref<8x128xf32, #tpu.memory_space<hbm>>) target_semaphore(%arg13 : memref<!tpu.dma_semaphore, #tpu.memory_space<semaphore_mem>>)
      %add3A_450 = arith.constant 1536 : i32
      %add3A_451 = arith.addi %add3A_377, %add3A_450 : i32
      %dma_start3A_452 = arith.constant 48 : i32
      %dma_start3A_453 = arith.constant 0 : i32
      %dma_start3A_454 = tpu.memref_slice %arg9[%dma_start3A_452, %dma_start3A_453] : memref<64x135xf32, #tpu.memory_space<vmem>> -> memref<8x128xf32, #tpu.memory_space<vmem>>
      %dma_start3A_455 = arith.constant 0 : i32
      %dma_start3A_456 = tpu.memref_slice %arg4[%add3A_451, %dma_start3A_455] : memref<102400x128xf32, #tpu.memory_space<hbm>> -> memref<8x128xf32, #tpu.memory_space<hbm>>
      %dma_start3A_457 = arith.constant 0 : i32
      %dma_start3A_458 = tpu.memref_slice %arg4[%add3A_451, %dma_start3A_457] : memref<102400x128xf32, #tpu.memory_space<hbm>> -> memref<8x128xf32, #tpu.memory_space<hbm>>
      %dma_start3A_459 = arith.constant 48 : i32
      %dma_start3A_460 = arith.constant 0 : i32
      %dma_start3A_461 = tpu.memref_slice %arg9[%dma_start3A_459, %dma_start3A_460] : memref<64x135xf32, #tpu.memory_space<vmem>> -> memref<8x128xf32, #tpu.memory_space<vmem>>
      tpu.enqueue_dma source(%dma_start3A_461 : memref<8x128xf32, #tpu.memory_space<vmem>>) target(%dma_start3A_458 : memref<8x128xf32, #tpu.memory_space<hbm>>) target_semaphore(%arg13 : memref<!tpu.dma_semaphore, #tpu.memory_space<semaphore_mem>>)
      %add3A_462 = arith.constant 1792 : i32
      %add3A_463 = arith.addi %add3A_377, %add3A_462 : i32
      %dma_start3A_464 = arith.constant 56 : i32
      %dma_start3A_465 = arith.constant 0 : i32
      %dma_start3A_466 = tpu.memref_slice %arg9[%dma_start3A_464, %dma_start3A_465] : memref<64x135xf32, #tpu.memory_space<vmem>> -> memref<8x128xf32, #tpu.memory_space<vmem>>
      %dma_start3A_467 = arith.constant 0 : i32
      %dma_start3A_468 = tpu.memref_slice %arg4[%add3A_463, %dma_start3A_467] : memref<102400x128xf32, #tpu.memory_space<hbm>> -> memref<8x128xf32, #tpu.memory_space<hbm>>
      %dma_start3A_469 = arith.constant 0 : i32
      %dma_start3A_470 = tpu.memref_slice %arg4[%add3A_463, %dma_start3A_469] : memref<102400x128xf32, #tpu.memory_space<hbm>> -> memref<8x128xf32, #tpu.memory_space<hbm>>
      %dma_start3A_471 = arith.constant 56 : i32
      %dma_start3A_472 = arith.constant 0 : i32
      %dma_start3A_473 = tpu.memref_slice %arg9[%dma_start3A_471, %dma_start3A_472] : memref<64x135xf32, #tpu.memory_space<vmem>> -> memref<8x128xf32, #tpu.memory_space<vmem>>
      tpu.enqueue_dma source(%dma_start3A_473 : memref<8x128xf32, #tpu.memory_space<vmem>>) target(%dma_start3A_470 : memref<8x128xf32, #tpu.memory_space<hbm>>) target_semaphore(%arg13 : memref<!tpu.dma_semaphore, #tpu.memory_space<semaphore_mem>>)
      %scan3A_474 = arith.constant 0 : i32
      scf.yield %scan3A_474 : i32
    }
    %scan3A_25 = arith.constant 25 : i32
    %dma_wait3A = arith.constant 0 : i32
    %dma_wait3A_26 = arith.constant 0 : i32
    %dma_wait3A_27 = tpu.memref_slice %arg8[%dma_wait3A, %dma_wait3A_26] : memref<64x135xf32, #tpu.memory_space<vmem>> -> memref<8x128xf32, #tpu.memory_space<vmem>>
    %dma_wait3A_28 = arith.constant 0 : i32
    %dma_wait3A_29 = arith.constant 0 : i32
    %dma_wait3A_30 = tpu.memref_slice %arg4[%dma_wait3A_28, %dma_wait3A_29] : memref<102400x128xf32, #tpu.memory_space<hbm>> -> memref<8x128xf32, #tpu.memory_space<hbm>>
    %dma_wait3A_31 = arith.constant 0 : i32
    %dma_wait3A_32 = arith.constant 0 : i32
    %dma_wait3A_33 = tpu.memref_slice %arg4[%dma_wait3A_31, %dma_wait3A_32] : memref<102400x128xf32, #tpu.memory_space<hbm>> -> memref<8x128xf32, #tpu.memory_space<hbm>>
    %dma_wait3A_34 = arith.constant 0 : i32
    %dma_wait3A_35 = arith.constant 0 : i32
    %dma_wait3A_36 = tpu.memref_slice %arg8[%dma_wait3A_34, %dma_wait3A_35] : memref<64x135xf32, #tpu.memory_space<vmem>> -> memref<8x128xf32, #tpu.memory_space<vmem>>
    tpu.wait_dma2 semaphore(%arg12 : memref<!tpu.dma_semaphore, #tpu.memory_space<semaphore_mem>>) src(%dma_wait3A_36 : memref<8x128xf32, #tpu.memory_space<vmem>>) dst(%dma_wait3A_33 : memref<8x128xf32, #tpu.memory_space<hbm>>)
    %dma_wait3A_37 = arith.constant 0 : i32
    %dma_wait3A_38 = arith.constant 0 : i32
    %dma_wait3A_39 = tpu.memref_slice %arg8[%dma_wait3A_37, %dma_wait3A_38] : memref<64x135xf32, #tpu.memory_space<vmem>> -> memref<8x128xf32, #tpu.memory_space<vmem>>
    %dma_wait3A_40 = arith.constant 0 : i32
    %dma_wait3A_41 = arith.constant 0 : i32
    %dma_wait3A_42 = tpu.memref_slice %arg4[%dma_wait3A_40, %dma_wait3A_41] : memref<102400x128xf32, #tpu.memory_space<hbm>> -> memref<8x128xf32, #tpu.memory_space<hbm>>
    %dma_wait3A_43 = arith.constant 0 : i32
    %dma_wait3A_44 = arith.constant 0 : i32
    %dma_wait3A_45 = tpu.memref_slice %arg4[%dma_wait3A_43, %dma_wait3A_44] : memref<102400x128xf32, #tpu.memory_space<hbm>> -> memref<8x128xf32, #tpu.memory_space<hbm>>
    %dma_wait3A_46 = arith.constant 0 : i32
    %dma_wait3A_47 = arith.constant 0 : i32
    %dma_wait3A_48 = tpu.memref_slice %arg8[%dma_wait3A_46, %dma_wait3A_47] : memref<64x135xf32, #tpu.memory_space<vmem>> -> memref<8x128xf32, #tpu.memory_space<vmem>>
    tpu.wait_dma2 semaphore(%arg12 : memref<!tpu.dma_semaphore, #tpu.memory_space<semaphore_mem>>) src(%dma_wait3A_48 : memref<8x128xf32, #tpu.memory_space<vmem>>) dst(%dma_wait3A_45 : memref<8x128xf32, #tpu.memory_space<hbm>>)
    %dma_wait3A_49 = arith.constant 0 : i32
    %dma_wait3A_50 = arith.constant 0 : i32
    %dma_wait3A_51 = tpu.memref_slice %arg8[%dma_wait3A_49, %dma_wait3A_50] : memref<64x135xf32, #tpu.memory_space<vmem>> -> memref<8x128xf32, #tpu.memory_space<vmem>>
    %dma_wait3A_52 = arith.constant 0 : i32
    %dma_wait3A_53 = arith.constant 0 : i32
    %dma_wait3A_54 = tpu.memref_slice %arg4[%dma_wait3A_52, %dma_wait3A_53] : memref<102400x128xf32, #tpu.memory_space<hbm>> -> memref<8x128xf32, #tpu.memory_space<hbm>>
    %dma_wait3A_55 = arith.constant 0 : i32
    %dma_wait3A_56 = arith.constant 0 : i32
    %dma_wait3A_57 = tpu.memref_slice %arg4[%dma_wait3A_55, %dma_wait3A_56] : memref<102400x128xf32, #tpu.memory_space<hbm>> -> memref<8x128xf32, #tpu.memory_space<hbm>>
    %dma_wait3A_58 = arith.constant 0 : i32
    %dma_wait3A_59 = arith.constant 0 : i32
    %dma_wait3A_60 = tpu.memref_slice %arg8[%dma_wait3A_58, %dma_wait3A_59] : memref<64x135xf32, #tpu.memory_space<vmem>> -> memref<8x128xf32, #tpu.memory_space<vmem>>
    tpu.wait_dma2 semaphore(%arg12 : memref<!tpu.dma_semaphore, #tpu.memory_space<semaphore_mem>>) src(%dma_wait3A_60 : memref<8x128xf32, #tpu.memory_space<vmem>>) dst(%dma_wait3A_57 : memref<8x128xf32, #tpu.memory_space<hbm>>)
    %dma_wait3A_61 = arith.constant 0 : i32
    %dma_wait3A_62 = arith.constant 0 : i32
    %dma_wait3A_63 = tpu.memref_slice %arg8[%dma_wait3A_61, %dma_wait3A_62] : memref<64x135xf32, #tpu.memory_space<vmem>> -> memref<8x128xf32, #tpu.memory_space<vmem>>
    %dma_wait3A_64 = arith.constant 0 : i32
    %dma_wait3A_65 = arith.constant 0 : i32
    %dma_wait3A_66 = tpu.memref_slice %arg4[%dma_wait3A_64, %dma_wait3A_65] : memref<102400x128xf32, #tpu.memory_space<hbm>> -> memref<8x128xf32, #tpu.memory_space<hbm>>
    %dma_wait3A_67 = arith.constant 0 : i32
    %dma_wait3A_68 = arith.constant 0 : i32
    %dma_wait3A_69 = tpu.memref_slice %arg4[%dma_wait3A_67, %dma_wait3A_68] : memref<102400x128xf32, #tpu.memory_space<hbm>> -> memref<8x128xf32, #tpu.memory_space<hbm>>
    %dma_wait3A_70 = arith.constant 0 : i32
    %dma_wait3A_71 = arith.constant 0 : i32
    %dma_wait3A_72 = tpu.memref_slice %arg8[%dma_wait3A_70, %dma_wait3A_71] : memref<64x135xf32, #tpu.memory_space<vmem>> -> memref<8x128xf32, #tpu.memory_space<vmem>>
    tpu.wait_dma2 semaphore(%arg12 : memref<!tpu.dma_semaphore, #tpu.memory_space<semaphore_mem>>) src(%dma_wait3A_72 : memref<8x128xf32, #tpu.memory_space<vmem>>) dst(%dma_wait3A_69 : memref<8x128xf32, #tpu.memory_space<hbm>>)
    %dma_wait3A_73 = arith.constant 0 : i32
    %dma_wait3A_74 = arith.constant 0 : i32
    %dma_wait3A_75 = tpu.memref_slice %arg8[%dma_wait3A_73, %dma_wait3A_74] : memref<64x135xf32, #tpu.memory_space<vmem>> -> memref<8x128xf32, #tpu.memory_space<vmem>>
    %dma_wait3A_76 = arith.constant 0 : i32
    %dma_wait3A_77 = arith.constant 0 : i32
    %dma_wait3A_78 = tpu.memref_slice %arg4[%dma_wait3A_76, %dma_wait3A_77] : memref<102400x128xf32, #tpu.memory_space<hbm>> -> memref<8x128xf32, #tpu.memory_space<hbm>>
    %dma_wait3A_79 = arith.constant 0 : i32
    %dma_wait3A_80 = arith.constant 0 : i32
    %dma_wait3A_81 = tpu.memref_slice %arg4[%dma_wait3A_79, %dma_wait3A_80] : memref<102400x128xf32, #tpu.memory_space<hbm>> -> memref<8x128xf32, #tpu.memory_space<hbm>>
    %dma_wait3A_82 = arith.constant 0 : i32
    %dma_wait3A_83 = arith.constant 0 : i32
    %dma_wait3A_84 = tpu.memref_slice %arg8[%dma_wait3A_82, %dma_wait3A_83] : memref<64x135xf32, #tpu.memory_space<vmem>> -> memref<8x128xf32, #tpu.memory_space<vmem>>
    tpu.wait_dma2 semaphore(%arg12 : memref<!tpu.dma_semaphore, #tpu.memory_space<semaphore_mem>>) src(%dma_wait3A_84 : memref<8x128xf32, #tpu.memory_space<vmem>>) dst(%dma_wait3A_81 : memref<8x128xf32, #tpu.memory_space<hbm>>)
    %dma_wait3A_85 = arith.constant 0 : i32
    %dma_wait3A_86 = arith.constant 0 : i32
    %dma_wait3A_87 = tpu.memref_slice %arg8[%dma_wait3A_85, %dma_wait3A_86] : memref<64x135xf32, #tpu.memory_space<vmem>> -> memref<8x128xf32, #tpu.memory_space<vmem>>
    %dma_wait3A_88 = arith.constant 0 : i32
    %dma_wait3A_89 = arith.constant 0 : i32
    %dma_wait3A_90 = tpu.memref_slice %arg4[%dma_wait3A_88, %dma_wait3A_89] : memref<102400x128xf32, #tpu.memory_space<hbm>> -> memref<8x128xf32, #tpu.memory_space<hbm>>
    %dma_wait3A_91 = arith.constant 0 : i32
    %dma_wait3A_92 = arith.constant 0 : i32
    %dma_wait3A_93 = tpu.memref_slice %arg4[%dma_wait3A_91, %dma_wait3A_92] : memref<102400x128xf32, #tpu.memory_space<hbm>> -> memref<8x128xf32, #tpu.memory_space<hbm>>
    %dma_wait3A_94 = arith.constant 0 : i32
    %dma_wait3A_95 = arith.constant 0 : i32
    %dma_wait3A_96 = tpu.memref_slice %arg8[%dma_wait3A_94, %dma_wait3A_95] : memref<64x135xf32, #tpu.memory_space<vmem>> -> memref<8x128xf32, #tpu.memory_space<vmem>>
    tpu.wait_dma2 semaphore(%arg12 : memref<!tpu.dma_semaphore, #tpu.memory_space<semaphore_mem>>) src(%dma_wait3A_96 : memref<8x128xf32, #tpu.memory_space<vmem>>) dst(%dma_wait3A_93 : memref<8x128xf32, #tpu.memory_space<hbm>>)
    %dma_wait3A_97 = arith.constant 0 : i32
    %dma_wait3A_98 = arith.constant 0 : i32
    %dma_wait3A_99 = tpu.memref_slice %arg8[%dma_wait3A_97, %dma_wait3A_98] : memref<64x135xf32, #tpu.memory_space<vmem>> -> memref<8x128xf32, #tpu.memory_space<vmem>>
    %dma_wait3A_100 = arith.constant 0 : i32
    %dma_wait3A_101 = arith.constant 0 : i32
    %dma_wait3A_102 = tpu.memref_slice %arg4[%dma_wait3A_100, %dma_wait3A_101] : memref<102400x128xf32, #tpu.memory_space<hbm>> -> memref<8x128xf32, #tpu.memory_space<hbm>>
    %dma_wait3A_103 = arith.constant 0 : i32
    %dma_wait3A_104 = arith.constant 0 : i32
    %dma_wait3A_105 = tpu.memref_slice %arg4[%dma_wait3A_103, %dma_wait3A_104] : memref<102400x128xf32, #tpu.memory_space<hbm>> -> memref<8x128xf32, #tpu.memory_space<hbm>>
    %dma_wait3A_106 = arith.constant 0 : i32
    %dma_wait3A_107 = arith.constant 0 : i32
    %dma_wait3A_108 = tpu.memref_slice %arg8[%dma_wait3A_106, %dma_wait3A_107] : memref<64x135xf32, #tpu.memory_space<vmem>> -> memref<8x128xf32, #tpu.memory_space<vmem>>
    tpu.wait_dma2 semaphore(%arg12 : memref<!tpu.dma_semaphore, #tpu.memory_space<semaphore_mem>>) src(%dma_wait3A_108 : memref<8x128xf32, #tpu.memory_space<vmem>>) dst(%dma_wait3A_105 : memref<8x128xf32, #tpu.memory_space<hbm>>)
    %dma_wait3A_109 = arith.constant 0 : i32
    %dma_wait3A_110 = arith.constant 0 : i32
    %dma_wait3A_111 = tpu.memref_slice %arg8[%dma_wait3A_109, %dma_wait3A_110] : memref<64x135xf32, #tpu.memory_space<vmem>> -> memref<8x128xf32, #tpu.memory_space<vmem>>
    %dma_wait3A_112 = arith.constant 0 : i32
    %dma_wait3A_113 = arith.constant 0 : i32
    %dma_wait3A_114 = tpu.memref_slice %arg4[%dma_wait3A_112, %dma_wait3A_113] : memref<102400x128xf32, #tpu.memory_space<hbm>> -> memref<8x128xf32, #tpu.memory_space<hbm>>
    %dma_wait3A_115 = arith.constant 0 : i32
    %dma_wait3A_116 = arith.constant 0 : i32
    %dma_wait3A_117 = tpu.memref_slice %arg4[%dma_wait3A_115, %dma_wait3A_116] : memref<102400x128xf32, #tpu.memory_space<hbm>> -> memref<8x128xf32, #tpu.memory_space<hbm>>
    %dma_wait3A_118 = arith.constant 0 : i32
    %dma_wait3A_119 = arith.constant 0 : i32
    %dma_wait3A_120 = tpu.memref_slice %arg8[%dma_wait3A_118, %dma_wait3A_119] : memref<64x135xf32, #tpu.memory_space<vmem>> -> memref<8x128xf32, #tpu.memory_space<vmem>>
    tpu.wait_dma2 semaphore(%arg12 : memref<!tpu.dma_semaphore, #tpu.memory_space<semaphore_mem>>) src(%dma_wait3A_120 : memref<8x128xf32, #tpu.memory_space<vmem>>) dst(%dma_wait3A_117 : memref<8x128xf32, #tpu.memory_space<hbm>>)
    %dma_wait3A_121 = arith.constant 0 : i32
    %dma_wait3A_122 = arith.constant 0 : i32
    %dma_wait3A_123 = tpu.memref_slice %arg9[%dma_wait3A_121, %dma_wait3A_122] : memref<64x135xf32, #tpu.memory_space<vmem>> -> memref<8x128xf32, #tpu.memory_space<vmem>>
    %dma_wait3A_124 = arith.constant 0 : i32
    %dma_wait3A_125 = arith.constant 0 : i32
    %dma_wait3A_126 = tpu.memref_slice %arg4[%dma_wait3A_124, %dma_wait3A_125] : memref<102400x128xf32, #tpu.memory_space<hbm>> -> memref<8x128xf32, #tpu.memory_space<hbm>>
    %dma_wait3A_127 = arith.constant 0 : i32
    %dma_wait3A_128 = arith.constant 0 : i32
    %dma_wait3A_129 = tpu.memref_slice %arg4[%dma_wait3A_127, %dma_wait3A_128] : memref<102400x128xf32, #tpu.memory_space<hbm>> -> memref<8x128xf32, #tpu.memory_space<hbm>>
    %dma_wait3A_130 = arith.constant 0 : i32
    %dma_wait3A_131 = arith.constant 0 : i32
    %dma_wait3A_132 = tpu.memref_slice %arg9[%dma_wait3A_130, %dma_wait3A_131] : memref<64x135xf32, #tpu.memory_space<vmem>> -> memref<8x128xf32, #tpu.memory_space<vmem>>
    tpu.wait_dma2 semaphore(%arg13 : memref<!tpu.dma_semaphore, #tpu.memory_space<semaphore_mem>>) src(%dma_wait3A_132 : memref<8x128xf32, #tpu.memory_space<vmem>>) dst(%dma_wait3A_129 : memref<8x128xf32, #tpu.memory_space<hbm>>)
    %dma_wait3A_133 = arith.constant 0 : i32
    %dma_wait3A_134 = arith.constant 0 : i32
    %dma_wait3A_135 = tpu.memref_slice %arg9[%dma_wait3A_133, %dma_wait3A_134] : memref<64x135xf32, #tpu.memory_space<vmem>> -> memref<8x128xf32, #tpu.memory_space<vmem>>
    %dma_wait3A_136 = arith.constant 0 : i32
    %dma_wait3A_137 = arith.constant 0 : i32
    %dma_wait3A_138 = tpu.memref_slice %arg4[%dma_wait3A_136, %dma_wait3A_137] : memref<102400x128xf32, #tpu.memory_space<hbm>> -> memref<8x128xf32, #tpu.memory_space<hbm>>
    %dma_wait3A_139 = arith.constant 0 : i32
    %dma_wait3A_140 = arith.constant 0 : i32
    %dma_wait3A_141 = tpu.memref_slice %arg4[%dma_wait3A_139, %dma_wait3A_140] : memref<102400x128xf32, #tpu.memory_space<hbm>> -> memref<8x128xf32, #tpu.memory_space<hbm>>
    %dma_wait3A_142 = arith.constant 0 : i32
    %dma_wait3A_143 = arith.constant 0 : i32
    %dma_wait3A_144 = tpu.memref_slice %arg9[%dma_wait3A_142, %dma_wait3A_143] : memref<64x135xf32, #tpu.memory_space<vmem>> -> memref<8x128xf32, #tpu.memory_space<vmem>>
    tpu.wait_dma2 semaphore(%arg13 : memref<!tpu.dma_semaphore, #tpu.memory_space<semaphore_mem>>) src(%dma_wait3A_144 : memref<8x128xf32, #tpu.memory_space<vmem>>) dst(%dma_wait3A_141 : memref<8x128xf32, #tpu.memory_space<hbm>>)
    %dma_wait3A_145 = arith.constant 0 : i32
    %dma_wait3A_146 = arith.constant 0 : i32
    %dma_wait3A_147 = tpu.memref_slice %arg9[%dma_wait3A_145, %dma_wait3A_146] : memref<64x135xf32, #tpu.memory_space<vmem>> -> memref<8x128xf32, #tpu.memory_space<vmem>>
    %dma_wait3A_148 = arith.constant 0 : i32
    %dma_wait3A_149 = arith.constant 0 : i32
    %dma_wait3A_150 = tpu.memref_slice %arg4[%dma_wait3A_148, %dma_wait3A_149] : memref<102400x128xf32, #tpu.memory_space<hbm>> -> memref<8x128xf32, #tpu.memory_space<hbm>>
    %dma_wait3A_151 = arith.constant 0 : i32
    %dma_wait3A_152 = arith.constant 0 : i32
    %dma_wait3A_153 = tpu.memref_slice %arg4[%dma_wait3A_151, %dma_wait3A_152] : memref<102400x128xf32, #tpu.memory_space<hbm>> -> memref<8x128xf32, #tpu.memory_space<hbm>>
    %dma_wait3A_154 = arith.constant 0 : i32
    %dma_wait3A_155 = arith.constant 0 : i32
    %dma_wait3A_156 = tpu.memref_slice %arg9[%dma_wait3A_154, %dma_wait3A_155] : memref<64x135xf32, #tpu.memory_space<vmem>> -> memref<8x128xf32, #tpu.memory_space<vmem>>
    tpu.wait_dma2 semaphore(%arg13 : memref<!tpu.dma_semaphore, #tpu.memory_space<semaphore_mem>>) src(%dma_wait3A_156 : memref<8x128xf32, #tpu.memory_space<vmem>>) dst(%dma_wait3A_153 : memref<8x128xf32, #tpu.memory_space<hbm>>)
    %dma_wait3A_157 = arith.constant 0 : i32
    %dma_wait3A_158 = arith.constant 0 : i32
    %dma_wait3A_159 = tpu.memref_slice %arg9[%dma_wait3A_157, %dma_wait3A_158] : memref<64x135xf32, #tpu.memory_space<vmem>> -> memref<8x128xf32, #tpu.memory_space<vmem>>
    %dma_wait3A_160 = arith.constant 0 : i32
    %dma_wait3A_161 = arith.constant 0 : i32
    %dma_wait3A_162 = tpu.memref_slice %arg4[%dma_wait3A_160, %dma_wait3A_161] : memref<102400x128xf32, #tpu.memory_space<hbm>> -> memref<8x128xf32, #tpu.memory_space<hbm>>
    %dma_wait3A_163 = arith.constant 0 : i32
    %dma_wait3A_164 = arith.constant 0 : i32
    %dma_wait3A_165 = tpu.memref_slice %arg4[%dma_wait3A_163, %dma_wait3A_164] : memref<102400x128xf32, #tpu.memory_space<hbm>> -> memref<8x128xf32, #tpu.memory_space<hbm>>
    %dma_wait3A_166 = arith.constant 0 : i32
    %dma_wait3A_167 = arith.constant 0 : i32
    %dma_wait3A_168 = tpu.memref_slice %arg9[%dma_wait3A_166, %dma_wait3A_167] : memref<64x135xf32, #tpu.memory_space<vmem>> -> memref<8x128xf32, #tpu.memory_space<vmem>>
    tpu.wait_dma2 semaphore(%arg13 : memref<!tpu.dma_semaphore, #tpu.memory_space<semaphore_mem>>) src(%dma_wait3A_168 : memref<8x128xf32, #tpu.memory_space<vmem>>) dst(%dma_wait3A_165 : memref<8x128xf32, #tpu.memory_space<hbm>>)
    %dma_wait3A_169 = arith.constant 0 : i32
    %dma_wait3A_170 = arith.constant 0 : i32
    %dma_wait3A_171 = tpu.memref_slice %arg9[%dma_wait3A_169, %dma_wait3A_170] : memref<64x135xf32, #tpu.memory_space<vmem>> -> memref<8x128xf32, #tpu.memory_space<vmem>>
    %dma_wait3A_172 = arith.constant 0 : i32
    %dma_wait3A_173 = arith.constant 0 : i32
    %dma_wait3A_174 = tpu.memref_slice %arg4[%dma_wait3A_172, %dma_wait3A_173] : memref<102400x128xf32, #tpu.memory_space<hbm>> -> memref<8x128xf32, #tpu.memory_space<hbm>>
    %dma_wait3A_175 = arith.constant 0 : i32
    %dma_wait3A_176 = arith.constant 0 : i32
    %dma_wait3A_177 = tpu.memref_slice %arg4[%dma_wait3A_175, %dma_wait3A_176] : memref<102400x128xf32, #tpu.memory_space<hbm>> -> memref<8x128xf32, #tpu.memory_space<hbm>>
    %dma_wait3A_178 = arith.constant 0 : i32
    %dma_wait3A_179 = arith.constant 0 : i32
    %dma_wait3A_180 = tpu.memref_slice %arg9[%dma_wait3A_178, %dma_wait3A_179] : memref<64x135xf32, #tpu.memory_space<vmem>> -> memref<8x128xf32, #tpu.memory_space<vmem>>
    tpu.wait_dma2 semaphore(%arg13 : memref<!tpu.dma_semaphore, #tpu.memory_space<semaphore_mem>>) src(%dma_wait3A_180 : memref<8x128xf32, #tpu.memory_space<vmem>>) dst(%dma_wait3A_177 : memref<8x128xf32, #tpu.memory_space<hbm>>)
    %dma_wait3A_181 = arith.constant 0 : i32
    %dma_wait3A_182 = arith.constant 0 : i32
    %dma_wait3A_183 = tpu.memref_slice %arg9[%dma_wait3A_181, %dma_wait3A_182] : memref<64x135xf32, #tpu.memory_space<vmem>> -> memref<8x128xf32, #tpu.memory_space<vmem>>
    %dma_wait3A_184 = arith.constant 0 : i32
    %dma_wait3A_185 = arith.constant 0 : i32
    %dma_wait3A_186 = tpu.memref_slice %arg4[%dma_wait3A_184, %dma_wait3A_185] : memref<102400x128xf32, #tpu.memory_space<hbm>> -> memref<8x128xf32, #tpu.memory_space<hbm>>
    %dma_wait3A_187 = arith.constant 0 : i32
    %dma_wait3A_188 = arith.constant 0 : i32
    %dma_wait3A_189 = tpu.memref_slice %arg4[%dma_wait3A_187, %dma_wait3A_188] : memref<102400x128xf32, #tpu.memory_space<hbm>> -> memref<8x128xf32, #tpu.memory_space<hbm>>
    %dma_wait3A_190 = arith.constant 0 : i32
    %dma_wait3A_191 = arith.constant 0 : i32
    %dma_wait3A_192 = tpu.memref_slice %arg9[%dma_wait3A_190, %dma_wait3A_191] : memref<64x135xf32, #tpu.memory_space<vmem>> -> memref<8x128xf32, #tpu.memory_space<vmem>>
    tpu.wait_dma2 semaphore(%arg13 : memref<!tpu.dma_semaphore, #tpu.memory_space<semaphore_mem>>) src(%dma_wait3A_192 : memref<8x128xf32, #tpu.memory_space<vmem>>) dst(%dma_wait3A_189 : memref<8x128xf32, #tpu.memory_space<hbm>>)
    %dma_wait3A_193 = arith.constant 0 : i32
    %dma_wait3A_194 = arith.constant 0 : i32
    %dma_wait3A_195 = tpu.memref_slice %arg9[%dma_wait3A_193, %dma_wait3A_194] : memref<64x135xf32, #tpu.memory_space<vmem>> -> memref<8x128xf32, #tpu.memory_space<vmem>>
    %dma_wait3A_196 = arith.constant 0 : i32
    %dma_wait3A_197 = arith.constant 0 : i32
    %dma_wait3A_198 = tpu.memref_slice %arg4[%dma_wait3A_196, %dma_wait3A_197] : memref<102400x128xf32, #tpu.memory_space<hbm>> -> memref<8x128xf32, #tpu.memory_space<hbm>>
    %dma_wait3A_199 = arith.constant 0 : i32
    %dma_wait3A_200 = arith.constant 0 : i32
    %dma_wait3A_201 = tpu.memref_slice %arg4[%dma_wait3A_199, %dma_wait3A_200] : memref<102400x128xf32, #tpu.memory_space<hbm>> -> memref<8x128xf32, #tpu.memory_space<hbm>>
    %dma_wait3A_202 = arith.constant 0 : i32
    %dma_wait3A_203 = arith.constant 0 : i32
    %dma_wait3A_204 = tpu.memref_slice %arg9[%dma_wait3A_202, %dma_wait3A_203] : memref<64x135xf32, #tpu.memory_space<vmem>> -> memref<8x128xf32, #tpu.memory_space<vmem>>
    tpu.wait_dma2 semaphore(%arg13 : memref<!tpu.dma_semaphore, #tpu.memory_space<semaphore_mem>>) src(%dma_wait3A_204 : memref<8x128xf32, #tpu.memory_space<vmem>>) dst(%dma_wait3A_201 : memref<8x128xf32, #tpu.memory_space<hbm>>)
    %dma_wait3A_205 = arith.constant 0 : i32
    %dma_wait3A_206 = arith.constant 0 : i32
    %dma_wait3A_207 = tpu.memref_slice %arg9[%dma_wait3A_205, %dma_wait3A_206] : memref<64x135xf32, #tpu.memory_space<vmem>> -> memref<8x128xf32, #tpu.memory_space<vmem>>
    %dma_wait3A_208 = arith.constant 0 : i32
    %dma_wait3A_209 = arith.constant 0 : i32
    %dma_wait3A_210 = tpu.memref_slice %arg4[%dma_wait3A_208, %dma_wait3A_209] : memref<102400x128xf32, #tpu.memory_space<hbm>> -> memref<8x128xf32, #tpu.memory_space<hbm>>
    %dma_wait3A_211 = arith.constant 0 : i32
    %dma_wait3A_212 = arith.constant 0 : i32
    %dma_wait3A_213 = tpu.memref_slice %arg4[%dma_wait3A_211, %dma_wait3A_212] : memref<102400x128xf32, #tpu.memory_space<hbm>> -> memref<8x128xf32, #tpu.memory_space<hbm>>
    %dma_wait3A_214 = arith.constant 0 : i32
    %dma_wait3A_215 = arith.constant 0 : i32
    %dma_wait3A_216 = tpu.memref_slice %arg9[%dma_wait3A_214, %dma_wait3A_215] : memref<64x135xf32, #tpu.memory_space<vmem>> -> memref<8x128xf32, #tpu.memory_space<vmem>>
    tpu.wait_dma2 semaphore(%arg13 : memref<!tpu.dma_semaphore, #tpu.memory_space<semaphore_mem>>) src(%dma_wait3A_216 : memref<8x128xf32, #tpu.memory_space<vmem>>) dst(%dma_wait3A_213 : memref<8x128xf32, #tpu.memory_space<hbm>>)
    return
  }
}

module attributes {stable_mosaic.version = 14 : i64} {
  func.func @_fuse_body(%arg0: i32, %arg1: memref<2048x128xf32, #tpu.memory_space<vmem>>, %arg2: memref<128x64xf32, #tpu.memory_space<vmem>>, %arg3: memref<1x64xf32, #tpu.memory_space<vmem>>, %arg4: memref<64x2048xf32, #tpu.memory_space<vmem>>, %arg5: memref<2048x128xf32, #tpu.memory_space<vmem>>) attributes {dimension_semantics = [#tpu.dimension_semantics<arbitrary>], iteration_bounds = array<i64: 49>, scalar_prefetch = 0 : i64, scratch_operands = 0 : i64, tpu.core_type = #tpu.core_type<tc>, window_params = [{transform_indices = @transform_0, window_bounds = array<i64: 2048, 128>}, {pipeline_mode = #tpu.pipeline_mode<synchronous>, transform_indices = @transform_1, window_bounds = array<i64: 128, 64>}, {pipeline_mode = #tpu.pipeline_mode<synchronous>, transform_indices = @transform_2, window_bounds = array<i64: 1, 64>}, {transform_indices = @transform_3, window_bounds = array<i64: 64, 2048>}, {transform_indices = @transform_4, window_bounds = array<i64: 2048, 128>}]} {
    %get3A = arith.constant 0 : index
    %get3A_0 = arith.constant 0 : index
    %get3A_1 = vector.load %arg1[%get3A, %get3A_0] : memref<2048x128xf32, #tpu.memory_space<vmem>>, vector<2048x128xf32>
    %get3A_2 = arith.constant 0 : index
    %get3A_3 = arith.constant 0 : index
    %get3A_4 = vector.load %arg2[%get3A_2, %get3A_3] : memref<128x64xf32, #tpu.memory_space<vmem>>, vector<128x64xf32>
    %dot_general3A = arith.constant dense<0.000000e+00> : vector<2048x64xf32>
    %dot_general3A_5 = tpu.matmul %get3A_1, %get3A_4, %dot_general3A {dimension_numbers = #tpu.dot_dimension_numbers<[1], [0], [0], [1], [0, 0, 1, 1], [], []>, transpose_lhs_hint = false} : vector<2048x128xf32>, vector<128x64xf32>, vector<2048x64xf32> -> vector<2048x64xf32>
    %get3A_6 = arith.constant 0 : index
    %get3A_7 = arith.constant 0 : index
    %get3A_8 = vector.load %arg3[%get3A_6, %get3A_7] : memref<1x64xf32, #tpu.memory_space<vmem>>, vector<1x64xf32>
    %add3A = vector.broadcast %get3A_8 : vector<1x64xf32> to vector<2048x64xf32>
    %add3A_9 = arith.addf %dot_general3A_5, %add3A : vector<2048x64xf32>
    %get3A_10 = arith.constant 0 : index
    %get3A_11 = arith.constant 0 : index
    %get3A_12 = vector.load %arg4[%get3A_10, %get3A_11] : memref<64x2048xf32, #tpu.memory_space<vmem>>, vector<64x2048xf32>
    %transpose3A = tpu.transpose %get3A_12, [1, 0] : vector<64x2048xf32> -> vector<2048x64xf32>
    %add3A_13 = arith.addf %add3A_9, %transpose3A : vector<2048x64xf32>
    %swap3A = arith.constant 0 : index
    %swap3A_14 = arith.constant 0 : index
    %swap3A_15 = vector.load %arg5[%swap3A, %swap3A_14] : memref<2048x128xf32, #tpu.memory_space<vmem>>, vector<2048x64xf32>
    tpu.vector_store %arg5[%swap3A, %swap3A_14], %add3A_13 {strides = array<i32>} : memref<2048x128xf32, #tpu.memory_space<vmem>>, vector<2048x64xf32>,
    return
  }
  func.func @transform_0(%arg0: i32) -> (i32, i32) {
    %c0_i32 = arith.constant 0 : i32
    %c0_i32_0 = arith.constant 0 : i32
    return %arg0, %c0_i32 : i32, i32
  }
  func.func @transform_1(%arg0: i32) -> (i32, i32) {
    %c0_i32 = arith.constant 0 : i32
    %c0_i32_0 = arith.constant 0 : i32
    %c0_i32_1 = arith.constant 0 : i32
    return %c0_i32, %c0_i32_0 : i32, i32
  }
  func.func @transform_2(%arg0: i32) -> (i32, i32) {
    %c0_i32 = arith.constant 0 : i32
    %c0_i32_0 = arith.constant 0 : i32
    %c0_i32_1 = arith.constant 0 : i32
    return %c0_i32, %c0_i32_0 : i32, i32
  }
  func.func @transform_3(%arg0: i32) -> (i32, i32) {
    %c0_i32 = arith.constant 0 : i32
    %c0_i32_0 = arith.constant 0 : i32
    return %c0_i32, %arg0 : i32, i32
  }
  func.func @transform_4(%arg0: i32) -> (i32, i32) {
    %c0_i32 = arith.constant 0 : i32
    %c0_i32_0 = arith.constant 0 : i32
    return %arg0, %c0_i32 : i32, i32
  }
}

</mosaic_0001>

<sc_bundles>
// kernel: kernel.4.cloned.1.call-start
scs
__scs_entry_jumppad:
0x0: {  	(pc) =	sbr.rel $0x88, $3  }
0x1: {  	(tag) =	ssettag $0x0;
	lr =	simm.s32 $0x1  }
0x2: {  	[smem:$0x3F9C] =	sst lr;
	_ =	strace $0xD0000000  }
0x3: {  	_ = 	snop  }
0x4: {  	_ = 	snop  }
0x5: {  	_ = 	snop  }
0x6: {  	_ = 	snop  }
0x7: {  	_ = 	snop  }
__scs_overlays_trampoline_lowered:
0x8: {  	[smem:$0x3FAB] =	sst s0  }
0x9: {  	[smem:$0x3FAC] =	sst s1  }
0xa: {  	[smem:$0x3FAD] =	sst s2  }
0xb: {  	[smem:$0x3FAE] =	sst s3  }
0xc: {  	[smem:$0x3FAF] =	sst s4  }
0xd: {  	[smem:$0x3FB0] =	sst s5  }
0xe: {  	[smem:$0x3FB1] =	sst s6  }
0xf: {  	[smem:$0x3FB2] =	sst s7  }
0x10: {  	[smem:$0x3FB3] =	sst s8  }
0x11: {  	[smem:$0x3FB4] =	sst s9;
	s0 =	simm.s32 @!p0 $0x0  }
0x12: {  	s1 =	sld [smem:$0x3F9A];
	s0 =	simm.s32 @p0 $0x1  }
0x13: {  	[smem:$0x3FB5] =	sst s0;
	s0 =	simm.s32 @!p1 $0x0  }
0x14: {  	s2 =	sld [smem:$0x3F99];
	s0 =	simm.s32 @p1 $0x1  }
0x15: {  	[smem:$0x3FB6] =	sst s0;
	s0 =	simm.s32 @!p2 $0x0  }
0x16: {  	s3 =	sld [smem:$0x3FDB];
	s0 =	simm.s32 @p2 $0x1  }
0x17: {  	s4 =	simm.s32 $0x1BF5;
	[smem:$0x3FB8] =	sst s0  }
0x18: {  	s0 =	sld [smem:$0x3F9B];
	_ =	swait.ge [sflag:s4], $0x0  }
0x19: {  	s7 =	sld [smem:$0x3F9C]  }
0x1a: {  	s8 =	sadd.s32 $0xFFFFE003, lr  }
0x1b: {  	s9 =	sadd.s32 $0xFFFFFEF7, lr;
	s5 =	simm.s32 $0xFFFFFFFF;
	p2 =	slt.u32 s8, $0xFFFFF086  }
0x1c: {  	p1 =	slt.u32 s9, $0xF7A;
	s5 =	simm.s32 @!p2 $0x0  }
0x1d: {  	s5 =	simm.s32 @p1 $0x1;
	p0 =	seq.s32 s7, s2  }
0x1e: {  	s7 =	smul.u32 @!p0 $0xF7A, s2;
	p2 =	seq.s32 @!p0 s5, $0x0  }
0x1f: {  	s9 =	smul.u32 $0xF7A, s1;
	s8 =	simm.s32 @!p0 $0x1BF5;
	p2 =	por !p2, p0  }
0x20: {  	[sflag:s8] =	ssyncset.s32 @!p0 $0xFFFFF086;
	s6 =	sadd.s32 @!p0 s3, s7;
	s7 =	simm.s32 @!p0 $0x108  }
0x21: {  	s3 =	sadd.s32 s3, s9;
	s6 =	sadd.s32 @!p0 $0x88, s6;
	s7 =	simm.s32 @p2 $0x1082  }
0x22: {  	[simem:s7], [sflag:s8] =	dma.local @!p0 [hbm:s6], $0xF7A  }
0x23: {  	s9 =	sor.u32 $0xD0000000, s2;
	s6 =	simm.s32 $0x108;
	_ =	swait.ge @!p0 [sflag:s8], $0x0  }
0x24: {  	s3 =	sadd.s32 $0x88, s3;
	s6 =	simm.s32 @!p1 $0x1082;
	[sflag:s4] =	ssyncset.s32 $0xFFFFF086  }
0x25: {  	[simem:s6], [sflag:s4] =	dma.local [hbm:s3], $0xF7A  }
0x26: {  	[smem:$0x3F9C] =	sst s1;
	(tag) =	ssettag s2;
	_ =	strace s9  }
0x27: {  	s1 =	sld [smem:$0x3FAC]  }
0x28: {  	s2 =	sld [smem:$0x3FAD]  }
0x29: {  	s4 =	sld [smem:$0x3FAF]  }
0x2a: {  	p0 =	seq.s32 s5, $0x0;
	s5 =	sld [smem:$0x3FB0]  }
0x2b: {  	s6 =	sld [smem:$0x3FB1]  }
0x2c: {  	s7 =	sld [smem:$0x3FB2]  }
0x2d: {  	s3 =	simm.s32 $0x108;
	s8 =	sld [smem:$0x3FB3]  }
0x2e: {  	s3 =	simm.s32 @!p0 $0x1082;
	s9 =	sld [smem:$0x3FB4]  }
0x2f: {  	lr =	sadd.s32 s0, s3;
	s0 =	sld [smem:$0x3FAB]  }
0x30: {  	s3 =	sld [smem:$0x3FAE]  }
0x31: {  	[smem:$0x3FB7] =	sst s10  }
0x32: {  	s10 =	sld [smem:$0x3FB5];
	_ =	sdelay $0x3  }
0x33: {  	p0 =	seq.s32 s10, $0x1;
	s10 =	sld [smem:$0x3FB7];
	_ =	sdelay $0x3  }
0x34: {  	[smem:$0x3FB7] =	sst s10  }
0x35: {  	s10 =	sld [smem:$0x3FB6];
	_ =	sdelay $0x3  }
0x36: {  	p1 =	seq.s32 s10, $0x1;
	s10 =	sld [smem:$0x3FB7];
	_ =	sdelay $0x3  }
0x37: {  	[smem:$0x3FB7] =	sst s10  }
0x38: {  	s10 =	sld [smem:$0x3FB8]  }
0x39: {  	_ = 	snop;
	(pc) =	sbr.ind lr, $3  }
0x3a: {  	_ = 	snop  }
0x3b: {  	_ = 	snop  }
0x3c: {  	p2 =	seq.s32 s10, $0x1;
	s10 =	sld [smem:$0x3FB7]  }
0x3d: {  	_ =	shalt  }
0x3e: {  	_ =	shalt  }
0x3f: {  	_ =	shalt  }
0x40: {  	_ =	shalt  }
0x41: {  	_ =	shalt  }
0x42: {  	_ =	shalt  }
0x43: {  	_ =	shalt  }
0x44: {  	_ =	shalt  }
0x45: {  	_ =	shalt  }
0x46: {  	_ =	shalt  }
0x47: {  	_ =	shalt  }
0x48: {  	_ =	shalt  }
0x49: {  	_ =	shalt  }
0x4a: {  	_ =	shalt  }
0x4b: {  	_ =	shalt  }
0x4c: {  	_ =	shalt  }
0x4d: {  	_ =	shalt  }
0x4e: {  	_ =	shalt  }
0x4f: {  	_ =	shalt  }
0x50: {  	_ =	shalt  }
0x51: {  	_ =	shalt  }
0x52: {  	_ =	shalt  }
0x53: {  	_ =	shalt  }
0x54: {  	_ =	shalt  }
0x55: {  	_ =	shalt  }
0x56: {  	_ =	shalt  }
0x57: {  	_ =	shalt  }
0x58: {  	_ =	shalt  }
0x59: {  	_ =	shalt  }
0x5a: {  	_ =	shalt  }
0x5b: {  	_ =	shalt  }
0x5c: {  	_ =	shalt  }
0x5d: {  	_ =	shalt  }
0x5e: {  	_ =	shalt  }
0x5f: {  	_ =	shalt  }
0x60: {  	_ =	shalt  }
0x61: {  	_ =	shalt  }
0x62: {  	_ =	shalt  }
0x63: {  	_ =	shalt  }
0x64: {  	_ =	shalt  }
0x65: {  	_ =	shalt  }
0x66: {  	_ =	shalt  }
0x67: {  	_ =	shalt  }
0x68: {  	_ =	shalt  }
0x69: {  	_ =	shalt  }
0x6a: {  	_ =	shalt  }
0x6b: {  	_ =	shalt  }
0x6c: {  	_ =	shalt  }
0x6d: {  	_ =	shalt  }
0x6e: {  	_ =	shalt  }
0x6f: {  	_ =	shalt  }
0x70: {  	_ =	shalt  }
0x71: {  	_ =	shalt  }
0x72: {  	_ =	shalt  }
0x73: {  	_ =	shalt  }
0x74: {  	_ =	shalt  }
0x75: {  	_ =	shalt  }
0x76: {  	_ =	shalt  }
0x77: {  	_ =	shalt  }
0x78: {  	_ =	shalt  }
0x79: {  	_ =	shalt  }
0x7a: {  	_ =	shalt  }
0x7b: {  	_ =	shalt  }
0x7c: {  	_ =	shalt  }
0x7d: {  	_ =	shalt  }
0x7e: {  	_ =	shalt  }
0x7f: {  	_ =	shalt  }
0x80: {  	_ =	shalt  }
0x81: {  	_ =	shalt  }
0x82: {  	_ =	shalt  }
0x83: {  	_ =	shalt  }
0x84: {  	_ =	shalt  }
0x85: {  	_ =	shalt  }
0x86: {  	_ =	shalt  }
0x87: {  	_ =	shalt  }
.Lfunc_end0:
.L_simem_size_0:
called_computation_lowered:
.L_overlay_start_0:
0x88: {  	s2 =	sld [smem:$0x3FD9]  }
0x89: {  	s3 =	sld [smem:$0x3FFE];
	_ =	sdelay $0x1  }
0x8a: {  	s1 =	srdreg.scid  }
0x8b: {  	s0 =	sand.u32 $0x1, s1  }
0x8c: {  	s17 =	sshll.u32 s0, $0xA;
	s2 =	sadd.s32 s3, s2  }
0x8d: {  	s2 =	sadd.s32 s2, s17  }
0x8e: {  	[smem:$0x3FC3] =	sst s2  }
0x8f: {  	_ = 	snop  }
0x90: {  	s2 =	sld [smem:$0x3FD0];
	(tm) =	ssettm $0x1  }
0x91: {  	s18 =	sld [smem:$0x3FFB];
	_ =	sdelay $0x3  }
0x92: {  	_ =	strace s18  }
0x93: {  	s3 =	sld [smem:$0x3FFC];
	_ =	sdelay $0x3  }
0x94: {  	_ =	strace s3  }
0x95: {  	s3 =	sld [smem:$0x3FFD];
	_ =	sdelay $0x3  }
0x96: {  	_ =	strace s3  }
0x97: {  	_ =	strace $0x8FFFFFFF  }
0x98: {  	s19 =	sld [smem:$0x3FDB];
	_ =	sdelay $0x1  }
0x99: {  	s4 =	simm.s32 $_scs_section_size  }
0x9a: {  	s5 =	simm.s32 $_size__tile_overlayer_lowered;
	s6 =	simm.s32 $_tile_overlayer_lowered  }
0x9b: {  	s22 =	simm.s32 $0x1BFF;
	s21 =	sshll.u32 s6, $0x1;
	s3 =	sadd.s32 s4, s19  }
0x9c: {  	s7 =	simm.s32 $0x0;
	s20 =	sshll.u32 s5, $0x1;
	s5 =	sadd.s32 s21, s3  }
0x9d: {  	[timem:s7], [sflag:s22] =	dma.local [hbm:s5], s20  }
0x9e: {  	_ =	swait.ge [sflag:s22], s20  }
0x9f: {  	s4 =	ssub.s32 $0x0, s20;
	[sflag:s22] =	ssyncset.done $0x0  }
0xa0: {  	[sflag:s22] =	ssyncadd.s32 s4;
	_ =	sdelay $0x1  }
0xa1: {  	s23 =	simm.s32 $0x1B8B  }
0xa2: {  	_ =	swait.ge [sflag:s23], $0x1  }
0xa3: {  	[sflag:s23] =	ssyncset.done $0x0  }
0xa4: {  	s25 =	simm.s32 $0x1B8E;
	s24 =	sld [smem:$0x3FFE];
	[sflag:s23] =	ssyncadd.s32 $0xFFFFFFFF  }
0xa5: {  	s26 =	simm.s32 $execute0_lowered;
	[smem:$0x3FD2] =	sst s25  }
0xa6: {  	s5 =	sshll.u32 s26, $0x1;
	_ =	strace $0x80000046;
	[dreg:$0x1] =	wrdreg $0xFFFFFFFF  }
0xa7: {  	s28 =	simm.s32 $_size_execute0_lowered;
	s3 =	sadd.s32 s3, s5;
	[dreg:$0x0] =	wrdreg $0x0  }
0xa8: {  	s5 =	sshll.u32 s28, $0x1;
	[dreg:$0x2] =	wrdreg s3  }
0xa9: {  	[dreg:$0x3] =	wrdreg s5  }
0xaa: {  	[dreg:$0x4] =	wrdreg $0xC0  }
0xab: {  	_ =	task [dreg:s7], $0x5FFFF  }
0xac: {  	[dreg:$0x1] =	wrdreg $0xFFFFFFFF  }
0xad: {  	[dreg:$0x0] =	wrdreg $0x60  }
0xae: {  	[dreg:$0x2] =	wrdreg s24  }
0xaf: {  	[dreg:$0x3] =	wrdreg s2  }
0xb0: {  	[dreg:$0x4] =	wrdreg $0x9  }
0xb1: {  	_ =	task.clear_ibuf [dreg:s7], $0x5FFFF;
	_ =	strace $0x90000046  }
0xb2: {  	s29 =	simm.s32 $0x9;
	_ =	strace $0x80000048  }
0xb3: {  	_ =	swait.ge [sflag:s29], $0x1  }
0xb4: {  	[sflag:s29] =	ssyncadd.s32 $0xFFFFFFFF  }
0xb5: {  	_ =	strace $0x90000048  }
0xb6: {  	_ =	sfence  }
0xb7: {  	s30 =	sld [smem:$0x0];
	_ =	sdelay $0x2  }
0xb8: {  	s31 =	sshll.u32 s1, $0xD;
	s1 =	sshrl.u32 s1, $0x2  }
0xb9: {  	s3 =	sand.u32 $0x4000, s31;
	s1 =	sadd.s32 s1, s30  }
0xba: {  	s0 =	sor.u32 s3, s0;
	s1 =	sshll.u32 s1, $0x11  }
0xbb: {  	s0 =	sor.u32 s1, s0  }
0xbc: {  	s0 =	sadd.s32 $0x8F2B, s0  }
0xbd: {  	[sflag:s0] =	ssyncadd.remote.s32 $0x1  }
0xbe: {  	_ =	sfence.sel $0xFFFF  }
0xbf: {  	[dreg:$0x0] =	wrdreg $0xFFFFFFFF;
	(pc) =	sbr.abs _section_cstart, $3  }
0xc0: {  	[dreg:$0x1] =	wrdreg $0xFFFFFFFF  }
0xc1: {  	_ =	task.clear_ibuf [dreg:s7], $0x2FFFF;
	_ =	strace $0x9FFFFFFF  }
0xc2: {  	(tm) =	ssettm $0x7FFFFFFF  }
0xc3: {  	_ =	shalt  }
tec
execute0_lowered:
.L_overlay_start_1:
0x0: {  	(tag) =	ssettag $0x1  }
0x1: {  	s0 =	rddreg [dreg:$0x0];
	s1 =	srdreg.scid  }
0x2: {  	s3 =	stileid.u32;
	s2 =	rddreg [dreg:$0x1];
	v0 =	vlaneseq.u32  }
0x3: {  	s18 =	simm.s32 $0x1;
	s20 =	simm.s32 $0x5900;
	s17 =	simm.s32 $0x2;
	v0 =	vmul.u32 $0x88, v0  }
0x4: {  	v1 =	vimm.s32 $0x0;
	vm0 =	vcmask $0x300;
	s23 =	simm.s32 $0x9838;
	s24 =	simm.s32 $0x98C0;
	s28 =	simm.s32 $0x9A58  }
0x5: {  	s29 =	simm.s32 $0x9AE0;
	s30 =	simm.s32 $0x9B68;
	s31 =	simm.s32 $0x9BF0;
	v1 =	vsel vm0, $0x3, v1;
	v2 =	vadd.s32 $0x880, v0  }
0x6: {  	s15 =	simm.s32 $0x0;
	s1 =	sand.u32 $0x1, s1;
	s4 =	sshll.u32 s3, $0x1;
	v3 =	vadd.s32 $0x1100, v0;
	v4 =	vadd.s32 $0x1980, v0;
	v5 =	vor.u32 $0x1, v0  }
0x7: {  	s3 =	simm.s32 $0x0;
	s8 =	sadd.s32 $0x2000, s2;
	s9 =	sadd.s32 $0x3000, s2;
	v6 =	vadd.s32 $0x881, v0;
	v7 =	vadd.s32 $0x1101, v0;
	v8 =	vadd.s32 $0x1981, v0  }
0x8: {  	s10 =	sadd.s32 $0x4000, s2;
	s11 =	sadd.s32 $0x5000, s2;
	s12 =	sadd.s32 $0x6000, s2;
	v9 =	vor.u32 $0x2, v0;
	v10 =	vadd.s32 $0x882, v0;
	v11 =	vadd.s32 $0x1102, v0  }
0x9: {  	s13 =	sadd.s32 $0x7000, s2;
	s5 =	sor.u32 s1, s4;
	s1 =	ssub.s32 $0x2, s1;
	v12 =	vadd.s32 $0x1982, v0;
	v13 =	vor.u32 $0x3, v0;
	v14 =	vadd.s32 $0x883, v0  }
0xa: {  	[smem:$0x7FF] =	sst s3;
	s4 =	smul.u32 $0x320, s5;
	s6 =	sshrl.u32 s1, $0x1;
	v15 =	vadd.s32 $0x1103, v0;
	v16 =	vadd.s32 $0x1983, v0;
	v17 =	vor.u32 $0x4, v0  }
0xb: {  	_ =	strace $0x80000047;
	v18 =	vadd.s32 $0x884, v0;
	v19 =	vadd.s32 $0x1104, v0;
	v20 =	vadd.s32 $0x1984, v0;
	s25 =	ssub.s32 s1, s6;
	s6 =	sshll.u32 s5, $0x7  }
0xc: {  	v21 =	vor.u32 $0x5, v0;
	v22 =	vadd.s32 $0x885, v0;
	v23 =	vadd.s32 $0x1105, v0;
	s5 =	simm.s32 $0x7B00;
	s1 =	simm.s32 $0x9C78;
	s7 =	sadd.s32 s4, s0  }
0xd: {  	v24 =	vadd.s32 $0x1985, v0;
	v25 =	vor.u32 $0x6, v0;
	v26 =	vadd.s32 $0x886, v0;
	s4 =	sadd.s32 $0x6A00, s0;
	s0 =	smax.u32 s25, $0x1;
	s25 =	simm.s32 $0x9948  }
0xe: {  	v27 =	vadd.s32 $0x1106, v0;
	v28 =	vadd.s32 $0x1986, v0;
	v29 =	vor.u32 $0x7, v0;
	s26 =	sadd.s32 $0x600, s7;
	s7 =	sadd.s32 $0x1000, s2;
	[dreg:$0x4] =	wrdreg s0  }
0xf: {  	v30 =	vadd.s32 $0x887, v0;
	v31 =	vadd.s32 $0x1107, v0;
	v32 =	vadd.s32 $0x1987, v0;
	s0 =	simm.s32 $0x4;
	[dreg:$0x3] =	wrdreg s26;
	s26 =	simm.s32 $0x99D0  }
.LBB2_1:
0x10: {  	[dreg:$0x5] =	wrdreg s15  }
0x11: {  	s14 =	rddreg [dreg:$0x3];
	s19 =	simm.s32 $0x5  }
0x12: {  	[tilespmem:s3], [sflag:$0x5] =	stream.linear.gather [hbm4b:s14+s3], $0x1900, $0x38;
	[tilespmem:$0x9D00] =	vst v63  }
0x13: {  	_ =	swait.ge [sflag:s19], $0x1900  }
0x14: {  	s21 =	simm.s32 $0x80;
	[sflag:s19] =	ssyncset.done $0x0  }
0x15: {  	s22 =	simm.s32 $0x1900;
	s14 =	simm.s32 $0x0;
	[sflag:s19] =	ssyncadd.s32 $0xFFFFE700  }
0x16: {  	[tilespmem:s22], [sflag:$0x1] =	stream.indirect.gather [hbm4b:s4+s21], $0x40, s3, s21, $0xb8;
	[tilespmem:$0x9D00] =	vst v63  }
.LBB2_2:
0x17: {  	_ =	swait.ge [sflag:s18], $0x2000;
	s15 =	sshllo.u32 s14, $0x1;
	s19 =	simm.s32 $0x80  }
0x18: {  	s21 =	simm.s32 $0x3900;
	[sflag:s18] =	ssyncset.done $0x0;
	s16 =	sshll.u32 s15, $0x7  }
0x19: {  	p0 =	seq.s32 s14, $0x0;
	[sflag:s18] =	ssyncadd.s32 $0xFFFFE000;
	s16 =	sand.u32 $0x3FFFFF80, s16  }
0x1a: {  	[tilespmem:s21], [sflag:$0x2] =	stream.indirect.gather [hbm4b:s4+s19], $0x40, s16, s19, $0xb8;
	[tilespmem:$0x9D00] =	vst v63  }
0x1b: {  	s16 =	simm.s32 @!p0 $0x3  }
0x1c: {  	_ =	swait.ge @!p0 [sflag:s16], $0x400  }
0x1d: {  	[sflag:s16] =	ssyncset.done @!p0 $0x0  }
0x1e: {  	[sflag:s16] =	ssyncadd.s32 @!p0 $0xFFFFFC00  }
0x1f: {  	_ =	swait.ge @!p0 [sflag:s16], $0x400  }
0x20: {  	[sflag:s16] =	ssyncset.done @!p0 $0x0  }
0x21: {  	[sflag:s16] =	ssyncadd.s32 @!p0 $0xFFFFFC00  }
0x22: {  	_ =	swait.ge @!p0 [sflag:s16], $0x400  }
0x23: {  	[sflag:s16] =	ssyncset.done @!p0 $0x0  }
0x24: {  	[sflag:s16] =	ssyncadd.s32 @!p0 $0xFFFFFC00  }
0x25: {  	_ =	swait.ge @!p0 [sflag:s16], $0x400  }
0x26: {  	[sflag:s16] =	ssyncset.done @!p0 $0x0  }
0x27: {  	[sflag:s16] =	ssyncadd.s32 @!p0 $0xFFFFFC00  }
0x28: {  	_ =	swait.ge @!p0 [sflag:s16], $0x400  }
0x29: {  	[sflag:s16] =	ssyncset.done @!p0 $0x0  }
0x2a: {  	[sflag:s16] =	ssyncadd.s32 @!p0 $0xFFFFFC00  }
0x2b: {  	_ =	swait.ge @!p0 [sflag:s16], $0x400  }
0x2c: {  	[sflag:s16] =	ssyncset.done @!p0 $0x0  }
0x2d: {  	[sflag:s16] =	ssyncadd.s32 @!p0 $0xFFFFFC00  }
0x2e: {  	s21 =	simm.s32 $0x0;
	_ =	swait.ge @!p0 [sflag:s16], $0x400  }
0x2f: {  	v33 =	vmov s21;
	[sflag:s16] =	ssyncset.done @!p0 $0x0  }
0x30: {  	v33 =	vshrl.u32 v33, $0x3;
	[sflag:s16] =	ssyncadd.s32 @!p0 $0xFFFFFC00  }
0x31: {  	v33 =	vshll.u32 v33, v1;
	_ =	swait.ge @!p0 [sflag:s16], $0x400  }
0x32: {  	v33 =	vbroadcast v33, $0x0;
	[sflag:s16] =	ssyncset.done @!p0 $0x0  }
0x33: {  	[sflag:s16] =	ssyncadd.s32 @!p0 $0xFFFFFC00;
	s16 =	simm.s32 $0x1A00  }
0x34: {  	v35 =	vadd.s32 v0, v33;
	v34 =	vld [tilespmem:s16+$0xFFFFFF00];
	_ =	sdelay $0x4  }
0x35: {  	[tilespmem:v35+s20+$0x0] =	vst.idx.msk $0xffff, v34  }
0x36: {  	v56 =	vadd.s32 v2, v33;
	v34 =	vld [tilespmem:s16+$0xFFFFFF10];
	_ =	sdelay $0x4  }
0x37: {  	[tilespmem:v56+s20+$0x0] =	vst.idx.msk $0xffff, v34  }
0x38: {  	v57 =	vadd.s32 v3, v33;
	v34 =	vld [tilespmem:s16+$0xFFFFFF20];
	_ =	sdelay $0x4  }
0x39: {  	[tilespmem:v57+s20+$0x0] =	vst.idx.msk $0xffff, v34  }
0x3a: {  	s22 =	simm.s32 $0x1;
	v33 =	vadd.s32 v4, v33;
	v34 =	vld [tilespmem:s16+$0xFFFFFF30]  }
0x3b: {  	v58 =	vmov s22  }
0x3c: {  	v35 =	vshrl.u32 v58, $0x3  }
0x3d: {  	v35 =	vshll.u32 v35, v1  }
0x3e: {  	v35 =	vbroadcast v35, $0x0  }
0x3f: {  	[tilespmem:v33+s20+$0x0] =	vst.idx.msk $0xffff, v34  }
0x40: {  	v59 =	vadd.s32 v5, v35;
	v33 =	vld [tilespmem:s16+$0xFFFFFF40];
	_ =	sdelay $0x4  }
0x41: {  	[tilespmem:v59+s20+$0x0] =	vst.idx.msk $0xffff, v33  }
0x42: {  	v60 =	vadd.s32 v6, v35;
	v33 =	vld [tilespmem:s16+$0xFFFFFF50];
	_ =	sdelay $0x4  }
0x43: {  	[tilespmem:v60+s20+$0x0] =	vst.idx.msk $0xffff, v33  }
0x44: {  	v61 =	vadd.s32 v7, v35;
	v33 =	vld [tilespmem:s16+$0xFFFFFF60];
	_ =	sdelay $0x4  }
0x45: {  	[tilespmem:v61+s20+$0x0] =	vst.idx.msk $0xffff, v33  }
0x46: {  	s21 =	simm.s32 $0x2;
	v62 =	vadd.s32 v8, v35;
	v33 =	vld [tilespmem:s16+$0xFFFFFF70]  }
0x47: {  	v63 =	vmov s21  }
0x48: {  	v35 =	vshrl.u32 v63, $0x3  }
0x49: {  	v35 =	vshll.u32 v35, v1  }
0x4a: {  	v35 =	vbroadcast v35, $0x0  }
0x4b: {  	[tilespmem:v62+s20+$0x0] =	vst.idx.msk $0xffff, v33  }
0x4c: {  	v36 =	vadd.s32 v9, v35;
	v33 =	vld [tilespmem:s16+$0xFFFFFF80];
	_ =	sdelay $0x4  }
0x4d: {  	[tilespmem:v36+s20+$0x0] =	vst.idx.msk $0xffff, v33  }
0x4e: {  	v37 =	vadd.s32 v10, v35;
	v33 =	vld [tilespmem:s16+$0xFFFFFF90];
	_ =	sdelay $0x4  }
0x4f: {  	[tilespmem:v37+s20+$0x0] =	vst.idx.msk $0xffff, v33  }
0x50: {  	v38 =	vadd.s32 v11, v35;
	v33 =	vld [tilespmem:s16+$0xFFFFFFA0];
	_ =	sdelay $0x4  }
0x51: {  	[tilespmem:v38+s20+$0x0] =	vst.idx.msk $0xffff, v33  }
0x52: {  	s22 =	simm.s32 $0x3;
	v39 =	vadd.s32 v12, v35;
	v33 =	vld [tilespmem:s16+$0xFFFFFFB0]  }
0x53: {  	v40 =	vmov s22  }
0x54: {  	v35 =	vshrl.u32 v40, $0x3  }
0x55: {  	v35 =	vshll.u32 v35, v1  }
0x56: {  	v35 =	vbroadcast v35, $0x0  }
0x57: {  	[tilespmem:v39+s20+$0x0] =	vst.idx.msk $0xffff, v33  }
0x58: {  	v41 =	vadd.s32 v13, v35;
	v33 =	vld [tilespmem:s16+$0xFFFFFFC0];
	_ =	sdelay $0x4  }
0x59: {  	[tilespmem:v41+s20+$0x0] =	vst.idx.msk $0xffff, v33  }
0x5a: {  	v42 =	vadd.s32 v14, v35;
	v33 =	vld [tilespmem:s16+$0xFFFFFFD0];
	_ =	sdelay $0x4  }
0x5b: {  	[tilespmem:v42+s20+$0x0] =	vst.idx.msk $0xffff, v33  }
0x5c: {  	v43 =	vadd.s32 v15, v35;
	v33 =	vld [tilespmem:s16+$0xFFFFFFE0];
	_ =	sdelay $0x4  }
0x5d: {  	[tilespmem:v43+s20+$0x0] =	vst.idx.msk $0xffff, v33  }
0x5e: {  	s21 =	simm.s32 $0x4;
	v44 =	vadd.s32 v16, v35;
	v33 =	vld [tilespmem:s16+$0xFFFFFFF0]  }
0x5f: {  	v45 =	vmov s21  }
0x60: {  	v35 =	vshrl.u32 v45, $0x3  }
0x61: {  	v35 =	vshll.u32 v35, v1  }
0x62: {  	v35 =	vbroadcast v35, $0x0  }
0x63: {  	[tilespmem:v44+s20+$0x0] =	vst.idx.msk $0xffff, v33  }
0x64: {  	v46 =	vadd.s32 v17, v35;
	v33 =	vld [tilespmem:s16+$0x0];
	_ =	sdelay $0x4  }
0x65: {  	[tilespmem:v46+s20+$0x0] =	vst.idx.msk $0xffff, v33  }
0x66: {  	v47 =	vadd.s32 v18, v35;
	v33 =	vld [tilespmem:s16+$0x10];
	_ =	sdelay $0x4  }
0x67: {  	[tilespmem:v47+s20+$0x0] =	vst.idx.msk $0xffff, v33  }
0x68: {  	v48 =	vadd.s32 v19, v35;
	v33 =	vld [tilespmem:s16+$0x20];
	_ =	sdelay $0x4  }
0x69: {  	[tilespmem:v48+s20+$0x0] =	vst.idx.msk $0xffff, v33  }
0x6a: {  	s22 =	simm.s32 $0x5;
	v49 =	vadd.s32 v20, v35;
	v33 =	vld [tilespmem:s16+$0x30]  }
0x6b: {  	v50 =	vmov s22  }
0x6c: {  	v35 =	vshrl.u32 v50, $0x3  }
0x6d: {  	v35 =	vshll.u32 v35, v1  }
0x6e: {  	v35 =	vbroadcast v35, $0x0  }
0x6f: {  	[tilespmem:v49+s20+$0x0] =	vst.idx.msk $0xffff, v33  }
0x70: {  	v51 =	vadd.s32 v21, v35;
	v33 =	vld [tilespmem:s16+$0x40];
	_ =	sdelay $0x4  }
0x71: {  	[tilespmem:v51+s20+$0x0] =	vst.idx.msk $0xffff, v33  }
0x72: {  	v52 =	vadd.s32 v22, v35;
	v33 =	vld [tilespmem:s16+$0x50];
	_ =	sdelay $0x4  }
0x73: {  	[tilespmem:v52+s20+$0x0] =	vst.idx.msk $0xffff, v33  }
0x74: {  	v53 =	vadd.s32 v23, v35;
	v33 =	vld [tilespmem:s16+$0x60];
	_ =	sdelay $0x4  }
0x75: {  	[tilespmem:v53+s20+$0x0] =	vst.idx.msk $0xffff, v33  }
0x76: {  	s21 =	simm.s32 $0x6;
	v54 =	vadd.s32 v24, v35;
	v33 =	vld [tilespmem:s16+$0x70]  }
0x77: {  	v55 =	vmov s21  }
0x78: {  	v35 =	vshrl.u32 v55, $0x3  }
0x79: {  	v35 =	vshll.u32 v35, v1  }
0x7a: {  	v35 =	vbroadcast v35, $0x0  }
0x7b: {  	[tilespmem:v54+s20+$0x0] =	vst.idx.msk $0xffff, v33  }
0x7c: {  	v56 =	vadd.s32 v25, v35;
	v33 =	vld [tilespmem:s16+$0x80];
	_ =	sdelay $0x4  }
0x7d: {  	[tilespmem:v56+s20+$0x0] =	vst.idx.msk $0xffff, v33  }
0x7e: {  	v57 =	vadd.s32 v26, v35;
	v33 =	vld [tilespmem:s16+$0x90];
	_ =	sdelay $0x4  }
0x7f: {  	[tilespmem:v57+s20+$0x0] =	vst.idx.msk $0xffff, v33  }
0x80: {  	v58 =	vadd.s32 v27, v35;
	v33 =	vld [tilespmem:s16+$0xA0];
	_ =	sdelay $0x4  }
0x81: {  	[tilespmem:v58+s20+$0x0] =	vst.idx.msk $0xffff, v33  }
0x82: {  	s22 =	simm.s32 $0x7;
	v59 =	vadd.s32 v28, v35;
	v33 =	vld [tilespmem:s16+$0xB0]  }
0x83: {  	v60 =	vmov s22  }
0x84: {  	v35 =	vshrl.u32 v60, $0x3  }
0x85: {  	v35 =	vshll.u32 v35, v1  }
0x86: {  	v35 =	vbroadcast v35, $0x0  }
0x87: {  	[tilespmem:v59+s20+$0x0] =	vst.idx.msk $0xffff, v33  }
0x88: {  	v61 =	vadd.s32 v29, v35;
	v33 =	vld [tilespmem:s16+$0xC0];
	_ =	sdelay $0x4  }
0x89: {  	[tilespmem:v61+s20+$0x0] =	vst.idx.msk $0xffff, v33  }
0x8a: {  	v62 =	vadd.s32 v30, v35;
	v33 =	vld [tilespmem:s16+$0xD0];
	_ =	sdelay $0x4  }
0x8b: {  	[tilespmem:v62+s20+$0x0] =	vst.idx.msk $0xffff, v33  }
0x8c: {  	v63 =	vadd.s32 v31, v35;
	v33 =	vld [tilespmem:s16+$0xE0];
	_ =	sdelay $0x4  }
0x8d: {  	[tilespmem:v63+s20+$0x0] =	vst.idx.msk $0xffff, v33  }
0x8e: {  	s19 =	simm.s32 $0xF;
	s21 =	simm.s32 $0x17;
	s22 =	simm.s32 $0x8;
	v34 =	vadd.s32 v32, v35;
	v33 =	vld [tilespmem:s16+$0xF0]  }
.LBB2_3:
0x8f: {  	p0 =	sne.s32 s21, $0x7F;
	v35 =	vmov s22  }
0x90: {  	v35 =	vshrl.u32 v35, $0x3  }
0x91: {  	v35 =	vshll.u32 v35, v1  }
0x92: {  	v35 =	vbroadcast v35, $0x0  }
0x93: {  	s16 =	sadd.s32 $0x200, s16;
	[tilespmem:v34+s20+$0x0] =	vst.idx.msk $0xffff, v33  }
0x94: {  	v33 =	vld [tilespmem:s16+$0xFFFFFF00];
	v34 =	vadd.s32 v0, v35;
	_ =	sdelay $0x4  }
0x95: {  	[tilespmem:v34+s20+$0x0] =	vst.idx.msk $0xffff, v33  }
0x96: {  	v34 =	vadd.s32 v2, v35;
	v33 =	vld [tilespmem:s16+$0xFFFFFF10];
	_ =	sdelay $0x4  }
0x97: {  	[tilespmem:v34+s20+$0x0] =	vst.idx.msk $0xffff, v33  }
0x98: {  	v34 =	vadd.s32 v3, v35;
	v33 =	vld [tilespmem:s16+$0xFFFFFF20];
	_ =	sdelay $0x4  }
0x99: {  	[tilespmem:v34+s20+$0x0] =	vst.idx.msk $0xffff, v33  }
0x9a: {  	s22 =	sadd.s32 $0xFFFFFFFA, s19;
	v34 =	vadd.s32 v4, v35;
	v33 =	vld [tilespmem:s16+$0xFFFFFF30]  }
0x9b: {  	v35 =	vmov s22  }
0x9c: {  	v35 =	vshrl.u32 v35, $0x3  }
0x9d: {  	v35 =	vshll.u32 v35, v1  }
0x9e: {  	v35 =	vbroadcast v35, $0x0  }
0x9f: {  	[tilespmem:v34+s20+$0x0] =	vst.idx.msk $0xffff, v33  }
0xa0: {  	v34 =	vadd.s32 v5, v35;
	v33 =	vld [tilespmem:s16+$0xFFFFFF40];
	_ =	sdelay $0x4  }
0xa1: {  	[tilespmem:v34+s20+$0x0] =	vst.idx.msk $0xffff, v33  }
0xa2: {  	v34 =	vadd.s32 v6, v35;
	v33 =	vld [tilespmem:s16+$0xFFFFFF50];
	_ =	sdelay $0x4  }
0xa3: {  	[tilespmem:v34+s20+$0x0] =	vst.idx.msk $0xffff, v33  }
0xa4: {  	v34 =	vadd.s32 v7, v35;
	v33 =	vld [tilespmem:s16+$0xFFFFFF60];
	_ =	sdelay $0x4  }
0xa5: {  	[tilespmem:v34+s20+$0x0] =	vst.idx.msk $0xffff, v33  }
0xa6: {  	s22 =	sadd.s32 $0xFFFFFFFB, s19;
	v34 =	vadd.s32 v8, v35;
	v33 =	vld [tilespmem:s16+$0xFFFFFF70]  }
0xa7: {  	v35 =	vmov s22  }
0xa8: {  	v35 =	vshrl.u32 v35, $0x3  }
0xa9: {  	v35 =	vshll.u32 v35, v1  }
0xaa: {  	v35 =	vbroadcast v35, $0x0  }
0xab: {  	[tilespmem:v34+s20+$0x0] =	vst.idx.msk $0xffff, v33  }
0xac: {  	v34 =	vadd.s32 v9, v35;
	v33 =	vld [tilespmem:s16+$0xFFFFFF80];
	_ =	sdelay $0x4  }
0xad: {  	[tilespmem:v34+s20+$0x0] =	vst.idx.msk $0xffff, v33  }
0xae: {  	v34 =	vadd.s32 v10, v35;
	v33 =	vld [tilespmem:s16+$0xFFFFFF90];
	_ =	sdelay $0x4  }
0xaf: {  	[tilespmem:v34+s20+$0x0] =	vst.idx.msk $0xffff, v33  }
0xb0: {  	v34 =	vadd.s32 v11, v35;
	v33 =	vld [tilespmem:s16+$0xFFFFFFA0];
	_ =	sdelay $0x4  }
0xb1: {  	[tilespmem:v34+s20+$0x0] =	vst.idx.msk $0xffff, v33  }
0xb2: {  	s22 =	sadd.s32 $0xFFFFFFFC, s19;
	v34 =	vadd.s32 v12, v35;
	v33 =	vld [tilespmem:s16+$0xFFFFFFB0]  }
0xb3: {  	v35 =	vmov s22  }
0xb4: {  	v35 =	vshrl.u32 v35, $0x3  }
0xb5: {  	v35 =	vshll.u32 v35, v1  }
0xb6: {  	v35 =	vbroadcast v35, $0x0  }
0xb7: {  	[tilespmem:v34+s20+$0x0] =	vst.idx.msk $0xffff, v33  }
0xb8: {  	v34 =	vadd.s32 v13, v35;
	v33 =	vld [tilespmem:s16+$0xFFFFFFC0];
	_ =	sdelay $0x4  }
0xb9: {  	[tilespmem:v34+s20+$0x0] =	vst.idx.msk $0xffff, v33  }
0xba: {  	v34 =	vadd.s32 v14, v35;
	v33 =	vld [tilespmem:s16+$0xFFFFFFD0];
	_ =	sdelay $0x4  }
0xbb: {  	[tilespmem:v34+s20+$0x0] =	vst.idx.msk $0xffff, v33  }
0xbc: {  	v34 =	vadd.s32 v15, v35;
	v33 =	vld [tilespmem:s16+$0xFFFFFFE0];
	_ =	sdelay $0x4  }
0xbd: {  	[tilespmem:v34+s20+$0x0] =	vst.idx.msk $0xffff, v33  }
0xbe: {  	s22 =	sadd.s32 $0xFFFFFFFD, s19;
	v34 =	vadd.s32 v16, v35;
	v33 =	vld [tilespmem:s16+$0xFFFFFFF0]  }
0xbf: {  	v35 =	vmov s22  }
0xc0: {  	v35 =	vshrl.u32 v35, $0x3  }
0xc1: {  	v35 =	vshll.u32 v35, v1  }
0xc2: {  	v35 =	vbroadcast v35, $0x0  }
0xc3: {  	[tilespmem:v34+s20+$0x0] =	vst.idx.msk $0xffff, v33  }
0xc4: {  	v34 =	vadd.s32 v17, v35;
	v33 =	vld [tilespmem:s16+$0x0];
	_ =	sdelay $0x4  }
0xc5: {  	[tilespmem:v34+s20+$0x0] =	vst.idx.msk $0xffff, v33  }
0xc6: {  	v34 =	vadd.s32 v18, v35;
	v33 =	vld [tilespmem:s16+$0x10];
	_ =	sdelay $0x4  }
0xc7: {  	[tilespmem:v34+s20+$0x0] =	vst.idx.msk $0xffff, v33  }
0xc8: {  	v34 =	vadd.s32 v19, v35;
	v33 =	vld [tilespmem:s16+$0x20];
	_ =	sdelay $0x4  }
0xc9: {  	[tilespmem:v34+s20+$0x0] =	vst.idx.msk $0xffff, v33  }
0xca: {  	s22 =	sadd.s32 $0xFFFFFFFE, s19;
	v34 =	vadd.s32 v20, v35;
	v33 =	vld [tilespmem:s16+$0x30]  }
0xcb: {  	v35 =	vmov s22  }
0xcc: {  	v35 =	vshrl.u32 v35, $0x3  }
0xcd: {  	v35 =	vshll.u32 v35, v1  }
0xce: {  	v35 =	vbroadcast v35, $0x0  }
0xcf: {  	[tilespmem:v34+s20+$0x0] =	vst.idx.msk $0xffff, v33  }
0xd0: {  	v34 =	vadd.s32 v21, v35;
	v33 =	vld [tilespmem:s16+$0x40];
	_ =	sdelay $0x4  }
0xd1: {  	[tilespmem:v34+s20+$0x0] =	vst.idx.msk $0xffff, v33  }
0xd2: {  	v34 =	vadd.s32 v22, v35;
	v33 =	vld [tilespmem:s16+$0x50];
	_ =	sdelay $0x4  }
0xd3: {  	[tilespmem:v34+s20+$0x0] =	vst.idx.msk $0xffff, v33  }
0xd4: {  	v34 =	vadd.s32 v23, v35;
	v33 =	vld [tilespmem:s16+$0x60];
	_ =	sdelay $0x4  }
0xd5: {  	[tilespmem:v34+s20+$0x0] =	vst.idx.msk $0xffff, v33  }
0xd6: {  	s22 =	sadd.s32 $0xFFFFFFFF, s19;
	v34 =	vadd.s32 v24, v35;
	v33 =	vld [tilespmem:s16+$0x70]  }
0xd7: {  	v35 =	vmov s22  }
0xd8: {  	v35 =	vshrl.u32 v35, $0x3  }
0xd9: {  	v35 =	vshll.u32 v35, v1  }
0xda: {  	v35 =	vbroadcast v35, $0x0  }
0xdb: {  	[tilespmem:v34+s20+$0x0] =	vst.idx.msk $0xffff, v33  }
0xdc: {  	v34 =	vadd.s32 v25, v35;
	v33 =	vld [tilespmem:s16+$0x80];
	_ =	sdelay $0x4  }
0xdd: {  	[tilespmem:v34+s20+$0x0] =	vst.idx.msk $0xffff, v33  }
0xde: {  	v34 =	vadd.s32 v26, v35;
	v33 =	vld [tilespmem:s16+$0x90];
	_ =	sdelay $0x4  }
0xdf: {  	[tilespmem:v34+s20+$0x0] =	vst.idx.msk $0xffff, v33  }
0xe0: {  	v34 =	vadd.s32 v27, v35;
	v33 =	vld [tilespmem:s16+$0xA0];
	_ =	sdelay $0x4  }
0xe1: {  	[tilespmem:v34+s20+$0x0] =	vst.idx.msk $0xffff, v33  }
0xe2: {  	v34 =	vadd.s32 v28, v35;
	v33 =	vld [tilespmem:s16+$0xB0]  }
0xe3: {  	v35 =	vmov s19;
	s19 =	smov.u32 s21  }
0xe4: {  	v35 =	vshrl.u32 v35, $0x3  }
0xe5: {  	v35 =	vshll.u32 v35, v1  }
0xe6: {  	v35 =	vbroadcast v35, $0x0  }
0xe7: {  	[tilespmem:v34+s20+$0x0] =	vst.idx.msk $0xffff, v33  }
0xe8: {  	v34 =	vadd.s32 v29, v35;
	v33 =	vld [tilespmem:s16+$0xC0];
	_ =	sdelay $0x4  }
0xe9: {  	[tilespmem:v34+s20+$0x0] =	vst.idx.msk $0xffff, v33  }
0xea: {  	v34 =	vadd.s32 v30, v35;
	v33 =	vld [tilespmem:s16+$0xD0];
	_ =	sdelay $0x4  }
0xeb: {  	[tilespmem:v34+s20+$0x0] =	vst.idx.msk $0xffff, v33  }
0xec: {  	v34 =	vadd.s32 v31, v35;
	v33 =	vld [tilespmem:s16+$0xE0];
	_ =	sdelay $0x1  }
.Ltmp0:
0xed: {  	(pc) =	sbr.rel @p0 .LBB2_3-.Ltmp0, $3  }
0xee: {  	_ =	sdelay $0x1  }
0xef: {  	[tilespmem:v34+s20+$0x0] =	vst.idx.msk $0xffff, v33  }
0xf0: {  	s21 =	sadd.s32 $0x8, s21;
	s22 =	sadd.s32 $0xFFFFFFF9, s19;
	v34 =	vadd.s32 v32, v35;
	v33 =	vld [tilespmem:s16+$0xF0]  }
0xf1: {  	v35 =	vmov s22  }
0xf2: {  	v35 =	vshrl.u32 v35, $0x3  }
0xf3: {  	v35 =	vshll.u32 v35, v1  }
0xf4: {  	v35 =	vbroadcast v35, $0x0  }
0xf5: {  	s16 =	sadd.s32 $0x200, s16;
	[tilespmem:v34+s20+$0x0] =	vst.idx.msk $0xffff, v33  }
0xf6: {  	v33 =	vld [tilespmem:s16+$0xFFFFFF00];
	v42 =	vadd.s32 v0, v35;
	_ =	sdelay $0x4  }
0xf7: {  	[tilespmem:v42+s20+$0x0] =	vst.idx.msk $0xffff, v33  }
0xf8: {  	v43 =	vadd.s32 v2, v35;
	v33 =	vld [tilespmem:s16+$0xFFFFFF10];
	_ =	sdelay $0x4  }
0xf9: {  	[tilespmem:v43+s20+$0x0] =	vst.idx.msk $0xffff, v33  }
0xfa: {  	v44 =	vadd.s32 v3, v35;
	v33 =	vld [tilespmem:s16+$0xFFFFFF20];
	_ =	sdelay $0x4  }
0xfb: {  	[tilespmem:v44+s20+$0x0] =	vst.idx.msk $0xffff, v33  }
0xfc: {  	s21 =	sadd.s32 $0xFFFFFFFA, s19;
	v45 =	vadd.s32 v4, v35;
	v33 =	vld [tilespmem:s16+$0xFFFFFF30]  }
0xfd: {  	v46 =	vmov s21  }
0xfe: {  	v35 =	vshrl.u32 v46, $0x3  }
0xff: {  	v35 =	vshll.u32 v35, v1  }
0x100: {  	v35 =	vbroadcast v35, $0x0  }
0x101: {  	[tilespmem:v45+s20+$0x0] =	vst.idx.msk $0xffff, v33  }
0x102: {  	v47 =	vadd.s32 v5, v35;
	v33 =	vld [tilespmem:s16+$0xFFFFFF40];
	_ =	sdelay $0x4  }
0x103: {  	[tilespmem:v47+s20+$0x0] =	vst.idx.msk $0xffff, v33  }
0x104: {  	v48 =	vadd.s32 v6, v35;
	v33 =	vld [tilespmem:s16+$0xFFFFFF50];
	_ =	sdelay $0x4  }
0x105: {  	[tilespmem:v48+s20+$0x0] =	vst.idx.msk $0xffff, v33  }
0x106: {  	v49 =	vadd.s32 v7, v35;
	v33 =	vld [tilespmem:s16+$0xFFFFFF60];
	_ =	sdelay $0x4  }
0x107: {  	[tilespmem:v49+s20+$0x0] =	vst.idx.msk $0xffff, v33  }
0x108: {  	s22 =	sadd.s32 $0xFFFFFFFB, s19;
	v50 =	vadd.s32 v8, v35;
	v33 =	vld [tilespmem:s16+$0xFFFFFF70]  }
0x109: {  	v51 =	vmov s22  }
0x10a: {  	v35 =	vshrl.u32 v51, $0x3  }
0x10b: {  	v35 =	vshll.u32 v35, v1  }
0x10c: {  	v35 =	vbroadcast v35, $0x0  }
0x10d: {  	[tilespmem:v50+s20+$0x0] =	vst.idx.msk $0xffff, v33  }
0x10e: {  	v52 =	vadd.s32 v9, v35;
	v33 =	vld [tilespmem:s16+$0xFFFFFF80];
	_ =	sdelay $0x4  }
0x10f: {  	[tilespmem:v52+s20+$0x0] =	vst.idx.msk $0xffff, v33  }
0x110: {  	v53 =	vadd.s32 v10, v35;
	v33 =	vld [tilespmem:s16+$0xFFFFFF90];
	_ =	sdelay $0x4  }
0x111: {  	[tilespmem:v53+s20+$0x0] =	vst.idx.msk $0xffff, v33  }
0x112: {  	v54 =	vadd.s32 v11, v35;
	v33 =	vld [tilespmem:s16+$0xFFFFFFA0];
	_ =	sdelay $0x4  }
0x113: {  	[tilespmem:v54+s20+$0x0] =	vst.idx.msk $0xffff, v33  }
0x114: {  	s22 =	sadd.s32 $0xFFFFFFFC, s19;
	v55 =	vadd.s32 v12, v35;
	v33 =	vld [tilespmem:s16+$0xFFFFFFB0]  }
0x115: {  	v56 =	vmov s22  }
0x116: {  	v35 =	vshrl.u32 v56, $0x3  }
0x117: {  	v35 =	vshll.u32 v35, v1  }
0x118: {  	v35 =	vbroadcast v35, $0x0  }
0x119: {  	[tilespmem:v55+s20+$0x0] =	vst.idx.msk $0xffff, v33  }
0x11a: {  	v57 =	vadd.s32 v13, v35;
	v33 =	vld [tilespmem:s16+$0xFFFFFFC0];
	_ =	sdelay $0x4  }
0x11b: {  	[tilespmem:v57+s20+$0x0] =	vst.idx.msk $0xffff, v33  }
0x11c: {  	v58 =	vadd.s32 v14, v35;
	v33 =	vld [tilespmem:s16+$0xFFFFFFD0];
	_ =	sdelay $0x4  }
0x11d: {  	[tilespmem:v58+s20+$0x0] =	vst.idx.msk $0xffff, v33  }
0x11e: {  	v59 =	vadd.s32 v15, v35;
	v33 =	vld [tilespmem:s16+$0xFFFFFFE0];
	_ =	sdelay $0x4  }
0x11f: {  	[tilespmem:v59+s20+$0x0] =	vst.idx.msk $0xffff, v33  }
0x120: {  	s22 =	sadd.s32 $0xFFFFFFFD, s19;
	v60 =	vadd.s32 v16, v35;
	v33 =	vld [tilespmem:s16+$0xFFFFFFF0]  }
0x121: {  	v61 =	vmov s22  }
0x122: {  	v35 =	vshrl.u32 v61, $0x3  }
0x123: {  	v35 =	vshll.u32 v35, v1  }
0x124: {  	v35 =	vbroadcast v35, $0x0  }
0x125: {  	[tilespmem:v60+s20+$0x0] =	vst.idx.msk $0xffff, v33  }
0x126: {  	v62 =	vadd.s32 v17, v35;
	v33 =	vld [tilespmem:s16+$0x0];
	_ =	sdelay $0x4  }
0x127: {  	[tilespmem:v62+s20+$0x0] =	vst.idx.msk $0xffff, v33  }
0x128: {  	v63 =	vadd.s32 v18, v35;
	v33 =	vld [tilespmem:s16+$0x10];
	_ =	sdelay $0x4  }
0x129: {  	[tilespmem:v63+s20+$0x0] =	vst.idx.msk $0xffff, v33  }
0x12a: {  	v36 =	vadd.s32 v19, v35;
	v33 =	vld [tilespmem:s16+$0x20];
	_ =	sdelay $0x4  }
0x12b: {  	[tilespmem:v36+s20+$0x0] =	vst.idx.msk $0xffff, v33  }
0x12c: {  	s22 =	sadd.s32 $0xFFFFFFFE, s19;
	v37 =	vadd.s32 v20, v35;
	v33 =	vld [tilespmem:s16+$0x30]  }
0x12d: {  	v38 =	vmov s22  }
0x12e: {  	v35 =	vshrl.u32 v38, $0x3  }
0x12f: {  	v35 =	vshll.u32 v35, v1  }
0x130: {  	v35 =	vbroadcast v35, $0x0  }
0x131: {  	[tilespmem:v37+s20+$0x0] =	vst.idx.msk $0xffff, v33  }
0x132: {  	v39 =	vadd.s32 v21, v35;
	v33 =	vld [tilespmem:s16+$0x40];
	_ =	sdelay $0x4  }
0x133: {  	[tilespmem:v39+s20+$0x0] =	vst.idx.msk $0xffff, v33  }
0x134: {  	v40 =	vadd.s32 v22, v35;
	v33 =	vld [tilespmem:s16+$0x50];
	_ =	sdelay $0x4  }
0x135: {  	[tilespmem:v40+s20+$0x0] =	vst.idx.msk $0xffff, v33  }
0x136: {  	v41 =	vadd.s32 v23, v35;
	v33 =	vld [tilespmem:s16+$0x60];
	_ =	sdelay $0x4  }
0x137: {  	[tilespmem:v41+s20+$0x0] =	vst.idx.msk $0xffff, v33  }
0x138: {  	s22 =	sadd.s32 $0xFFFFFFFF, s19;
	v42 =	vadd.s32 v24, v35;
	v33 =	vld [tilespmem:s16+$0x70]  }
0x139: {  	v43 =	vmov s22  }
0x13a: {  	v35 =	vshrl.u32 v43, $0x3  }
0x13b: {  	v35 =	vshll.u32 v35, v1  }
0x13c: {  	v35 =	vbroadcast v35, $0x0  }
0x13d: {  	[tilespmem:v42+s20+$0x0] =	vst.idx.msk $0xffff, v33  }
0x13e: {  	v44 =	vadd.s32 v25, v35;
	v33 =	vld [tilespmem:s16+$0x80];
	_ =	sdelay $0x4  }
0x13f: {  	[tilespmem:v44+s20+$0x0] =	vst.idx.msk $0xffff, v33  }
0x140: {  	v45 =	vadd.s32 v26, v35;
	v33 =	vld [tilespmem:s16+$0x90];
	_ =	sdelay $0x4  }
0x141: {  	[tilespmem:v45+s20+$0x0] =	vst.idx.msk $0xffff, v33  }
0x142: {  	v46 =	vadd.s32 v27, v35;
	v33 =	vld [tilespmem:s16+$0xA0];
	_ =	sdelay $0x4  }
0x143: {  	[tilespmem:v46+s20+$0x0] =	vst.idx.msk $0xffff, v33  }
0x144: {  	v47 =	vadd.s32 v28, v35;
	v33 =	vld [tilespmem:s16+$0xB0]  }
0x145: {  	v48 =	vmov s19  }
0x146: {  	v35 =	vshrl.u32 v48, $0x3  }
0x147: {  	v35 =	vshll.u32 v35, v1  }
0x148: {  	v35 =	vbroadcast v35, $0x0  }
0x149: {  	[tilespmem:v47+s20+$0x0] =	vst.idx.msk $0xffff, v33  }
0x14a: {  	v49 =	vadd.s32 v29, v35;
	v33 =	vld [tilespmem:s16+$0xC0];
	_ =	sdelay $0x4  }
0x14b: {  	[tilespmem:v49+s20+$0x0] =	vst.idx.msk $0xffff, v33  }
0x14c: {  	v50 =	vadd.s32 v30, v35;
	v33 =	vld [tilespmem:s16+$0xD0];
	_ =	sdelay $0x4  }
0x14d: {  	[tilespmem:v50+s20+$0x0] =	vst.idx.msk $0xffff, v33  }
0x14e: {  	v51 =	vadd.s32 v31, v35;
	v33 =	vld [tilespmem:s16+$0xE0];
	_ =	sdelay $0x4  }
0x14f: {  	[tilespmem:v51+s20+$0x0] =	vst.idx.msk $0xffff, v33  }
0x150: {  	v52 =	vadd.s32 v32, v35;
	v33 =	vld [tilespmem:s16+$0xF0];
	_ =	sdelay $0x2  }
0x151: {  	s21 =	sshll.u32 s14, $0x10  }
0x152: {  	s16 =	sor.u32 s6, s21  }
0x153: {  	s19 =	sadd.s32 s2, s16;
	[tilespmem:v52+s20+$0x0] =	vst.idx.msk $0xffff, v33  }
0x154: {  	[hbm4b:s19+s3] =	stream.linear.scatter [tilespmem:s20], [sflag:$0x3], $0x80, $0x38;
	[tilespmem:$0x9D00] =	vst v63  }
0x155: {  	s22 =	simm.s32 $0x5988;
	s21 =	sadd.s32 $0x10, s19  }
0x156: {  	[hbm4b:s21+s3] =	stream.linear.scatter [tilespmem:s22], [sflag:$0x3], $0x80, $0x38;
	[tilespmem:$0x9D00] =	vst v63  }
0x157: {  	s21 =	sadd.s32 $0x20, s19;
	s22 =	simm.s32 $0x5A10  }
0x158: {  	[hbm4b:s21+s3] =	stream.linear.scatter [tilespmem:s22], [sflag:$0x3], $0x80, $0x38;
	[tilespmem:$0x9D00] =	vst v63  }
0x159: {  	s21 =	sadd.s32 $0x30, s19;
	s22 =	simm.s32 $0x5A98  }
0x15a: {  	[hbm4b:s21+s3] =	stream.linear.scatter [tilespmem:s22], [sflag:$0x3], $0x80, $0x38;
	[tilespmem:$0x9D00] =	vst v63  }
0x15b: {  	s21 =	sadd.s32 $0x40, s19;
	s22 =	simm.s32 $0x5B20  }
0x15c: {  	[hbm4b:s21+s3] =	stream.linear.scatter [tilespmem:s22], [sflag:$0x3], $0x80, $0x38;
	[tilespmem:$0x9D00] =	vst v63  }
0x15d: {  	s21 =	sadd.s32 $0x50, s19;
	s22 =	simm.s32 $0x5BA8  }
0x15e: {  	[hbm4b:s21+s3] =	stream.linear.scatter [tilespmem:s22], [sflag:$0x3], $0x80, $0x38;
	[tilespmem:$0x9D00] =	vst v63  }
0x15f: {  	s21 =	sadd.s32 $0x60, s19;
	s22 =	simm.s32 $0x5C30  }
0x160: {  	[hbm4b:s21+s3] =	stream.linear.scatter [tilespmem:s22], [sflag:$0x3], $0x80, $0x38;
	[tilespmem:$0x9D00] =	vst v63  }
0x161: {  	s19 =	sadd.s32 $0x70, s19;
	s22 =	simm.s32 $0x5CB8  }
0x162: {  	[hbm4b:s19+s3] =	stream.linear.scatter [tilespmem:s22], [sflag:$0x3], $0x80, $0x38;
	[tilespmem:$0x9D00] =	vst v63  }
0x163: {  	s19 =	sadd.s32 s16, s7;
	s22 =	simm.s32 $0x5D40  }
0x164: {  	[hbm4b:s19+s3] =	stream.linear.scatter [tilespmem:s22], [sflag:$0x3], $0x80, $0x38;
	[tilespmem:$0x9D00] =	vst v63  }
0x165: {  	s21 =	sadd.s32 $0x10, s19;
	s22 =	simm.s32 $0x5DC8  }
0x166: {  	[hbm4b:s21+s3] =	stream.linear.scatter [tilespmem:s22], [sflag:$0x3], $0x80, $0x38;
	[tilespmem:$0x9D00] =	vst v63  }
0x167: {  	s21 =	sadd.s32 $0x20, s19;
	s22 =	simm.s32 $0x5E50  }
0x168: {  	[hbm4b:s21+s3] =	stream.linear.scatter [tilespmem:s22], [sflag:$0x3], $0x80, $0x38;
	[tilespmem:$0x9D00] =	vst v63  }
0x169: {  	s21 =	sadd.s32 $0x30, s19;
	s22 =	simm.s32 $0x5ED8  }
0x16a: {  	[hbm4b:s21+s3] =	stream.linear.scatter [tilespmem:s22], [sflag:$0x3], $0x80, $0x38;
	[tilespmem:$0x9D00] =	vst v63  }
0x16b: {  	s21 =	sadd.s32 $0x40, s19;
	s22 =	simm.s32 $0x5F60  }
0x16c: {  	[hbm4b:s21+s3] =	stream.linear.scatter [tilespmem:s22], [sflag:$0x3], $0x80, $0x38;
	[tilespmem:$0x9D00] =	vst v63  }
0x16d: {  	s21 =	sadd.s32 $0x50, s19;
	s22 =	simm.s32 $0x5FE8  }
0x16e: {  	[hbm4b:s21+s3] =	stream.linear.scatter [tilespmem:s22], [sflag:$0x3], $0x80, $0x38;
	[tilespmem:$0x9D00] =	vst v63  }
0x16f: {  	s21 =	sadd.s32 $0x60, s19;
	s22 =	simm.s32 $0x6070  }
0x170: {  	[hbm4b:s21+s3] =	stream.linear.scatter [tilespmem:s22], [sflag:$0x3], $0x80, $0x38;
	[tilespmem:$0x9D00] =	vst v63  }
0x171: {  	s19 =	sadd.s32 $0x70, s19;
	s22 =	simm.s32 $0x60F8  }
0x172: {  	[hbm4b:s19+s3] =	stream.linear.scatter [tilespmem:s22], [sflag:$0x3], $0x80, $0x38;
	[tilespmem:$0x9D00] =	vst v63  }
0x173: {  	s19 =	sadd.s32 s16, s8;
	s22 =	simm.s32 $0x6180  }
0x174: {  	[hbm4b:s19+s3] =	stream.linear.scatter [tilespmem:s22], [sflag:$0x3], $0x80, $0x38;
	[tilespmem:$0x9D00] =	vst v63  }
0x175: {  	s21 =	sadd.s32 $0x10, s19;
	s22 =	simm.s32 $0x6208  }
0x176: {  	[hbm4b:s21+s3] =	stream.linear.scatter [tilespmem:s22], [sflag:$0x3], $0x80, $0x38;
	[tilespmem:$0x9D00] =	vst v63  }
0x177: {  	s21 =	sadd.s32 $0x20, s19;
	s22 =	simm.s32 $0x6290  }
0x178: {  	[hbm4b:s21+s3] =	stream.linear.scatter [tilespmem:s22], [sflag:$0x3], $0x80, $0x38;
	[tilespmem:$0x9D00] =	vst v63  }
0x179: {  	s21 =	sadd.s32 $0x30, s19;
	s22 =	simm.s32 $0x6318  }
0x17a: {  	[hbm4b:s21+s3] =	stream.linear.scatter [tilespmem:s22], [sflag:$0x3], $0x80, $0x38;
	[tilespmem:$0x9D00] =	vst v63  }
0x17b: {  	s21 =	sadd.s32 $0x40, s19;
	s22 =	simm.s32 $0x63A0  }
0x17c: {  	[hbm4b:s21+s3] =	stream.linear.scatter [tilespmem:s22], [sflag:$0x3], $0x80, $0x38;
	[tilespmem:$0x9D00] =	vst v63  }
0x17d: {  	s21 =	sadd.s32 $0x50, s19;
	s22 =	simm.s32 $0x6428  }
0x17e: {  	[hbm4b:s21+s3] =	stream.linear.scatter [tilespmem:s22], [sflag:$0x3], $0x80, $0x38;
	[tilespmem:$0x9D00] =	vst v63  }
0x17f: {  	s21 =	sadd.s32 $0x60, s19;
	s22 =	simm.s32 $0x64B0  }
0x180: {  	[hbm4b:s21+s3] =	stream.linear.scatter [tilespmem:s22], [sflag:$0x3], $0x80, $0x38;
	[tilespmem:$0x9D00] =	vst v63  }
0x181: {  	s19 =	sadd.s32 $0x70, s19;
	s22 =	simm.s32 $0x6538  }
0x182: {  	[hbm4b:s19+s3] =	stream.linear.scatter [tilespmem:s22], [sflag:$0x3], $0x80, $0x38;
	[tilespmem:$0x9D00] =	vst v63  }
0x183: {  	s19 =	sadd.s32 s16, s9;
	s22 =	simm.s32 $0x65C0  }
0x184: {  	[hbm4b:s19+s3] =	stream.linear.scatter [tilespmem:s22], [sflag:$0x3], $0x80, $0x38;
	[tilespmem:$0x9D00] =	vst v63  }
0x185: {  	s21 =	sadd.s32 $0x10, s19;
	s22 =	simm.s32 $0x6648  }
0x186: {  	[hbm4b:s21+s3] =	stream.linear.scatter [tilespmem:s22], [sflag:$0x3], $0x80, $0x38;
	[tilespmem:$0x9D00] =	vst v63  }
0x187: {  	s21 =	sadd.s32 $0x20, s19;
	s22 =	simm.s32 $0x66D0  }
0x188: {  	[hbm4b:s21+s3] =	stream.linear.scatter [tilespmem:s22], [sflag:$0x3], $0x80, $0x38;
	[tilespmem:$0x9D00] =	vst v63  }
0x189: {  	s21 =	sadd.s32 $0x30, s19;
	s22 =	simm.s32 $0x6758  }
0x18a: {  	[hbm4b:s21+s3] =	stream.linear.scatter [tilespmem:s22], [sflag:$0x3], $0x80, $0x38;
	[tilespmem:$0x9D00] =	vst v63  }
0x18b: {  	s21 =	sadd.s32 $0x40, s19;
	s22 =	simm.s32 $0x67E0  }
0x18c: {  	[hbm4b:s21+s3] =	stream.linear.scatter [tilespmem:s22], [sflag:$0x3], $0x80, $0x38;
	[tilespmem:$0x9D00] =	vst v63  }
0x18d: {  	s21 =	sadd.s32 $0x50, s19;
	s22 =	simm.s32 $0x6868  }
0x18e: {  	[hbm4b:s21+s3] =	stream.linear.scatter [tilespmem:s22], [sflag:$0x3], $0x80, $0x38;
	[tilespmem:$0x9D00] =	vst v63  }
0x18f: {  	s21 =	sadd.s32 $0x60, s19;
	s22 =	simm.s32 $0x68F0  }
0x190: {  	[hbm4b:s21+s3] =	stream.linear.scatter [tilespmem:s22], [sflag:$0x3], $0x80, $0x38;
	[tilespmem:$0x9D00] =	vst v63  }
0x191: {  	s19 =	sadd.s32 $0x70, s19;
	s22 =	simm.s32 $0x6978  }
0x192: {  	[hbm4b:s19+s3] =	stream.linear.scatter [tilespmem:s22], [sflag:$0x3], $0x80, $0x38;
	[tilespmem:$0x9D00] =	vst v63  }
0x193: {  	s19 =	sadd.s32 s16, s10;
	s22 =	simm.s32 $0x6A00  }
0x194: {  	[hbm4b:s19+s3] =	stream.linear.scatter [tilespmem:s22], [sflag:$0x3], $0x80, $0x38;
	[tilespmem:$0x9D00] =	vst v63  }
0x195: {  	s21 =	sadd.s32 $0x10, s19;
	s22 =	simm.s32 $0x6A88  }
0x196: {  	[hbm4b:s21+s3] =	stream.linear.scatter [tilespmem:s22], [sflag:$0x3], $0x80, $0x38;
	[tilespmem:$0x9D00] =	vst v63  }
0x197: {  	s21 =	sadd.s32 $0x20, s19;
	s22 =	simm.s32 $0x6B10  }
0x198: {  	[hbm4b:s21+s3] =	stream.linear.scatter [tilespmem:s22], [sflag:$0x3], $0x80, $0x38;
	[tilespmem:$0x9D00] =	vst v63  }
0x199: {  	s21 =	sadd.s32 $0x30, s19;
	s22 =	simm.s32 $0x6B98  }
0x19a: {  	[hbm4b:s21+s3] =	stream.linear.scatter [tilespmem:s22], [sflag:$0x3], $0x80, $0x38;
	[tilespmem:$0x9D00] =	vst v63  }
0x19b: {  	s21 =	sadd.s32 $0x40, s19;
	s22 =	simm.s32 $0x6C20  }
0x19c: {  	[hbm4b:s21+s3] =	stream.linear.scatter [tilespmem:s22], [sflag:$0x3], $0x80, $0x38;
	[tilespmem:$0x9D00] =	vst v63  }
0x19d: {  	s21 =	sadd.s32 $0x50, s19;
	s22 =	simm.s32 $0x6CA8  }
0x19e: {  	[hbm4b:s21+s3] =	stream.linear.scatter [tilespmem:s22], [sflag:$0x3], $0x80, $0x38;
	[tilespmem:$0x9D00] =	vst v63  }
0x19f: {  	s21 =	sadd.s32 $0x60, s19;
	s22 =	simm.s32 $0x6D30  }
0x1a0: {  	[hbm4b:s21+s3] =	stream.linear.scatter [tilespmem:s22], [sflag:$0x3], $0x80, $0x38;
	[tilespmem:$0x9D00] =	vst v63  }
0x1a1: {  	s19 =	sadd.s32 $0x70, s19;
	s22 =	simm.s32 $0x6DB8  }
0x1a2: {  	[hbm4b:s19+s3] =	stream.linear.scatter [tilespmem:s22], [sflag:$0x3], $0x80, $0x38;
	[tilespmem:$0x9D00] =	vst v63  }
0x1a3: {  	s19 =	sadd.s32 s16, s11;
	s22 =	simm.s32 $0x6E40  }
0x1a4: {  	[hbm4b:s19+s3] =	stream.linear.scatter [tilespmem:s22], [sflag:$0x3], $0x80, $0x38;
	[tilespmem:$0x9D00] =	vst v63  }
0x1a5: {  	s21 =	sadd.s32 $0x10, s19;
	s22 =	simm.s32 $0x6EC8  }
0x1a6: {  	[hbm4b:s21+s3] =	stream.linear.scatter [tilespmem:s22], [sflag:$0x3], $0x80, $0x38;
	[tilespmem:$0x9D00] =	vst v63  }
0x1a7: {  	s21 =	sadd.s32 $0x20, s19;
	s22 =	simm.s32 $0x6F50  }
0x1a8: {  	[hbm4b:s21+s3] =	stream.linear.scatter [tilespmem:s22], [sflag:$0x3], $0x80, $0x38;
	[tilespmem:$0x9D00] =	vst v63  }
0x1a9: {  	s21 =	sadd.s32 $0x30, s19;
	s22 =	simm.s32 $0x6FD8  }
0x1aa: {  	[hbm4b:s21+s3] =	stream.linear.scatter [tilespmem:s22], [sflag:$0x3], $0x80, $0x38;
	[tilespmem:$0x9D00] =	vst v63  }
0x1ab: {  	s21 =	sadd.s32 $0x40, s19;
	s22 =	simm.s32 $0x7060  }
0x1ac: {  	[hbm4b:s21+s3] =	stream.linear.scatter [tilespmem:s22], [sflag:$0x3], $0x80, $0x38;
	[tilespmem:$0x9D00] =	vst v63  }
0x1ad: {  	s21 =	sadd.s32 $0x50, s19;
	s22 =	simm.s32 $0x70E8  }
0x1ae: {  	[hbm4b:s21+s3] =	stream.linear.scatter [tilespmem:s22], [sflag:$0x3], $0x80, $0x38;
	[tilespmem:$0x9D00] =	vst v63  }
0x1af: {  	s21 =	sadd.s32 $0x60, s19;
	s22 =	simm.s32 $0x7170  }
0x1b0: {  	[hbm4b:s21+s3] =	stream.linear.scatter [tilespmem:s22], [sflag:$0x3], $0x80, $0x38;
	[tilespmem:$0x9D00] =	vst v63  }
0x1b1: {  	s19 =	sadd.s32 $0x70, s19;
	s22 =	simm.s32 $0x71F8  }
0x1b2: {  	[hbm4b:s19+s3] =	stream.linear.scatter [tilespmem:s22], [sflag:$0x3], $0x80, $0x38;
	[tilespmem:$0x9D00] =	vst v63  }
0x1b3: {  	s19 =	sadd.s32 s16, s12;
	s22 =	simm.s32 $0x7280  }
0x1b4: {  	[hbm4b:s19+s3] =	stream.linear.scatter [tilespmem:s22], [sflag:$0x3], $0x80, $0x38;
	[tilespmem:$0x9D00] =	vst v63  }
0x1b5: {  	s21 =	sadd.s32 $0x10, s19;
	s22 =	simm.s32 $0x7308  }
0x1b6: {  	[hbm4b:s21+s3] =	stream.linear.scatter [tilespmem:s22], [sflag:$0x3], $0x80, $0x38;
	[tilespmem:$0x9D00] =	vst v63  }
0x1b7: {  	s21 =	sadd.s32 $0x20, s19;
	s22 =	simm.s32 $0x7390  }
0x1b8: {  	[hbm4b:s21+s3] =	stream.linear.scatter [tilespmem:s22], [sflag:$0x3], $0x80, $0x38;
	[tilespmem:$0x9D00] =	vst v63  }
0x1b9: {  	s21 =	sadd.s32 $0x30, s19;
	s22 =	simm.s32 $0x7418  }
0x1ba: {  	[hbm4b:s21+s3] =	stream.linear.scatter [tilespmem:s22], [sflag:$0x3], $0x80, $0x38;
	[tilespmem:$0x9D00] =	vst v63  }
0x1bb: {  	s21 =	sadd.s32 $0x40, s19;
	s22 =	simm.s32 $0x74A0  }
0x1bc: {  	[hbm4b:s21+s3] =	stream.linear.scatter [tilespmem:s22], [sflag:$0x3], $0x80, $0x38;
	[tilespmem:$0x9D00] =	vst v63  }
0x1bd: {  	s21 =	sadd.s32 $0x50, s19;
	s22 =	simm.s32 $0x7528  }
0x1be: {  	[hbm4b:s21+s3] =	stream.linear.scatter [tilespmem:s22], [sflag:$0x3], $0x80, $0x38;
	[tilespmem:$0x9D00] =	vst v63  }
0x1bf: {  	s21 =	sadd.s32 $0x60, s19;
	s22 =	simm.s32 $0x75B0  }
0x1c0: {  	[hbm4b:s21+s3] =	stream.linear.scatter [tilespmem:s22], [sflag:$0x3], $0x80, $0x38;
	[tilespmem:$0x9D00] =	vst v63  }
0x1c1: {  	s19 =	sadd.s32 $0x70, s19;
	s22 =	simm.s32 $0x7638  }
0x1c2: {  	[hbm4b:s19+s3] =	stream.linear.scatter [tilespmem:s22], [sflag:$0x3], $0x80, $0x38;
	[tilespmem:$0x9D00] =	vst v63  }
0x1c3: {  	s16 =	sadd.s32 s16, s13;
	s22 =	simm.s32 $0x76C0  }
0x1c4: {  	[hbm4b:s16+s3] =	stream.linear.scatter [tilespmem:s22], [sflag:$0x3], $0x80, $0x38;
	[tilespmem:$0x9D00] =	vst v63  }
0x1c5: {  	s21 =	sadd.s32 $0x10, s16;
	s22 =	simm.s32 $0x7748  }
0x1c6: {  	[hbm4b:s21+s3] =	stream.linear.scatter [tilespmem:s22], [sflag:$0x3], $0x80, $0x38;
	[tilespmem:$0x9D00] =	vst v63  }
0x1c7: {  	s21 =	sadd.s32 $0x20, s16;
	s22 =	simm.s32 $0x77D0  }
0x1c8: {  	[hbm4b:s21+s3] =	stream.linear.scatter [tilespmem:s22], [sflag:$0x3], $0x80, $0x38;
	[tilespmem:$0x9D00] =	vst v63  }
0x1c9: {  	s21 =	sadd.s32 $0x30, s16;
	s22 =	simm.s32 $0x7858  }
0x1ca: {  	[hbm4b:s21+s3] =	stream.linear.scatter [tilespmem:s22], [sflag:$0x3], $0x80, $0x38;
	[tilespmem:$0x9D00] =	vst v63  }
0x1cb: {  	s21 =	sadd.s32 $0x40, s16;
	s22 =	simm.s32 $0x78E0  }
0x1cc: {  	[hbm4b:s21+s3] =	stream.linear.scatter [tilespmem:s22], [sflag:$0x3], $0x80, $0x38;
	[tilespmem:$0x9D00] =	vst v63  }
0x1cd: {  	s21 =	sadd.s32 $0x50, s16;
	s22 =	simm.s32 $0x7968  }
0x1ce: {  	[hbm4b:s21+s3] =	stream.linear.scatter [tilespmem:s22], [sflag:$0x3], $0x80, $0x38;
	[tilespmem:$0x9D00] =	vst v63  }
0x1cf: {  	s21 =	sadd.s32 $0x60, s16;
	s22 =	simm.s32 $0x79F0  }
0x1d0: {  	[hbm4b:s21+s3] =	stream.linear.scatter [tilespmem:s22], [sflag:$0x3], $0x80, $0x38;
	[tilespmem:$0x9D00] =	vst v63  }
0x1d1: {  	p0 =	seq.s32 s14, $0x18;
	s16 =	sadd.s32 $0x70, s16;
	s22 =	simm.s32 $0x7A78  }
0x1d2: {  	[hbm4b:s16+s3] =	stream.linear.scatter [tilespmem:s22], [sflag:$0x3], $0x80, $0x38;
	[tilespmem:$0x9D00] =	vst v63  }
0x1d3: {  	p1 =	seq.s32 @!p0 s14, $0x0;
	s16 =	sshll.u32 @!p0 s14, $0x8;
	_ =	swait.ge [sflag:s17], $0x2000  }
0x1d4: {  	s19 =	simm.s32 @!p0 $0x80;
	s16 =	sand.u32 @!p0 $0x3FFFFF00, s16;
	[sflag:s17] =	ssyncset.done $0x0  }
0x1d5: {  	s21 =	simm.s32 @!p0 $0x1900;
	s16 =	sadd.s32 @!p0 $0x100, s16;
	[sflag:s17] =	ssyncadd.s32 $0xFFFFE000  }
0x1d6: {  	[tilespmem:s21], [sflag:$0x1] =	stream.indirect.gather @!p0 [hbm4b:s4+s19], $0x40, s16, s19, $0xb8;
	[tilespmem:$0x9D00] =	vst v63  }
0x1d7: {  	p0 =	por p0, !p1  }
0x1d8: {  	_ =	swait.ge @p0 [sflag:s0], $0x400  }
0x1d9: {  	[sflag:s0] =	ssyncset.done @p0 $0x0  }
0x1da: {  	[sflag:s0] =	ssyncadd.s32 @p0 $0xFFFFFC00  }
0x1db: {  	_ =	swait.ge @p0 [sflag:s0], $0x400  }
0x1dc: {  	[sflag:s0] =	ssyncset.done @p0 $0x0  }
0x1dd: {  	[sflag:s0] =	ssyncadd.s32 @p0 $0xFFFFFC00  }
0x1de: {  	_ =	swait.ge @p0 [sflag:s0], $0x400  }
0x1df: {  	[sflag:s0] =	ssyncset.done @p0 $0x0  }
0x1e0: {  	[sflag:s0] =	ssyncadd.s32 @p0 $0xFFFFFC00  }
0x1e1: {  	_ =	swait.ge @p0 [sflag:s0], $0x400  }
0x1e2: {  	[sflag:s0] =	ssyncset.done @p0 $0x0  }
0x1e3: {  	[sflag:s0] =	ssyncadd.s32 @p0 $0xFFFFFC00  }
0x1e4: {  	_ =	swait.ge @p0 [sflag:s0], $0x400  }
0x1e5: {  	[sflag:s0] =	ssyncset.done @p0 $0x0  }
0x1e6: {  	[sflag:s0] =	ssyncadd.s32 @p0 $0xFFFFFC00  }
0x1e7: {  	_ =	swait.ge @p0 [sflag:s0], $0x400  }
0x1e8: {  	[sflag:s0] =	ssyncset.done @p0 $0x0  }
0x1e9: {  	[sflag:s0] =	ssyncadd.s32 @p0 $0xFFFFFC00  }
0x1ea: {  	s21 =	simm.s32 $0x0;
	_ =	swait.ge @p0 [sflag:s0], $0x400  }
0x1eb: {  	v53 =	vmov s21;
	[sflag:s0] =	ssyncset.done @p0 $0x0  }
0x1ec: {  	v33 =	vshrl.u32 v53, $0x3;
	[sflag:s0] =	ssyncadd.s32 @p0 $0xFFFFFC00  }
0x1ed: {  	v33 =	vshll.u32 v33, v1;
	_ =	swait.ge @p0 [sflag:s0], $0x400  }
0x1ee: {  	v33 =	vbroadcast v33, $0x0;
	[sflag:s0] =	ssyncset.done @p0 $0x0  }
0x1ef: {  	s16 =	simm.s32 $0x3A00;
	[sflag:s0] =	ssyncadd.s32 @p0 $0xFFFFFC00  }
0x1f0: {  	v55 =	vadd.s32 v0, v33;
	v54 =	vld [tilespmem:s16+$0xFFFFFF00];
	_ =	sdelay $0x4  }
0x1f1: {  	[tilespmem:v55+s5+$0x0] =	vst.idx.msk $0xffff, v54  }
0x1f2: {  	v56 =	vadd.s32 v2, v33;
	v34 =	vld [tilespmem:s16+$0xFFFFFF10];
	_ =	sdelay $0x4  }
0x1f3: {  	[tilespmem:v56+s5+$0x0] =	vst.idx.msk $0xffff, v34  }
0x1f4: {  	v57 =	vadd.s32 v3, v33;
	v34 =	vld [tilespmem:s16+$0xFFFFFF20];
	_ =	sdelay $0x4  }
0x1f5: {  	[tilespmem:v57+s5+$0x0] =	vst.idx.msk $0xffff, v34  }
0x1f6: {  	s22 =	simm.s32 $0x1;
	v33 =	vadd.s32 v4, v33;
	v34 =	vld [tilespmem:s16+$0xFFFFFF30]  }
0x1f7: {  	v58 =	vmov s22  }
0x1f8: {  	v35 =	vshrl.u32 v58, $0x3  }
0x1f9: {  	v35 =	vshll.u32 v35, v1  }
0x1fa: {  	v35 =	vbroadcast v35, $0x0  }
0x1fb: {  	[tilespmem:v33+s5+$0x0] =	vst.idx.msk $0xffff, v34  }
0x1fc: {  	v59 =	vadd.s32 v5, v35;
	v33 =	vld [tilespmem:s16+$0xFFFFFF40];
	_ =	sdelay $0x4  }
0x1fd: {  	[tilespmem:v59+s5+$0x0] =	vst.idx.msk $0xffff, v33  }
0x1fe: {  	v60 =	vadd.s32 v6, v35;
	v33 =	vld [tilespmem:s16+$0xFFFFFF50];
	_ =	sdelay $0x4  }
0x1ff: {  	[tilespmem:v60+s5+$0x0] =	vst.idx.msk $0xffff, v33  }
0x200: {  	v61 =	vadd.s32 v7, v35;
	v33 =	vld [tilespmem:s16+$0xFFFFFF60];
	_ =	sdelay $0x4  }
0x201: {  	[tilespmem:v61+s5+$0x0] =	vst.idx.msk $0xffff, v33  }
0x202: {  	s21 =	simm.s32 $0x2;
	v62 =	vadd.s32 v8, v35;
	v33 =	vld [tilespmem:s16+$0xFFFFFF70]  }
0x203: {  	v63 =	vmov s21  }
0x204: {  	v35 =	vshrl.u32 v63, $0x3  }
0x205: {  	v35 =	vshll.u32 v35, v1  }
0x206: {  	v35 =	vbroadcast v35, $0x0  }
0x207: {  	[tilespmem:v62+s5+$0x0] =	vst.idx.msk $0xffff, v33  }
0x208: {  	v36 =	vadd.s32 v9, v35;
	v33 =	vld [tilespmem:s16+$0xFFFFFF80];
	_ =	sdelay $0x4  }
0x209: {  	[tilespmem:v36+s5+$0x0] =	vst.idx.msk $0xffff, v33  }
0x20a: {  	v37 =	vadd.s32 v10, v35;
	v33 =	vld [tilespmem:s16+$0xFFFFFF90];
	_ =	sdelay $0x4  }
0x20b: {  	[tilespmem:v37+s5+$0x0] =	vst.idx.msk $0xffff, v33  }
0x20c: {  	v38 =	vadd.s32 v11, v35;
	v33 =	vld [tilespmem:s16+$0xFFFFFFA0];
	_ =	sdelay $0x4  }
0x20d: {  	[tilespmem:v38+s5+$0x0] =	vst.idx.msk $0xffff, v33  }
0x20e: {  	s22 =	simm.s32 $0x3;
	v39 =	vadd.s32 v12, v35;
	v33 =	vld [tilespmem:s16+$0xFFFFFFB0]  }
0x20f: {  	v40 =	vmov s22  }
0x210: {  	v35 =	vshrl.u32 v40, $0x3  }
0x211: {  	v35 =	vshll.u32 v35, v1  }
0x212: {  	v35 =	vbroadcast v35, $0x0  }
0x213: {  	[tilespmem:v39+s5+$0x0] =	vst.idx.msk $0xffff, v33  }
0x214: {  	v41 =	vadd.s32 v13, v35;
	v33 =	vld [tilespmem:s16+$0xFFFFFFC0];
	_ =	sdelay $0x4  }
0x215: {  	[tilespmem:v41+s5+$0x0] =	vst.idx.msk $0xffff, v33  }
0x216: {  	v42 =	vadd.s32 v14, v35;
	v33 =	vld [tilespmem:s16+$0xFFFFFFD0];
	_ =	sdelay $0x4  }
0x217: {  	[tilespmem:v42+s5+$0x0] =	vst.idx.msk $0xffff, v33  }
0x218: {  	v43 =	vadd.s32 v15, v35;
	v33 =	vld [tilespmem:s16+$0xFFFFFFE0];
	_ =	sdelay $0x4  }
0x219: {  	[tilespmem:v43+s5+$0x0] =	vst.idx.msk $0xffff, v33  }
0x21a: {  	s21 =	simm.s32 $0x4;
	v44 =	vadd.s32 v16, v35;
	v33 =	vld [tilespmem:s16+$0xFFFFFFF0]  }
0x21b: {  	v45 =	vmov s21  }
0x21c: {  	v35 =	vshrl.u32 v45, $0x3  }
0x21d: {  	v35 =	vshll.u32 v35, v1  }
0x21e: {  	v35 =	vbroadcast v35, $0x0  }
0x21f: {  	[tilespmem:v44+s5+$0x0] =	vst.idx.msk $0xffff, v33  }
0x220: {  	v46 =	vadd.s32 v17, v35;
	v33 =	vld [tilespmem:s16+$0x0];
	_ =	sdelay $0x4  }
0x221: {  	[tilespmem:v46+s5+$0x0] =	vst.idx.msk $0xffff, v33  }
0x222: {  	v47 =	vadd.s32 v18, v35;
	v33 =	vld [tilespmem:s16+$0x10];
	_ =	sdelay $0x4  }
0x223: {  	[tilespmem:v47+s5+$0x0] =	vst.idx.msk $0xffff, v33  }
0x224: {  	v48 =	vadd.s32 v19, v35;
	v33 =	vld [tilespmem:s16+$0x20];
	_ =	sdelay $0x4  }
0x225: {  	[tilespmem:v48+s5+$0x0] =	vst.idx.msk $0xffff, v33  }
0x226: {  	s22 =	simm.s32 $0x5;
	v49 =	vadd.s32 v20, v35;
	v33 =	vld [tilespmem:s16+$0x30]  }
0x227: {  	v50 =	vmov s22  }
0x228: {  	v35 =	vshrl.u32 v50, $0x3  }
0x229: {  	v35 =	vshll.u32 v35, v1  }
0x22a: {  	v35 =	vbroadcast v35, $0x0  }
0x22b: {  	[tilespmem:v49+s5+$0x0] =	vst.idx.msk $0xffff, v33  }
0x22c: {  	v51 =	vadd.s32 v21, v35;
	v33 =	vld [tilespmem:s16+$0x40];
	_ =	sdelay $0x4  }
0x22d: {  	[tilespmem:v51+s5+$0x0] =	vst.idx.msk $0xffff, v33  }
0x22e: {  	v52 =	vadd.s32 v22, v35;
	v33 =	vld [tilespmem:s16+$0x50];
	_ =	sdelay $0x4  }
0x22f: {  	[tilespmem:v52+s5+$0x0] =	vst.idx.msk $0xffff, v33  }
0x230: {  	v53 =	vadd.s32 v23, v35;
	v33 =	vld [tilespmem:s16+$0x60];
	_ =	sdelay $0x4  }
0x231: {  	[tilespmem:v53+s5+$0x0] =	vst.idx.msk $0xffff, v33  }
0x232: {  	s21 =	simm.s32 $0x6;
	v54 =	vadd.s32 v24, v35;
	v33 =	vld [tilespmem:s16+$0x70]  }
0x233: {  	v55 =	vmov s21  }
0x234: {  	v35 =	vshrl.u32 v55, $0x3  }
0x235: {  	v35 =	vshll.u32 v35, v1  }
0x236: {  	v35 =	vbroadcast v35, $0x0  }
0x237: {  	[tilespmem:v54+s5+$0x0] =	vst.idx.msk $0xffff, v33  }
0x238: {  	v56 =	vadd.s32 v25, v35;
	v33 =	vld [tilespmem:s16+$0x80];
	_ =	sdelay $0x4  }
0x239: {  	[tilespmem:v56+s5+$0x0] =	vst.idx.msk $0xffff, v33  }
0x23a: {  	v57 =	vadd.s32 v26, v35;
	v33 =	vld [tilespmem:s16+$0x90];
	_ =	sdelay $0x4  }
0x23b: {  	[tilespmem:v57+s5+$0x0] =	vst.idx.msk $0xffff, v33  }
0x23c: {  	v58 =	vadd.s32 v27, v35;
	v33 =	vld [tilespmem:s16+$0xA0];
	_ =	sdelay $0x4  }
0x23d: {  	[tilespmem:v58+s5+$0x0] =	vst.idx.msk $0xffff, v33  }
0x23e: {  	s22 =	simm.s32 $0x7;
	v59 =	vadd.s32 v28, v35;
	v33 =	vld [tilespmem:s16+$0xB0]  }
0x23f: {  	v60 =	vmov s22  }
0x240: {  	v35 =	vshrl.u32 v60, $0x3  }
0x241: {  	v35 =	vshll.u32 v35, v1  }
0x242: {  	v35 =	vbroadcast v35, $0x0  }
0x243: {  	[tilespmem:v59+s5+$0x0] =	vst.idx.msk $0xffff, v33  }
0x244: {  	v61 =	vadd.s32 v29, v35;
	v33 =	vld [tilespmem:s16+$0xC0];
	_ =	sdelay $0x4  }
0x245: {  	[tilespmem:v61+s5+$0x0] =	vst.idx.msk $0xffff, v33  }
0x246: {  	v62 =	vadd.s32 v30, v35;
	v33 =	vld [tilespmem:s16+$0xD0];
	_ =	sdelay $0x4  }
0x247: {  	[tilespmem:v62+s5+$0x0] =	vst.idx.msk $0xffff, v33  }
0x248: {  	v63 =	vadd.s32 v31, v35;
	v33 =	vld [tilespmem:s16+$0xE0];
	_ =	sdelay $0x4  }
0x249: {  	[tilespmem:v63+s5+$0x0] =	vst.idx.msk $0xffff, v33  }
0x24a: {  	s19 =	simm.s32 $0xF;
	s21 =	simm.s32 $0x17;
	s22 =	simm.s32 $0x8;
	v34 =	vadd.s32 v32, v35;
	v33 =	vld [tilespmem:s16+$0xF0]  }
.LBB2_5:
0x24b: {  	p0 =	sne.s32 s21, $0x7F;
	v35 =	vmov s22  }
0x24c: {  	v35 =	vshrl.u32 v35, $0x3  }
0x24d: {  	v35 =	vshll.u32 v35, v1  }
0x24e: {  	v35 =	vbroadcast v35, $0x0  }
0x24f: {  	s16 =	sadd.s32 $0x200, s16;
	[tilespmem:v34+s5+$0x0] =	vst.idx.msk $0xffff, v33  }
0x250: {  	v33 =	vld [tilespmem:s16+$0xFFFFFF00];
	v34 =	vadd.s32 v0, v35;
	_ =	sdelay $0x4  }
0x251: {  	[tilespmem:v34+s5+$0x0] =	vst.idx.msk $0xffff, v33  }
0x252: {  	v34 =	vadd.s32 v2, v35;
	v33 =	vld [tilespmem:s16+$0xFFFFFF10];
	_ =	sdelay $0x4  }
0x253: {  	[tilespmem:v34+s5+$0x0] =	vst.idx.msk $0xffff, v33  }
0x254: {  	v34 =	vadd.s32 v3, v35;
	v33 =	vld [tilespmem:s16+$0xFFFFFF20];
	_ =	sdelay $0x4  }
0x255: {  	[tilespmem:v34+s5+$0x0] =	vst.idx.msk $0xffff, v33  }
0x256: {  	s22 =	sadd.s32 $0xFFFFFFFA, s19;
	v34 =	vadd.s32 v4, v35;
	v33 =	vld [tilespmem:s16+$0xFFFFFF30]  }
0x257: {  	v35 =	vmov s22  }
0x258: {  	v35 =	vshrl.u32 v35, $0x3  }
0x259: {  	v35 =	vshll.u32 v35, v1  }
0x25a: {  	v35 =	vbroadcast v35, $0x0  }
0x25b: {  	[tilespmem:v34+s5+$0x0] =	vst.idx.msk $0xffff, v33  }
0x25c: {  	v34 =	vadd.s32 v5, v35;
	v33 =	vld [tilespmem:s16+$0xFFFFFF40];
	_ =	sdelay $0x4  }
0x25d: {  	[tilespmem:v34+s5+$0x0] =	vst.idx.msk $0xffff, v33  }
0x25e: {  	v34 =	vadd.s32 v6, v35;
	v33 =	vld [tilespmem:s16+$0xFFFFFF50];
	_ =	sdelay $0x4  }
0x25f: {  	[tilespmem:v34+s5+$0x0] =	vst.idx.msk $0xffff, v33  }
0x260: {  	v34 =	vadd.s32 v7, v35;
	v33 =	vld [tilespmem:s16+$0xFFFFFF60];
	_ =	sdelay $0x4  }
0x261: {  	[tilespmem:v34+s5+$0x0] =	vst.idx.msk $0xffff, v33  }
0x262: {  	s22 =	sadd.s32 $0xFFFFFFFB, s19;
	v34 =	vadd.s32 v8, v35;
	v33 =	vld [tilespmem:s16+$0xFFFFFF70]  }
0x263: {  	v35 =	vmov s22  }
0x264: {  	v35 =	vshrl.u32 v35, $0x3  }
0x265: {  	v35 =	vshll.u32 v35, v1  }
0x266: {  	v35 =	vbroadcast v35, $0x0  }
0x267: {  	[tilespmem:v34+s5+$0x0] =	vst.idx.msk $0xffff, v33  }
0x268: {  	v34 =	vadd.s32 v9, v35;
	v33 =	vld [tilespmem:s16+$0xFFFFFF80];
	_ =	sdelay $0x4  }
0x269: {  	[tilespmem:v34+s5+$0x0] =	vst.idx.msk $0xffff, v33  }
0x26a: {  	v34 =	vadd.s32 v10, v35;
	v33 =	vld [tilespmem:s16+$0xFFFFFF90];
	_ =	sdelay $0x4  }
0x26b: {  	[tilespmem:v34+s5+$0x0] =	vst.idx.msk $0xffff, v33  }
0x26c: {  	v34 =	vadd.s32 v11, v35;
	v33 =	vld [tilespmem:s16+$0xFFFFFFA0];
	_ =	sdelay $0x4  }
0x26d: {  	[tilespmem:v34+s5+$0x0] =	vst.idx.msk $0xffff, v33  }
0x26e: {  	s22 =	sadd.s32 $0xFFFFFFFC, s19;
	v34 =	vadd.s32 v12, v35;
	v33 =	vld [tilespmem:s16+$0xFFFFFFB0]  }
0x26f: {  	v35 =	vmov s22  }
0x270: {  	v35 =	vshrl.u32 v35, $0x3  }
0x271: {  	v35 =	vshll.u32 v35, v1  }
0x272: {  	v35 =	vbroadcast v35, $0x0  }
0x273: {  	[tilespmem:v34+s5+$0x0] =	vst.idx.msk $0xffff, v33  }
0x274: {  	v34 =	vadd.s32 v13, v35;
	v33 =	vld [tilespmem:s16+$0xFFFFFFC0];
	_ =	sdelay $0x4  }
0x275: {  	[tilespmem:v34+s5+$0x0] =	vst.idx.msk $0xffff, v33  }
0x276: {  	v34 =	vadd.s32 v14, v35;
	v33 =	vld [tilespmem:s16+$0xFFFFFFD0];
	_ =	sdelay $0x4  }
0x277: {  	[tilespmem:v34+s5+$0x0] =	vst.idx.msk $0xffff, v33  }
0x278: {  	v34 =	vadd.s32 v15, v35;
	v33 =	vld [tilespmem:s16+$0xFFFFFFE0];
	_ =	sdelay $0x4  }
0x279: {  	[tilespmem:v34+s5+$0x0] =	vst.idx.msk $0xffff, v33  }
0x27a: {  	s22 =	sadd.s32 $0xFFFFFFFD, s19;
	v34 =	vadd.s32 v16, v35;
	v33 =	vld [tilespmem:s16+$0xFFFFFFF0]  }
0x27b: {  	v35 =	vmov s22  }
0x27c: {  	v35 =	vshrl.u32 v35, $0x3  }
0x27d: {  	v35 =	vshll.u32 v35, v1  }
0x27e: {  	v35 =	vbroadcast v35, $0x0  }
0x27f: {  	[tilespmem:v34+s5+$0x0] =	vst.idx.msk $0xffff, v33  }
0x280: {  	v34 =	vadd.s32 v17, v35;
	v33 =	vld [tilespmem:s16+$0x0];
	_ =	sdelay $0x4  }
0x281: {  	[tilespmem:v34+s5+$0x0] =	vst.idx.msk $0xffff, v33  }
0x282: {  	v34 =	vadd.s32 v18, v35;
	v33 =	vld [tilespmem:s16+$0x10];
	_ =	sdelay $0x4  }
0x283: {  	[tilespmem:v34+s5+$0x0] =	vst.idx.msk $0xffff, v33  }
0x284: {  	v34 =	vadd.s32 v19, v35;
	v33 =	vld [tilespmem:s16+$0x20];
	_ =	sdelay $0x4  }
0x285: {  	[tilespmem:v34+s5+$0x0] =	vst.idx.msk $0xffff, v33  }
0x286: {  	s22 =	sadd.s32 $0xFFFFFFFE, s19;
	v34 =	vadd.s32 v20, v35;
	v33 =	vld [tilespmem:s16+$0x30]  }
0x287: {  	v35 =	vmov s22  }
0x288: {  	v35 =	vshrl.u32 v35, $0x3  }
0x289: {  	v35 =	vshll.u32 v35, v1  }
0x28a: {  	v35 =	vbroadcast v35, $0x0  }
0x28b: {  	[tilespmem:v34+s5+$0x0] =	vst.idx.msk $0xffff, v33  }
0x28c: {  	v34 =	vadd.s32 v21, v35;
	v33 =	vld [tilespmem:s16+$0x40];
	_ =	sdelay $0x4  }
0x28d: {  	[tilespmem:v34+s5+$0x0] =	vst.idx.msk $0xffff, v33  }
0x28e: {  	v34 =	vadd.s32 v22, v35;
	v33 =	vld [tilespmem:s16+$0x50];
	_ =	sdelay $0x4  }
0x28f: {  	[tilespmem:v34+s5+$0x0] =	vst.idx.msk $0xffff, v33  }
0x290: {  	v34 =	vadd.s32 v23, v35;
	v33 =	vld [tilespmem:s16+$0x60];
	_ =	sdelay $0x4  }
0x291: {  	[tilespmem:v34+s5+$0x0] =	vst.idx.msk $0xffff, v33  }
0x292: {  	s22 =	sadd.s32 $0xFFFFFFFF, s19;
	v34 =	vadd.s32 v24, v35;
	v33 =	vld [tilespmem:s16+$0x70]  }
0x293: {  	v35 =	vmov s22  }
0x294: {  	v35 =	vshrl.u32 v35, $0x3  }
0x295: {  	v35 =	vshll.u32 v35, v1  }
0x296: {  	v35 =	vbroadcast v35, $0x0  }
0x297: {  	[tilespmem:v34+s5+$0x0] =	vst.idx.msk $0xffff, v33  }
0x298: {  	v34 =	vadd.s32 v25, v35;
	v33 =	vld [tilespmem:s16+$0x80];
	_ =	sdelay $0x4  }
0x299: {  	[tilespmem:v34+s5+$0x0] =	vst.idx.msk $0xffff, v33  }
0x29a: {  	v34 =	vadd.s32 v26, v35;
	v33 =	vld [tilespmem:s16+$0x90];
	_ =	sdelay $0x4  }
0x29b: {  	[tilespmem:v34+s5+$0x0] =	vst.idx.msk $0xffff, v33  }
0x29c: {  	v34 =	vadd.s32 v27, v35;
	v33 =	vld [tilespmem:s16+$0xA0];
	_ =	sdelay $0x4  }
0x29d: {  	[tilespmem:v34+s5+$0x0] =	vst.idx.msk $0xffff, v33  }
0x29e: {  	v34 =	vadd.s32 v28, v35;
	v33 =	vld [tilespmem:s16+$0xB0]  }
0x29f: {  	v35 =	vmov s19;
	s19 =	smov.u32 s21  }
0x2a0: {  	v35 =	vshrl.u32 v35, $0x3  }
0x2a1: {  	v35 =	vshll.u32 v35, v1  }
0x2a2: {  	v35 =	vbroadcast v35, $0x0  }
0x2a3: {  	[tilespmem:v34+s5+$0x0] =	vst.idx.msk $0xffff, v33  }
0x2a4: {  	v34 =	vadd.s32 v29, v35;
	v33 =	vld [tilespmem:s16+$0xC0];
	_ =	sdelay $0x4  }
0x2a5: {  	[tilespmem:v34+s5+$0x0] =	vst.idx.msk $0xffff, v33  }
0x2a6: {  	v34 =	vadd.s32 v30, v35;
	v33 =	vld [tilespmem:s16+$0xD0];
	_ =	sdelay $0x4  }
0x2a7: {  	[tilespmem:v34+s5+$0x0] =	vst.idx.msk $0xffff, v33  }
0x2a8: {  	v34 =	vadd.s32 v31, v35;
	v33 =	vld [tilespmem:s16+$0xE0];
	_ =	sdelay $0x1  }
.Ltmp1:
0x2a9: {  	(pc) =	sbr.rel @p0 .LBB2_5-.Ltmp1, $3  }
0x2aa: {  	_ =	sdelay $0x1  }
0x2ab: {  	[tilespmem:v34+s5+$0x0] =	vst.idx.msk $0xffff, v33  }
0x2ac: {  	s21 =	sadd.s32 $0x8, s21;
	s22 =	sadd.s32 $0xFFFFFFF9, s19;
	v34 =	vadd.s32 v32, v35;
	v33 =	vld [tilespmem:s16+$0xF0]  }
0x2ad: {  	v35 =	vmov s22  }
0x2ae: {  	v35 =	vshrl.u32 v35, $0x3  }
0x2af: {  	v35 =	vshll.u32 v35, v1  }
0x2b0: {  	v35 =	vbroadcast v35, $0x0  }
0x2b1: {  	s16 =	sadd.s32 $0x200, s16;
	[tilespmem:v34+s5+$0x0] =	vst.idx.msk $0xffff, v33  }
0x2b2: {  	v33 =	vld [tilespmem:s16+$0xFFFFFF00];
	v53 =	vadd.s32 v0, v35;
	_ =	sdelay $0x4  }
0x2b3: {  	[tilespmem:v53+s5+$0x0] =	vst.idx.msk $0xffff, v33  }
0x2b4: {  	v54 =	vadd.s32 v2, v35;
	v33 =	vld [tilespmem:s16+$0xFFFFFF10];
	_ =	sdelay $0x4  }
0x2b5: {  	[tilespmem:v54+s5+$0x0] =	vst.idx.msk $0xffff, v33  }
0x2b6: {  	v55 =	vadd.s32 v3, v35;
	v33 =	vld [tilespmem:s16+$0xFFFFFF20];
	_ =	sdelay $0x4  }
0x2b7: {  	[tilespmem:v55+s5+$0x0] =	vst.idx.msk $0xffff, v33  }
0x2b8: {  	s21 =	sadd.s32 $0xFFFFFFFA, s19;
	v56 =	vadd.s32 v4, v35;
	v33 =	vld [tilespmem:s16+$0xFFFFFF30]  }
0x2b9: {  	v57 =	vmov s21  }
0x2ba: {  	v35 =	vshrl.u32 v57, $0x3  }
0x2bb: {  	v35 =	vshll.u32 v35, v1  }
0x2bc: {  	v35 =	vbroadcast v35, $0x0  }
0x2bd: {  	[tilespmem:v56+s5+$0x0] =	vst.idx.msk $0xffff, v33  }
0x2be: {  	v58 =	vadd.s32 v5, v35;
	v33 =	vld [tilespmem:s16+$0xFFFFFF40];
	_ =	sdelay $0x4  }
0x2bf: {  	[tilespmem:v58+s5+$0x0] =	vst.idx.msk $0xffff, v33  }
0x2c0: {  	v59 =	vadd.s32 v6, v35;
	v33 =	vld [tilespmem:s16+$0xFFFFFF50];
	_ =	sdelay $0x4  }
0x2c1: {  	[tilespmem:v59+s5+$0x0] =	vst.idx.msk $0xffff, v33  }
0x2c2: {  	v60 =	vadd.s32 v7, v35;
	v33 =	vld [tilespmem:s16+$0xFFFFFF60];
	_ =	sdelay $0x4  }
0x2c3: {  	[tilespmem:v60+s5+$0x0] =	vst.idx.msk $0xffff, v33  }
0x2c4: {  	s22 =	sadd.s32 $0xFFFFFFFB, s19;
	v61 =	vadd.s32 v8, v35;
	v33 =	vld [tilespmem:s16+$0xFFFFFF70]  }
0x2c5: {  	v62 =	vmov s22  }
0x2c6: {  	v35 =	vshrl.u32 v62, $0x3  }
0x2c7: {  	v35 =	vshll.u32 v35, v1  }
0x2c8: {  	v35 =	vbroadcast v35, $0x0  }
0x2c9: {  	[tilespmem:v61+s5+$0x0] =	vst.idx.msk $0xffff, v33  }
0x2ca: {  	v63 =	vadd.s32 v9, v35;
	v33 =	vld [tilespmem:s16+$0xFFFFFF80];
	_ =	sdelay $0x4  }
0x2cb: {  	[tilespmem:v63+s5+$0x0] =	vst.idx.msk $0xffff, v33  }
0x2cc: {  	v36 =	vadd.s32 v10, v35;
	v33 =	vld [tilespmem:s16+$0xFFFFFF90];
	_ =	sdelay $0x4  }
0x2cd: {  	[tilespmem:v36+s5+$0x0] =	vst.idx.msk $0xffff, v33  }
0x2ce: {  	v37 =	vadd.s32 v11, v35;
	v33 =	vld [tilespmem:s16+$0xFFFFFFA0];
	_ =	sdelay $0x4  }
0x2cf: {  	[tilespmem:v37+s5+$0x0] =	vst.idx.msk $0xffff, v33  }
0x2d0: {  	s22 =	sadd.s32 $0xFFFFFFFC, s19;
	v38 =	vadd.s32 v12, v35;
	v33 =	vld [tilespmem:s16+$0xFFFFFFB0]  }
0x2d1: {  	v39 =	vmov s22  }
0x2d2: {  	v35 =	vshrl.u32 v39, $0x3  }
0x2d3: {  	v35 =	vshll.u32 v35, v1  }
0x2d4: {  	v35 =	vbroadcast v35, $0x0  }
0x2d5: {  	[tilespmem:v38+s5+$0x0] =	vst.idx.msk $0xffff, v33  }
0x2d6: {  	v40 =	vadd.s32 v13, v35;
	v33 =	vld [tilespmem:s16+$0xFFFFFFC0];
	_ =	sdelay $0x4  }
0x2d7: {  	[tilespmem:v40+s5+$0x0] =	vst.idx.msk $0xffff, v33  }
0x2d8: {  	v41 =	vadd.s32 v14, v35;
	v33 =	vld [tilespmem:s16+$0xFFFFFFD0];
	_ =	sdelay $0x4  }
0x2d9: {  	[tilespmem:v41+s5+$0x0] =	vst.idx.msk $0xffff, v33  }
0x2da: {  	v42 =	vadd.s32 v15, v35;
	v33 =	vld [tilespmem:s16+$0xFFFFFFE0];
	_ =	sdelay $0x4  }
0x2db: {  	[tilespmem:v42+s5+$0x0] =	vst.idx.msk $0xffff, v33  }
0x2dc: {  	s22 =	sadd.s32 $0xFFFFFFFD, s19;
	v43 =	vadd.s32 v16, v35;
	v33 =	vld [tilespmem:s16+$0xFFFFFFF0]  }
0x2dd: {  	v44 =	vmov s22  }
0x2de: {  	v35 =	vshrl.u32 v44, $0x3  }
0x2df: {  	v35 =	vshll.u32 v35, v1  }
0x2e0: {  	v35 =	vbroadcast v35, $0x0  }
0x2e1: {  	[tilespmem:v43+s5+$0x0] =	vst.idx.msk $0xffff, v33  }
0x2e2: {  	v45 =	vadd.s32 v17, v35;
	v33 =	vld [tilespmem:s16+$0x0];
	_ =	sdelay $0x4  }
0x2e3: {  	[tilespmem:v45+s5+$0x0] =	vst.idx.msk $0xffff, v33  }
0x2e4: {  	v46 =	vadd.s32 v18, v35;
	v33 =	vld [tilespmem:s16+$0x10];
	_ =	sdelay $0x4  }
0x2e5: {  	[tilespmem:v46+s5+$0x0] =	vst.idx.msk $0xffff, v33  }
0x2e6: {  	v47 =	vadd.s32 v19, v35;
	v33 =	vld [tilespmem:s16+$0x20];
	_ =	sdelay $0x4  }
0x2e7: {  	[tilespmem:v47+s5+$0x0] =	vst.idx.msk $0xffff, v33  }
0x2e8: {  	s22 =	sadd.s32 $0xFFFFFFFE, s19;
	v48 =	vadd.s32 v20, v35;
	v33 =	vld [tilespmem:s16+$0x30]  }
0x2e9: {  	v49 =	vmov s22  }
0x2ea: {  	v35 =	vshrl.u32 v49, $0x3  }
0x2eb: {  	v35 =	vshll.u32 v35, v1  }
0x2ec: {  	v35 =	vbroadcast v35, $0x0  }
0x2ed: {  	[tilespmem:v48+s5+$0x0] =	vst.idx.msk $0xffff, v33  }
0x2ee: {  	v50 =	vadd.s32 v21, v35;
	v33 =	vld [tilespmem:s16+$0x40];
	_ =	sdelay $0x4  }
0x2ef: {  	[tilespmem:v50+s5+$0x0] =	vst.idx.msk $0xffff, v33  }
0x2f0: {  	v51 =	vadd.s32 v22, v35;
	v33 =	vld [tilespmem:s16+$0x50];
	_ =	sdelay $0x4  }
0x2f1: {  	[tilespmem:v51+s5+$0x0] =	vst.idx.msk $0xffff, v33  }
0x2f2: {  	v52 =	vadd.s32 v23, v35;
	v33 =	vld [tilespmem:s16+$0x60];
	_ =	sdelay $0x4  }
0x2f3: {  	[tilespmem:v52+s5+$0x0] =	vst.idx.msk $0xffff, v33  }
0x2f4: {  	s22 =	sadd.s32 $0xFFFFFFFF, s19;
	v53 =	vadd.s32 v24, v35;
	v33 =	vld [tilespmem:s16+$0x70]  }
0x2f5: {  	v54 =	vmov s22  }
0x2f6: {  	v35 =	vshrl.u32 v54, $0x3  }
0x2f7: {  	v35 =	vshll.u32 v35, v1  }
0x2f8: {  	v35 =	vbroadcast v35, $0x0  }
0x2f9: {  	[tilespmem:v53+s5+$0x0] =	vst.idx.msk $0xffff, v33  }
0x2fa: {  	v55 =	vadd.s32 v25, v35;
	v33 =	vld [tilespmem:s16+$0x80];
	_ =	sdelay $0x4  }
0x2fb: {  	[tilespmem:v55+s5+$0x0] =	vst.idx.msk $0xffff, v33  }
0x2fc: {  	v56 =	vadd.s32 v26, v35;
	v33 =	vld [tilespmem:s16+$0x90];
	_ =	sdelay $0x4  }
0x2fd: {  	[tilespmem:v56+s5+$0x0] =	vst.idx.msk $0xffff, v33  }
0x2fe: {  	v57 =	vadd.s32 v27, v35;
	v33 =	vld [tilespmem:s16+$0xA0];
	_ =	sdelay $0x4  }
0x2ff: {  	[tilespmem:v57+s5+$0x0] =	vst.idx.msk $0xffff, v33  }
0x300: {  	v58 =	vadd.s32 v28, v35;
	v33 =	vld [tilespmem:s16+$0xB0]  }
0x301: {  	v59 =	vmov s19  }
0x302: {  	v35 =	vshrl.u32 v59, $0x3  }
0x303: {  	v35 =	vshll.u32 v35, v1  }
0x304: {  	v35 =	vbroadcast v35, $0x0  }
0x305: {  	[tilespmem:v58+s5+$0x0] =	vst.idx.msk $0xffff, v33  }
0x306: {  	v60 =	vadd.s32 v29, v35;
	v33 =	vld [tilespmem:s16+$0xC0];
	_ =	sdelay $0x4  }
0x307: {  	[tilespmem:v60+s5+$0x0] =	vst.idx.msk $0xffff, v33  }
0x308: {  	v61 =	vadd.s32 v30, v35;
	v33 =	vld [tilespmem:s16+$0xD0];
	_ =	sdelay $0x4  }
0x309: {  	[tilespmem:v61+s5+$0x0] =	vst.idx.msk $0xffff, v33  }
0x30a: {  	v62 =	vadd.s32 v31, v35;
	v33 =	vld [tilespmem:s16+$0xE0];
	_ =	sdelay $0x4  }
0x30b: {  	[tilespmem:v62+s5+$0x0] =	vst.idx.msk $0xffff, v33  }
0x30c: {  	v63 =	vadd.s32 v32, v35;
	v33 =	vld [tilespmem:s16+$0xF0];
	_ =	sdelay $0x2  }
0x30d: {  	s15 =	sshll.u32 s15, $0xF  }
0x30e: {  	s15 =	sor.u32 s6, s15  }
0x30f: {  	s16 =	sadd.s32 s2, s15;
	[tilespmem:v63+s5+$0x0] =	vst.idx.msk $0xffff, v33  }
0x310: {  	[hbm4b:s16+s3] =	stream.linear.scatter [tilespmem:s5], [sflag:$0x4], $0x80, $0x38;
	[tilespmem:$0x9D00] =	vst v63  }
0x311: {  	s22 =	simm.s32 $0x7B88;
	s21 =	sadd.s32 $0x10, s16  }
0x312: {  	[hbm4b:s21+s3] =	stream.linear.scatter [tilespmem:s22], [sflag:$0x4], $0x80, $0x38;
	[tilespmem:$0x9D00] =	vst v63  }
0x313: {  	s21 =	sadd.s32 $0x20, s16;
	s22 =	simm.s32 $0x7C10  }
0x314: {  	[hbm4b:s21+s3] =	stream.linear.scatter [tilespmem:s22], [sflag:$0x4], $0x80, $0x38;
	[tilespmem:$0x9D00] =	vst v63  }
0x315: {  	s21 =	sadd.s32 $0x30, s16;
	s22 =	simm.s32 $0x7C98  }
0x316: {  	[hbm4b:s21+s3] =	stream.linear.scatter [tilespmem:s22], [sflag:$0x4], $0x80, $0x38;
	[tilespmem:$0x9D00] =	vst v63  }
0x317: {  	s21 =	sadd.s32 $0x40, s16;
	s22 =	simm.s32 $0x7D20  }
0x318: {  	[hbm4b:s21+s3] =	stream.linear.scatter [tilespmem:s22], [sflag:$0x4], $0x80, $0x38;
	[tilespmem:$0x9D00] =	vst v63  }
0x319: {  	s21 =	sadd.s32 $0x50, s16;
	s22 =	simm.s32 $0x7DA8  }
0x31a: {  	[hbm4b:s21+s3] =	stream.linear.scatter [tilespmem:s22], [sflag:$0x4], $0x80, $0x38;
	[tilespmem:$0x9D00] =	vst v63  }
0x31b: {  	s21 =	sadd.s32 $0x60, s16;
	s22 =	simm.s32 $0x7E30  }
0x31c: {  	[hbm4b:s21+s3] =	stream.linear.scatter [tilespmem:s22], [sflag:$0x4], $0x80, $0x38;
	[tilespmem:$0x9D00] =	vst v63  }
0x31d: {  	s16 =	sadd.s32 $0x70, s16;
	s21 =	simm.s32 $0x7EB8  }
0x31e: {  	[hbm4b:s16+s3] =	stream.linear.scatter [tilespmem:s21], [sflag:$0x4], $0x80, $0x38;
	[tilespmem:$0x9D00] =	vst v63  }
0x31f: {  	s22 =	simm.s32 $0x7F40;
	s16 =	sadd.s32 s15, s7  }
0x320: {  	[hbm4b:s16+s3] =	stream.linear.scatter [tilespmem:s22], [sflag:$0x4], $0x80, $0x38;
	[tilespmem:$0x9D00] =	vst v63  }
0x321: {  	s21 =	sadd.s32 $0x10, s16;
	s22 =	simm.s32 $0x7FC8  }
0x322: {  	[hbm4b:s21+s3] =	stream.linear.scatter [tilespmem:s22], [sflag:$0x4], $0x80, $0x38;
	[tilespmem:$0x9D00] =	vst v63  }
0x323: {  	s21 =	sadd.s32 $0x20, s16;
	s22 =	simm.s32 $0x8050  }
0x324: {  	[hbm4b:s21+s3] =	stream.linear.scatter [tilespmem:s22], [sflag:$0x4], $0x80, $0x38;
	[tilespmem:$0x9D00] =	vst v63  }
0x325: {  	s21 =	sadd.s32 $0x30, s16;
	s22 =	simm.s32 $0x80D8  }
0x326: {  	[hbm4b:s21+s3] =	stream.linear.scatter [tilespmem:s22], [sflag:$0x4], $0x80, $0x38;
	[tilespmem:$0x9D00] =	vst v63  }
0x327: {  	s21 =	sadd.s32 $0x40, s16;
	s22 =	simm.s32 $0x8160  }
0x328: {  	[hbm4b:s21+s3] =	stream.linear.scatter [tilespmem:s22], [sflag:$0x4], $0x80, $0x38;
	[tilespmem:$0x9D00] =	vst v63  }
0x329: {  	s21 =	sadd.s32 $0x50, s16;
	s22 =	simm.s32 $0x81E8  }
0x32a: {  	[hbm4b:s21+s3] =	stream.linear.scatter [tilespmem:s22], [sflag:$0x4], $0x80, $0x38;
	[tilespmem:$0x9D00] =	vst v63  }
0x32b: {  	s21 =	sadd.s32 $0x60, s16;
	s22 =	simm.s32 $0x8270  }
0x32c: {  	[hbm4b:s21+s3] =	stream.linear.scatter [tilespmem:s22], [sflag:$0x4], $0x80, $0x38;
	[tilespmem:$0x9D00] =	vst v63  }
0x32d: {  	s16 =	sadd.s32 $0x70, s16;
	s21 =	simm.s32 $0x82F8  }
0x32e: {  	[hbm4b:s16+s3] =	stream.linear.scatter [tilespmem:s21], [sflag:$0x4], $0x80, $0x38;
	[tilespmem:$0x9D00] =	vst v63  }
0x32f: {  	s22 =	simm.s32 $0x8380;
	s16 =	sadd.s32 s15, s8  }
0x330: {  	[hbm4b:s16+s3] =	stream.linear.scatter [tilespmem:s22], [sflag:$0x4], $0x80, $0x38;
	[tilespmem:$0x9D00] =	vst v63  }
0x331: {  	s21 =	sadd.s32 $0x10, s16;
	s22 =	simm.s32 $0x8408  }
0x332: {  	[hbm4b:s21+s3] =	stream.linear.scatter [tilespmem:s22], [sflag:$0x4], $0x80, $0x38;
	[tilespmem:$0x9D00] =	vst v63  }
0x333: {  	s21 =	sadd.s32 $0x20, s16;
	s22 =	simm.s32 $0x8490  }
0x334: {  	[hbm4b:s21+s3] =	stream.linear.scatter [tilespmem:s22], [sflag:$0x4], $0x80, $0x38;
	[tilespmem:$0x9D00] =	vst v63  }
0x335: {  	s21 =	sadd.s32 $0x30, s16;
	s22 =	simm.s32 $0x8518  }
0x336: {  	[hbm4b:s21+s3] =	stream.linear.scatter [tilespmem:s22], [sflag:$0x4], $0x80, $0x38;
	[tilespmem:$0x9D00] =	vst v63  }
0x337: {  	s21 =	sadd.s32 $0x40, s16;
	s22 =	simm.s32 $0x85A0  }
0x338: {  	[hbm4b:s21+s3] =	stream.linear.scatter [tilespmem:s22], [sflag:$0x4], $0x80, $0x38;
	[tilespmem:$0x9D00] =	vst v63  }
0x339: {  	s21 =	sadd.s32 $0x50, s16;
	s22 =	simm.s32 $0x8628  }
0x33a: {  	[hbm4b:s21+s3] =	stream.linear.scatter [tilespmem:s22], [sflag:$0x4], $0x80, $0x38;
	[tilespmem:$0x9D00] =	vst v63  }
0x33b: {  	s21 =	sadd.s32 $0x60, s16;
	s22 =	simm.s32 $0x86B0  }
0x33c: {  	[hbm4b:s21+s3] =	stream.linear.scatter [tilespmem:s22], [sflag:$0x4], $0x80, $0x38;
	[tilespmem:$0x9D00] =	vst v63  }
0x33d: {  	s16 =	sadd.s32 $0x70, s16;
	s21 =	simm.s32 $0x8738  }
0x33e: {  	[hbm4b:s16+s3] =	stream.linear.scatter [tilespmem:s21], [sflag:$0x4], $0x80, $0x38;
	[tilespmem:$0x9D00] =	vst v63  }
0x33f: {  	s22 =	simm.s32 $0x87C0;
	s16 =	sadd.s32 s15, s9  }
0x340: {  	[hbm4b:s16+s3] =	stream.linear.scatter [tilespmem:s22], [sflag:$0x4], $0x80, $0x38;
	[tilespmem:$0x9D00] =	vst v63  }
0x341: {  	s21 =	sadd.s32 $0x10, s16;
	s22 =	simm.s32 $0x8848  }
0x342: {  	[hbm4b:s21+s3] =	stream.linear.scatter [tilespmem:s22], [sflag:$0x4], $0x80, $0x38;
	[tilespmem:$0x9D00] =	vst v63  }
0x343: {  	s21 =	sadd.s32 $0x20, s16;
	s22 =	simm.s32 $0x88D0  }
0x344: {  	[hbm4b:s21+s3] =	stream.linear.scatter [tilespmem:s22], [sflag:$0x4], $0x80, $0x38;
	[tilespmem:$0x9D00] =	vst v63  }
0x345: {  	s21 =	sadd.s32 $0x30, s16;
	s22 =	simm.s32 $0x8958  }
0x346: {  	[hbm4b:s21+s3] =	stream.linear.scatter [tilespmem:s22], [sflag:$0x4], $0x80, $0x38;
	[tilespmem:$0x9D00] =	vst v63  }
0x347: {  	s21 =	sadd.s32 $0x40, s16;
	s22 =	simm.s32 $0x89E0  }
0x348: {  	[hbm4b:s21+s3] =	stream.linear.scatter [tilespmem:s22], [sflag:$0x4], $0x80, $0x38;
	[tilespmem:$0x9D00] =	vst v63  }
0x349: {  	s21 =	sadd.s32 $0x50, s16;
	s22 =	simm.s32 $0x8A68  }
0x34a: {  	[hbm4b:s21+s3] =	stream.linear.scatter [tilespmem:s22], [sflag:$0x4], $0x80, $0x38;
	[tilespmem:$0x9D00] =	vst v63  }
0x34b: {  	s21 =	sadd.s32 $0x60, s16;
	s22 =	simm.s32 $0x8AF0  }
0x34c: {  	[hbm4b:s21+s3] =	stream.linear.scatter [tilespmem:s22], [sflag:$0x4], $0x80, $0x38;
	[tilespmem:$0x9D00] =	vst v63  }
0x34d: {  	s16 =	sadd.s32 $0x70, s16;
	s21 =	simm.s32 $0x8B78  }
0x34e: {  	[hbm4b:s16+s3] =	stream.linear.scatter [tilespmem:s21], [sflag:$0x4], $0x80, $0x38;
	[tilespmem:$0x9D00] =	vst v63  }
0x34f: {  	s22 =	simm.s32 $0x8C00;
	s16 =	sadd.s32 s15, s10  }
0x350: {  	[hbm4b:s16+s3] =	stream.linear.scatter [tilespmem:s22], [sflag:$0x4], $0x80, $0x38;
	[tilespmem:$0x9D00] =	vst v63  }
0x351: {  	s21 =	sadd.s32 $0x10, s16;
	s22 =	simm.s32 $0x8C88  }
0x352: {  	[hbm4b:s21+s3] =	stream.linear.scatter [tilespmem:s22], [sflag:$0x4], $0x80, $0x38;
	[tilespmem:$0x9D00] =	vst v63  }
0x353: {  	s21 =	sadd.s32 $0x20, s16;
	s22 =	simm.s32 $0x8D10  }
0x354: {  	[hbm4b:s21+s3] =	stream.linear.scatter [tilespmem:s22], [sflag:$0x4], $0x80, $0x38;
	[tilespmem:$0x9D00] =	vst v63  }
0x355: {  	s21 =	sadd.s32 $0x30, s16;
	s22 =	simm.s32 $0x8D98  }
0x356: {  	[hbm4b:s21+s3] =	stream.linear.scatter [tilespmem:s22], [sflag:$0x4], $0x80, $0x38;
	[tilespmem:$0x9D00] =	vst v63  }
0x357: {  	s21 =	sadd.s32 $0x40, s16;
	s22 =	simm.s32 $0x8E20  }
0x358: {  	[hbm4b:s21+s3] =	stream.linear.scatter [tilespmem:s22], [sflag:$0x4], $0x80, $0x38;
	[tilespmem:$0x9D00] =	vst v63  }
0x359: {  	s21 =	sadd.s32 $0x50, s16;
	s22 =	simm.s32 $0x8EA8  }
0x35a: {  	[hbm4b:s21+s3] =	stream.linear.scatter [tilespmem:s22], [sflag:$0x4], $0x80, $0x38;
	[tilespmem:$0x9D00] =	vst v63  }
0x35b: {  	s21 =	sadd.s32 $0x60, s16;
	s22 =	simm.s32 $0x8F30  }
0x35c: {  	[hbm4b:s21+s3] =	stream.linear.scatter [tilespmem:s22], [sflag:$0x4], $0x80, $0x38;
	[tilespmem:$0x9D00] =	vst v63  }
0x35d: {  	s16 =	sadd.s32 $0x70, s16;
	s21 =	simm.s32 $0x8FB8  }
0x35e: {  	[hbm4b:s16+s3] =	stream.linear.scatter [tilespmem:s21], [sflag:$0x4], $0x80, $0x38;
	[tilespmem:$0x9D00] =	vst v63  }
0x35f: {  	s22 =	simm.s32 $0x9040;
	s16 =	sadd.s32 s15, s11  }
0x360: {  	[hbm4b:s16+s3] =	stream.linear.scatter [tilespmem:s22], [sflag:$0x4], $0x80, $0x38;
	[tilespmem:$0x9D00] =	vst v63  }
0x361: {  	s21 =	sadd.s32 $0x10, s16;
	s22 =	simm.s32 $0x90C8  }
0x362: {  	[hbm4b:s21+s3] =	stream.linear.scatter [tilespmem:s22], [sflag:$0x4], $0x80, $0x38;
	[tilespmem:$0x9D00] =	vst v63  }
0x363: {  	s21 =	sadd.s32 $0x20, s16;
	s22 =	simm.s32 $0x9150  }
0x364: {  	[hbm4b:s21+s3] =	stream.linear.scatter [tilespmem:s22], [sflag:$0x4], $0x80, $0x38;
	[tilespmem:$0x9D00] =	vst v63  }
0x365: {  	s21 =	sadd.s32 $0x30, s16;
	s22 =	simm.s32 $0x91D8  }
0x366: {  	[hbm4b:s21+s3] =	stream.linear.scatter [tilespmem:s22], [sflag:$0x4], $0x80, $0x38;
	[tilespmem:$0x9D00] =	vst v63  }
0x367: {  	s21 =	sadd.s32 $0x40, s16;
	s22 =	simm.s32 $0x9260  }
0x368: {  	[hbm4b:s21+s3] =	stream.linear.scatter [tilespmem:s22], [sflag:$0x4], $0x80, $0x38;
	[tilespmem:$0x9D00] =	vst v63  }
0x369: {  	s21 =	sadd.s32 $0x50, s16;
	s22 =	simm.s32 $0x92E8  }
0x36a: {  	[hbm4b:s21+s3] =	stream.linear.scatter [tilespmem:s22], [sflag:$0x4], $0x80, $0x38;
	[tilespmem:$0x9D00] =	vst v63  }
0x36b: {  	s21 =	sadd.s32 $0x60, s16;
	s22 =	simm.s32 $0x9370  }
0x36c: {  	[hbm4b:s21+s3] =	stream.linear.scatter [tilespmem:s22], [sflag:$0x4], $0x80, $0x38;
	[tilespmem:$0x9D00] =	vst v63  }
0x36d: {  	s16 =	sadd.s32 $0x70, s16;
	s21 =	simm.s32 $0x93F8  }
0x36e: {  	[hbm4b:s16+s3] =	stream.linear.scatter [tilespmem:s21], [sflag:$0x4], $0x80, $0x38;
	[tilespmem:$0x9D00] =	vst v63  }
0x36f: {  	s22 =	simm.s32 $0x9480;
	s16 =	sadd.s32 s15, s12  }
0x370: {  	[hbm4b:s16+s3] =	stream.linear.scatter [tilespmem:s22], [sflag:$0x4], $0x80, $0x38;
	[tilespmem:$0x9D00] =	vst v63  }
0x371: {  	s21 =	sadd.s32 $0x10, s16;
	s22 =	simm.s32 $0x9508  }
0x372: {  	[hbm4b:s21+s3] =	stream.linear.scatter [tilespmem:s22], [sflag:$0x4], $0x80, $0x38;
	[tilespmem:$0x9D00] =	vst v63  }
0x373: {  	s21 =	sadd.s32 $0x20, s16;
	s22 =	simm.s32 $0x9590  }
0x374: {  	[hbm4b:s21+s3] =	stream.linear.scatter [tilespmem:s22], [sflag:$0x4], $0x80, $0x38;
	[tilespmem:$0x9D00] =	vst v63  }
0x375: {  	s21 =	sadd.s32 $0x30, s16;
	s22 =	simm.s32 $0x9618  }
0x376: {  	[hbm4b:s21+s3] =	stream.linear.scatter [tilespmem:s22], [sflag:$0x4], $0x80, $0x38;
	[tilespmem:$0x9D00] =	vst v63  }
0x377: {  	s21 =	sadd.s32 $0x40, s16;
	s22 =	simm.s32 $0x96A0  }
0x378: {  	[hbm4b:s21+s3] =	stream.linear.scatter [tilespmem:s22], [sflag:$0x4], $0x80, $0x38;
	[tilespmem:$0x9D00] =	vst v63  }
0x379: {  	s21 =	sadd.s32 $0x50, s16;
	s22 =	simm.s32 $0x9728  }
0x37a: {  	[hbm4b:s21+s3] =	stream.linear.scatter [tilespmem:s22], [sflag:$0x4], $0x80, $0x38;
	[tilespmem:$0x9D00] =	vst v63  }
0x37b: {  	s21 =	sadd.s32 $0x60, s16;
	s22 =	simm.s32 $0x97B0  }
0x37c: {  	[hbm4b:s21+s3] =	stream.linear.scatter [tilespmem:s22], [sflag:$0x4], $0x80, $0x38;
	[tilespmem:$0x9D00] =	vst v63  }
0x37d: {  	s16 =	sadd.s32 $0x70, s16  }
0x37e: {  	[hbm4b:s16+s3] =	stream.linear.scatter [tilespmem:s23], [sflag:$0x4], $0x80, $0x38;
	[tilespmem:$0x9D00] =	vst v63  }
0x37f: {  	s15 =	sadd.s32 s15, s13  }
0x380: {  	[hbm4b:s15+s3] =	stream.linear.scatter [tilespmem:s24], [sflag:$0x4], $0x80, $0x38;
	[tilespmem:$0x9D00] =	vst v63  }
0x381: {  	s19 =	sadd.s32 $0x10, s15  }
0x382: {  	[hbm4b:s19+s3] =	stream.linear.scatter [tilespmem:s25], [sflag:$0x4], $0x80, $0x38;
	[tilespmem:$0x9D00] =	vst v63  }
0x383: {  	s21 =	sadd.s32 $0x20, s15  }
0x384: {  	[hbm4b:s21+s3] =	stream.linear.scatter [tilespmem:s26], [sflag:$0x4], $0x80, $0x38;
	[tilespmem:$0x9D00] =	vst v63  }
0x385: {  	s22 =	sadd.s32 $0x30, s15  }
0x386: {  	[hbm4b:s22+s3] =	stream.linear.scatter [tilespmem:s28], [sflag:$0x4], $0x80, $0x38;
	[tilespmem:$0x9D00] =	vst v63  }
0x387: {  	s14 =	sadd.s32 $0x1, s14;
	s19 =	sadd.s32 $0x40, s15  }
0x388: {  	[hbm4b:s19+s3] =	stream.linear.scatter [tilespmem:s29], [sflag:$0x4], $0x80, $0x38;
	[tilespmem:$0x9D00] =	vst v63  }
0x389: {  	p0 =	sne.s32 s14, $0x19;
	s21 =	sadd.s32 $0x50, s15  }
0x38a: {  	[hbm4b:s21+s3] =	stream.linear.scatter [tilespmem:s30], [sflag:$0x4], $0x80, $0x38;
	[tilespmem:$0x9D00] =	vst v63  }
.Ltmp2:
0x38b: {  	_ = 	snop;
	(pc) =	sbr.rel @p0 .LBB2_2-.Ltmp2, $4  }
0x38c: {  	s22 =	sadd.s32 $0x60, s15  }
0x38d: {  	[hbm4b:s22+s3] =	stream.linear.scatter [tilespmem:s31], [sflag:$0x4], $0x80, $0x38;
	[tilespmem:$0x9D00] =	vst v63  }
0x38e: {  	s15 =	sadd.s32 $0x70, s15  }
0x38f: {  	[hbm4b:s15+s3] =	stream.linear.scatter [tilespmem:s1], [sflag:$0x4], $0x80, $0x38;
	[tilespmem:$0x9D00] =	vst v63  }
0x390: {  	s14 =	simm.s32 $0x3  }
0x391: {  	_ =	swait.ge [sflag:s14], $0x400  }
0x392: {  	[sflag:s14] =	ssyncset.done $0x0  }
0x393: {  	[sflag:s14] =	ssyncadd.s32 $0xFFFFFC00  }
0x394: {  	_ =	swait.ge [sflag:s14], $0x400  }
0x395: {  	[sflag:s14] =	ssyncset.done $0x0  }
0x396: {  	[sflag:s14] =	ssyncadd.s32 $0xFFFFFC00  }
0x397: {  	_ =	swait.ge [sflag:s14], $0x400  }
0x398: {  	[sflag:s14] =	ssyncset.done $0x0  }
0x399: {  	[sflag:s14] =	ssyncadd.s32 $0xFFFFFC00  }
0x39a: {  	_ =	swait.ge [sflag:s14], $0x400  }
0x39b: {  	[sflag:s14] =	ssyncset.done $0x0  }
0x39c: {  	[sflag:s14] =	ssyncadd.s32 $0xFFFFFC00  }
0x39d: {  	_ =	swait.ge [sflag:s14], $0x400  }
0x39e: {  	[sflag:s14] =	ssyncset.done $0x0  }
0x39f: {  	[sflag:s14] =	ssyncadd.s32 $0xFFFFFC00  }
0x3a0: {  	_ =	swait.ge [sflag:s14], $0x400  }
0x3a1: {  	[sflag:s14] =	ssyncset.done $0x0  }
0x3a2: {  	[sflag:s14] =	ssyncadd.s32 $0xFFFFFC00  }
0x3a3: {  	_ =	swait.ge [sflag:s14], $0x400  }
0x3a4: {  	[sflag:s14] =	ssyncset.done $0x0  }
0x3a5: {  	[sflag:s14] =	ssyncadd.s32 $0xFFFFFC00  }
0x3a6: {  	_ =	swait.ge [sflag:s14], $0x400  }
0x3a7: {  	[sflag:s14] =	ssyncset.done $0x0  }
0x3a8: {  	[sflag:s14] =	ssyncadd.s32 $0xFFFFFC00  }
0x3a9: {  	_ =	swait.ge [sflag:s0], $0x400  }
0x3aa: {  	[sflag:s0] =	ssyncset.done $0x0  }
0x3ab: {  	[sflag:s0] =	ssyncadd.s32 $0xFFFFFC00  }
0x3ac: {  	_ =	swait.ge [sflag:s0], $0x400  }
0x3ad: {  	[sflag:s0] =	ssyncset.done $0x0  }
0x3ae: {  	[sflag:s0] =	ssyncadd.s32 $0xFFFFFC00  }
0x3af: {  	_ =	swait.ge [sflag:s0], $0x400  }
0x3b0: {  	[sflag:s0] =	ssyncset.done $0x0  }
0x3b1: {  	[sflag:s0] =	ssyncadd.s32 $0xFFFFFC00  }
0x3b2: {  	_ =	swait.ge [sflag:s0], $0x400  }
0x3b3: {  	[sflag:s0] =	ssyncset.done $0x0  }
0x3b4: {  	[sflag:s0] =	ssyncadd.s32 $0xFFFFFC00  }
0x3b5: {  	_ =	swait.ge [sflag:s0], $0x400  }
0x3b6: {  	[sflag:s0] =	ssyncset.done $0x0  }
0x3b7: {  	[sflag:s0] =	ssyncadd.s32 $0xFFFFFC00  }
0x3b8: {  	_ =	swait.ge [sflag:s0], $0x400  }
0x3b9: {  	[sflag:s0] =	ssyncset.done $0x0  }
0x3ba: {  	[sflag:s0] =	ssyncadd.s32 $0xFFFFFC00  }
0x3bb: {  	_ =	swait.ge [sflag:s0], $0x400  }
0x3bc: {  	[sflag:s0] =	ssyncset.done $0x0  }
0x3bd: {  	[sflag:s0] =	ssyncadd.s32 $0xFFFFFC00  }
0x3be: {  	_ =	swait.ge [sflag:s0], $0x400  }
0x3bf: {  	s15 =	rddreg [dreg:$0x5]  }
0x3c0: {  	s22 =	rddreg [dreg:$0x4];
	s15 =	sadd.s32 $0x1, s15  }
0x3c1: {  	p0 =	sne.s32 s15, s22  }
.Ltmp3:
0x3c2: {  	_ = 	snop;
	(pc) =	sbr.rel @p0 .LBB2_1-.Ltmp3, $3  }
0x3c3: {  	_ =	sdelay $0x1  }
0x3c4: {  	[sflag:s0] =	ssyncset.done $0x0  }
0x3c5: {  	[sflag:s0] =	ssyncadd.s32 $0xFFFFFC00  }
0x3c6: {  	_ =	sfence.sel $0x180000  }
0x3c7: {  	[bflag:$0x0] =	sbarrier.arrive $0xFFFF  }
0x3c8: {  	_ =	strace $0x90000047  }
0x3c9: {  	s0 =	stileid.u32;
	[bflag:$0x2] =	sbarrier.arrive $0xFFFF  }
0x3ca: {  	p0 =	sne.s32 s0, $0x0;
	s0 =	rddreg [dreg:$0x2]  }
0x3cb: {  	s0 =	sadd.s32 @!p0 $0x100000, s0  }
0x3cc: {  	[sflag:s0] =	ssyncadd.tile.s32 @!p0 $0x1;
	_ =	shalt  }
.Lfunc_end2:
_tile_overlayer_lowered:
.L_overlay_start_2:
0x3cd: {  	(tag) =	ssettag $0x2  }
0x3ce: {  	s0 =	rddreg [dreg:$0x0];
	s2 =	stileid.u32  }
0x3cf: {  	s1 =	rddreg [dreg:$0x1];
	p0 =	sne.s32 s2, $0x0  }
0x3d0: {  	s3 =	rddreg [dreg:$0x2];
	[bflag:$0x3] =	sbarrier.arrive $0xFFFF;
	s2 =	simm.s32 @!p0 $0x1C05  }
0x3d1: {  	[timem:s3], [sflag:s2] =	dma.local @!p0 [hbm:s0], s1  }
0x3d2: {  	s0 =	simm.s32 @!p0 $0x5  }
0x3d3: {  	_ =	swait.ge @!p0 [sflag:s0], s1  }
0x3d4: {  	s1 =	ssub.s32 @!p0 $0x0, s1;
	[sflag:s0] =	ssyncset.done @!p0 $0x0  }
0x3d5: {  	[sflag:s0] =	ssyncadd.s32 @!p0 s1  }
0x3d6: {  	[bflag:$0x3] =	sbarrier.arrive $0xFFFF  }
0x3d7: {  	_ =	shalt  }

</sc_bundles>
